<compile_context>
chip_gen: v7x
topology: tpu7x:2x2x1
jax: 0.10.2.dev20260603
libtpu: 0.0.44.dev20260713+nightly
codegen_flags: <defaults>
</compile_context>

<pallas_src>
import functools

import jax
import jax.numpy as jnp
from jax import lax
from jax.experimental import pallas as pl
from jax.experimental.pallas import tpu as pltpu
from jax.experimental.pallas import tpu_sc as plsc

N_NODES = 10000
D_IN = 256
D_OUT = 256
N_TILES = 16
CHUNK = 128
ROWS_PER_TILE = 624
TAIL_ROWS = N_NODES - N_TILES * ROWS_PER_TILE
WPR = D_OUT // 2


def _mm_body(x_ref, w_ref, o_ref):
    o_ref[...] = lax.dot_general(
        x_ref[...], w_ref[...],
        dimension_numbers=(((1,), (1,)), ((), ())),
        preferred_element_type=jnp.float32,
    ).astype(jnp.bfloat16)


def _matmul(x, W):
    n = x.shape[0]
    blk = 400
    return pl.pallas_call(
        _mm_body,
        grid=(n // blk,),
        in_specs=[
            pl.BlockSpec((blk, D_IN), lambda i: (i, 0)),
            pl.BlockSpec((D_OUT, D_IN), lambda i: (0, 0)),
        ],
        out_specs=pl.BlockSpec((blk, D_OUT), lambda i: (i, 0)),
        out_shape=jax.ShapeDtypeStruct((n, D_OUT), jnp.bfloat16),
    )(x, W)


def _merge_body(a_ref, b_ref, o_ref):
    o_ref[...] = jnp.maximum(
        a_ref[0].astype(jnp.float32) + b_ref[0].astype(jnp.float32), 0.0)


def _merge_relu(acc2):
    n = acc2.shape[1]
    blk = 400
    return pl.pallas_call(
        _merge_body,
        grid=(n // blk,),
        in_specs=[
            pl.BlockSpec((1, blk, D_OUT), lambda i: (0, i, 0)),
            pl.BlockSpec((1, blk, D_OUT), lambda i: (1, i, 0)),
        ],
        out_specs=pl.BlockSpec((blk, D_OUT), lambda i: (i, 0)),
        out_shape=jax.ShapeDtypeStruct((n, D_OUT), jnp.float32),
    )(acc2, acc2)


def _sc_aggregate(h2, edge_index, adj_values, zrows, ept):
    mesh = plsc.VectorSubcoreMesh(core_axis_name="c", subcore_axis_name="s")
    nch = -(-ept // CHUNK)
    cap = nch * CHUNK
    ntail = -(-(cap - ept) // 16)

    @functools.partial(
        pl.kernel,
        mesh=mesh,
        compiler_params=pltpu.CompilerParams(
            needs_layout_passes=False, use_tc_tiling_on_sc=False),
        out_type=jax.ShapeDtypeStruct((2, N_NODES, D_OUT), jnp.bfloat16),
        scratch_types=[
            pltpu.VMEM((cap + 16,), jnp.int32),
            pltpu.VMEM((cap + 16,), jnp.int32),
            pltpu.VMEM((cap + 16,), jnp.float32),
            pltpu.VMEM((CHUNK, D_OUT), jnp.bfloat16),
            pltpu.VMEM((CHUNK, D_OUT), jnp.bfloat16),
            pltpu.VMEM_SHARED((N_NODES, D_OUT), jnp.bfloat16),
            pltpu.SemaphoreType.DMA,
        ],
    )
    def body(h_ref, ei_ref, val_ref, z_ref, out_ref,
             src_v, dst_v, val_v, gb, sb, acc_s, sem):
        c = lax.axis_index("c")
        s = lax.axis_index("s")

        off = (c * N_TILES + s) * ept
        pltpu.sync_copy(ei_ref.at[1, pl.ds(off, ept)], src_v.at[pl.ds(0, ept)])
        pltpu.sync_copy(ei_ref.at[0, pl.ds(off, ept)], dst_v.at[pl.ds(0, ept)])
        pltpu.sync_copy(val_ref.at[pl.ds(off, ept)], val_v.at[pl.ds(0, ept)])
        zi = jnp.zeros((16,), jnp.int32)
        zf = jnp.zeros((16,), jnp.float32)
        for k in range(ntail):
            src_v[pl.ds(ept + k * 16, 16)] = zi
            dst_v[pl.ds(ept + k * 16, 16)] = zi
            val_v[pl.ds(ept + k * 16, 16)] = zf

        pltpu.sync_copy(z_ref, acc_s.at[pl.ds(s * ROWS_PER_TILE, ROWS_PER_TILE)])

        @pl.when(s == 0)
        def _():
            pltpu.sync_copy(
                z_ref.at[pl.ds(0, TAIL_ROWS)],
                acc_s.at[pl.ds(N_TILES * ROWS_PER_TILE, TAIL_ROWS)],
            )

        plsc.subcore_barrier()

        def scale(j):
            @plsc.parallel_loop(0, CHUNK // 16)
            def blk_body(b):
                vblk = val_v[pl.ds(j * CHUNK + b * 16, 16)]
                for k in range(16):
                    spl = jnp.full((16,), vblk[k], jnp.float32)
                    scal = plsc.pack(
                        spl, spl, format=plsc.PackFormat.INTERLEAVED)
                    e = b * 16 + k
                    for t in range(D_OUT // 32):
                        col = pl.ds(t * 32, 32)
                        sb[e, col] = gb[e, col] * scal

        def chunk_body(j, carry):
            sl_c = pl.ds(j * CHUNK, CHUNK)
            pltpu.async_copy(h_ref.at[src_v.at[sl_c]], gb, sem).wait()
            scale(j)
            pltpu.sync_copy(sb, acc_s.at[dst_v.at[sl_c]], add=True)
            return carry

        lax.fori_loop(0, nch, chunk_body, 0)
        plsc.subcore_barrier()

        pltpu.sync_copy(
            acc_s.at[pl.ds(s * ROWS_PER_TILE, ROWS_PER_TILE)],
            out_ref.at[c, pl.ds(s * ROWS_PER_TILE, ROWS_PER_TILE)])

        @pl.when(s == 0)
        def _():
            pltpu.sync_copy(
                acc_s.at[pl.ds(N_TILES * ROWS_PER_TILE, TAIL_ROWS)],
                out_ref.at[c, pl.ds(N_TILES * ROWS_PER_TILE, TAIL_ROWS)])

    return body(h2, edge_index, adj_values, zrows)


def kernel(x, W, adj_values, edge_index):
    n, e = x.shape[0], adj_values.shape[0]
    ept = e // (2 * N_TILES)

    h2 = _matmul(x, W)
    zrows = jnp.zeros((ROWS_PER_TILE, D_OUT), jnp.bfloat16)

    acc2 = _sc_aggregate(h2, edge_index, adj_values, zrows, ept)
    return _merge_relu(acc2)

# --- scband reference (transcript-rebuilt; emitter-appended) ---
"""Pipeline reference for scband-graph-convolution-62062277427481 (READ-ONLY COPY).

The authoritative reference and input builder live on the scoring server;
editing this copy changes nothing except your own understanding.
"""

import jax, jax.numpy as jnp
import numpy as np

N_NODES = 10000
N_EDGES = 160000
D_IN = 256
D_OUT = 256


def setup_inputs(seed: int = 0) -> dict:
    key = jax.random.key(seed)
    k1, k2, k3, k4 = jax.random.split(key, 4)
    x = jax.random.normal(k1, (N_NODES, D_IN), dtype=jnp.float32)
    edge_index = jax.random.randint(k2, (2, N_EDGES), 0, N_NODES, dtype=jnp.int32)
    adj_values = jax.random.uniform(k3, (N_EDGES,), dtype=jnp.float32)
    # weight_variable_glorot(input_dim, output_dim) -> [D_IN, D_OUT]; fc1.weight = W.t() -> [D_OUT, D_IN]
    limit = np.sqrt(6.0 / (D_IN + D_OUT))
    W = jax.random.uniform(k4, (D_OUT, D_IN), minval=-limit, maxval=limit, dtype=jnp.float32)
    return {"x": x, "W": W, "adj_values": adj_values, "edge_index": edge_index}


def reference(x, W, adj_values, edge_index):
    # dropout with p=0.0 is identity
    h = x @ W.T                                   # fc1 (no bias)
    # torch.sparse.mm(adj, h): out[row] += val * h[col]
    src = edge_index[1]
    dst = edge_index[0]
    msg = adj_values[:, None] * jnp.take(h, src, axis=0)   # gather
    out = jax.ops.segment_sum(msg, dst, num_segments=x.shape[0])  # scatter-add
    return jax.nn.relu(out)

if __name__ == "__main__":
    import jax
    _d = setup_inputs()
    print(jax.jit(kernel)(*tuple(_d.values())))

</pallas_src>

<mosaic_0001>
#map = affine_map<(d0, d1) -> (0, 0)>
#map1 = affine_map<(d0, d1) -> (0)>
#map2 = affine_map<(d0, d1) -> (0, 0, 0)>
module attributes {stable_mosaic.version = 14 : i64} {
  func.func @body(%arg0: i32, %arg1: i32, %arg2: memref<10000x256xbf16, #tpu.memory_space<hbm>>, %arg3: memref<2x160000xi32, #tpu.memory_space<hbm>>, %arg4: memref<160000xf32, #tpu.memory_space<hbm>>, %arg5: memref<624x256xbf16, #tpu.memory_space<hbm>>, %arg6: memref<2x10000x256xbf16, #tpu.memory_space<hbm>>, %arg7: memref<5136xi32, #tpu.memory_space<vmem>>, %arg8: memref<5136xi32, #tpu.memory_space<vmem>>, %arg9: memref<5136xf32, #tpu.memory_space<vmem>>, %arg10: memref<128x256xbf16, #tpu.memory_space<vmem>>, %arg11: memref<128x256xbf16, #tpu.memory_space<vmem>>, %arg12: memref<10000x256xbf16, #tpu.memory_space<vmem_shared>>, %arg13: memref<!tpu.dma_semaphore, #tpu.memory_space<semaphore_mem>>) attributes {dimension_semantics = [#tpu.dimension_semantics<core_parallel>, #tpu.dimension_semantics<subcore_parallel>], iteration_bounds = array<i64: 2, 16>, scalar_prefetch = 0 : i64, scratch_operands = 7 : i64, tpu.core_type = #tpu.core_type<sc_vector_subcore>, window_params = [{transform_indices = #map}, {transform_indices = #map}, {transform_indices = #map1}, {transform_indices = #map}, {transform_indices = #map2}]} {
    %mul3A = arith.constant 16 : i32
    %mul3A_0 = arith.muli %arg0, %mul3A : i32
    %add3A = arith.addi %mul3A_0, %arg1 : i32
    %mul3A_1 = arith.constant 5000 : i32
    %mul3A_2 = arith.muli %add3A, %mul3A_1 : i32
    %run_scoped3A = arith.constant 1 : i32
    "tpu.region"() ({
      %run_scoped3A_73 = tpu.sem_alloc : memref<!tpu.dma_semaphore, #tpu.memory_space<semaphore_mem>>
      %dma_start3A = arith.constant 0 : i32
      %dma_start3A_74 = tpu.memref_slice %arg7[%dma_start3A] : memref<5136xi32, #tpu.memory_space<vmem>> -> memref<5000xi32, #tpu.memory_space<vmem>>
      %dma_start3A_75 = tpu.memref_slice %arg3[%run_scoped3A, %mul3A_2] : memref<2x160000xi32, #tpu.memory_space<hbm>> -> memref<1x5000xi32, #tpu.memory_space<hbm>>
      %dma_start3A_76 = tpu.memref_squeeze %dma_start3A_75 : memref<1x5000xi32, #tpu.memory_space<hbm>> -> memref<5000xi32, #tpu.memory_space<hbm>>
      %dma_start3A_77 = arith.constant 0 : i32
      %dma_start3A_78 = tpu.memref_slice %arg7[%dma_start3A_77] : memref<5136xi32, #tpu.memory_space<vmem>> -> memref<5000xi32, #tpu.memory_space<vmem>>
      %dma_start3A_79 = tpu.memref_slice %arg3[%run_scoped3A, %mul3A_2] : memref<2x160000xi32, #tpu.memory_space<hbm>> -> memref<1x5000xi32, #tpu.memory_space<hbm>>
      %dma_start3A_80 = tpu.memref_squeeze %dma_start3A_79 : memref<1x5000xi32, #tpu.memory_space<hbm>> -> memref<5000xi32, #tpu.memory_space<hbm>>
      tpu.enqueue_dma source(%dma_start3A_80 : memref<5000xi32, #tpu.memory_space<hbm>>) target(%dma_start3A_78 : memref<5000xi32, #tpu.memory_space<vmem>>) target_semaphore(%run_scoped3A_73 : memref<!tpu.dma_semaphore, #tpu.memory_space<semaphore_mem>>)
      %dma_wait3A = arith.constant 0 : i32
      %dma_wait3A_81 = tpu.memref_slice %arg7[%dma_wait3A] : memref<5136xi32, #tpu.memory_space<vmem>> -> memref<5000xi32, #tpu.memory_space<vmem>>
      %dma_wait3A_82 = tpu.memref_slice %arg3[%run_scoped3A, %mul3A_2] : memref<2x160000xi32, #tpu.memory_space<hbm>> -> memref<1x5000xi32, #tpu.memory_space<hbm>>
      %dma_wait3A_83 = tpu.memref_squeeze %dma_wait3A_82 : memref<1x5000xi32, #tpu.memory_space<hbm>> -> memref<5000xi32, #tpu.memory_space<hbm>>
      %dma_wait3A_84 = arith.constant 0 : i32
      %dma_wait3A_85 = tpu.memref_slice %arg7[%dma_wait3A_84] : memref<5136xi32, #tpu.memory_space<vmem>> -> memref<5000xi32, #tpu.memory_space<vmem>>
      %dma_wait3A_86 = tpu.memref_slice %arg3[%run_scoped3A, %mul3A_2] : memref<2x160000xi32, #tpu.memory_space<hbm>> -> memref<1x5000xi32, #tpu.memory_space<hbm>>
      %dma_wait3A_87 = tpu.memref_squeeze %dma_wait3A_86 : memref<1x5000xi32, #tpu.memory_space<hbm>> -> memref<5000xi32, #tpu.memory_space<hbm>>
      tpu.wait_dma2 semaphore(%run_scoped3A_73 : memref<!tpu.dma_semaphore, #tpu.memory_space<semaphore_mem>>) src(%dma_wait3A_87 : memref<5000xi32, #tpu.memory_space<hbm>>) dst(%dma_wait3A_85 : memref<5000xi32, #tpu.memory_space<vmem>>)
      tpu.yield
    }) : () -> ()
    %run_scoped3A_3 = arith.constant 0 : i32
    "tpu.region"() ({
      %run_scoped3A_73 = tpu.sem_alloc : memref<!tpu.dma_semaphore, #tpu.memory_space<semaphore_mem>>
      %dma_start3A = arith.constant 0 : i32
      %dma_start3A_74 = tpu.memref_slice %arg8[%dma_start3A] : memref<5136xi32, #tpu.memory_space<vmem>> -> memref<5000xi32, #tpu.memory_space<vmem>>
      %dma_start3A_75 = tpu.memref_slice %arg3[%run_scoped3A_3, %mul3A_2] : memref<2x160000xi32, #tpu.memory_space<hbm>> -> memref<1x5000xi32, #tpu.memory_space<hbm>>
      %dma_start3A_76 = tpu.memref_squeeze %dma_start3A_75 : memref<1x5000xi32, #tpu.memory_space<hbm>> -> memref<5000xi32, #tpu.memory_space<hbm>>
      %dma_start3A_77 = arith.constant 0 : i32
      %dma_start3A_78 = tpu.memref_slice %arg8[%dma_start3A_77] : memref<5136xi32, #tpu.memory_space<vmem>> -> memref<5000xi32, #tpu.memory_space<vmem>>
      %dma_start3A_79 = tpu.memref_slice %arg3[%run_scoped3A_3, %mul3A_2] : memref<2x160000xi32, #tpu.memory_space<hbm>> -> memref<1x5000xi32, #tpu.memory_space<hbm>>
      %dma_start3A_80 = tpu.memref_squeeze %dma_start3A_79 : memref<1x5000xi32, #tpu.memory_space<hbm>> -> memref<5000xi32, #tpu.memory_space<hbm>>
      tpu.enqueue_dma source(%dma_start3A_80 : memref<5000xi32, #tpu.memory_space<hbm>>) target(%dma_start3A_78 : memref<5000xi32, #tpu.memory_space<vmem>>) target_semaphore(%run_scoped3A_73 : memref<!tpu.dma_semaphore, #tpu.memory_space<semaphore_mem>>)
      %dma_wait3A = arith.constant 0 : i32
      %dma_wait3A_81 = tpu.memref_slice %arg8[%dma_wait3A] : memref<5136xi32, #tpu.memory_space<vmem>> -> memref<5000xi32, #tpu.memory_space<vmem>>
      %dma_wait3A_82 = tpu.memref_slice %arg3[%run_scoped3A_3, %mul3A_2] : memref<2x160000xi32, #tpu.memory_space<hbm>> -> memref<1x5000xi32, #tpu.memory_space<hbm>>
      %dma_wait3A_83 = tpu.memref_squeeze %dma_wait3A_82 : memref<1x5000xi32, #tpu.memory_space<hbm>> -> memref<5000xi32, #tpu.memory_space<hbm>>
      %dma_wait3A_84 = arith.constant 0 : i32
      %dma_wait3A_85 = tpu.memref_slice %arg8[%dma_wait3A_84] : memref<5136xi32, #tpu.memory_space<vmem>> -> memref<5000xi32, #tpu.memory_space<vmem>>
      %dma_wait3A_86 = tpu.memref_slice %arg3[%run_scoped3A_3, %mul3A_2] : memref<2x160000xi32, #tpu.memory_space<hbm>> -> memref<1x5000xi32, #tpu.memory_space<hbm>>
      %dma_wait3A_87 = tpu.memref_squeeze %dma_wait3A_86 : memref<1x5000xi32, #tpu.memory_space<hbm>> -> memref<5000xi32, #tpu.memory_space<hbm>>
      tpu.wait_dma2 semaphore(%run_scoped3A_73 : memref<!tpu.dma_semaphore, #tpu.memory_space<semaphore_mem>>) src(%dma_wait3A_87 : memref<5000xi32, #tpu.memory_space<hbm>>) dst(%dma_wait3A_85 : memref<5000xi32, #tpu.memory_space<vmem>>)
      tpu.yield
    }) : () -> ()
    "tpu.region"() ({
      %run_scoped3A_73 = tpu.sem_alloc : memref<!tpu.dma_semaphore, #tpu.memory_space<semaphore_mem>>
      %dma_start3A = arith.constant 0 : i32
      %dma_start3A_74 = tpu.memref_slice %arg9[%dma_start3A] : memref<5136xf32, #tpu.memory_space<vmem>> -> memref<5000xf32, #tpu.memory_space<vmem>>
      %dma_start3A_75 = tpu.memref_slice %arg4[%mul3A_2] : memref<160000xf32, #tpu.memory_space<hbm>> -> memref<5000xf32, #tpu.memory_space<hbm>>
      %dma_start3A_76 = arith.constant 0 : i32
      %dma_start3A_77 = tpu.memref_slice %arg9[%dma_start3A_76] : memref<5136xf32, #tpu.memory_space<vmem>> -> memref<5000xf32, #tpu.memory_space<vmem>>
      %dma_start3A_78 = tpu.memref_slice %arg4[%mul3A_2] : memref<160000xf32, #tpu.memory_space<hbm>> -> memref<5000xf32, #tpu.memory_space<hbm>>
      tpu.enqueue_dma source(%dma_start3A_78 : memref<5000xf32, #tpu.memory_space<hbm>>) target(%dma_start3A_77 : memref<5000xf32, #tpu.memory_space<vmem>>) target_semaphore(%run_scoped3A_73 : memref<!tpu.dma_semaphore, #tpu.memory_space<semaphore_mem>>)
      %dma_wait3A = arith.constant 0 : i32
      %dma_wait3A_79 = tpu.memref_slice %arg9[%dma_wait3A] : memref<5136xf32, #tpu.memory_space<vmem>> -> memref<5000xf32, #tpu.memory_space<vmem>>
      %dma_wait3A_80 = tpu.memref_slice %arg4[%mul3A_2] : memref<160000xf32, #tpu.memory_space<hbm>> -> memref<5000xf32, #tpu.memory_space<hbm>>
      %dma_wait3A_81 = arith.constant 0 : i32
      %dma_wait3A_82 = tpu.memref_slice %arg9[%dma_wait3A_81] : memref<5136xf32, #tpu.memory_space<vmem>> -> memref<5000xf32, #tpu.memory_space<vmem>>
      %dma_wait3A_83 = tpu.memref_slice %arg4[%mul3A_2] : memref<160000xf32, #tpu.memory_space<hbm>> -> memref<5000xf32, #tpu.memory_space<hbm>>
      tpu.wait_dma2 semaphore(%run_scoped3A_73 : memref<!tpu.dma_semaphore, #tpu.memory_space<semaphore_mem>>) src(%dma_wait3A_83 : memref<5000xf32, #tpu.memory_space<hbm>>) dst(%dma_wait3A_82 : memref<5000xf32, #tpu.memory_space<vmem>>)
      tpu.yield
    }) : () -> ()
    %broadcast_in_dim3A = arith.constant 0 : i32
    %broadcast_in_dim3A_4 = vector.broadcast %broadcast_in_dim3A : i32 to vector<16xi32>
    %broadcast_in_dim3A_5 = arith.constant 0.000000e+00 : f32
    %broadcast_in_dim3A_6 = vector.broadcast %broadcast_in_dim3A_5 : f32 to vector<16xf32>
    %swap3A = arith.constant 5000 : index
    %swap3A_7 = tpu.vector_load %arg7[%swap3A] {strides = array<i32>} : memref<5136xi32, #tpu.memory_space<vmem>>, vector<16xi32>,
    tpu.vector_store %arg7[%swap3A], %broadcast_in_dim3A_4 {strides = array<i32>} : memref<5136xi32, #tpu.memory_space<vmem>>, vector<16xi32>,
    %swap3A_8 = arith.constant 5000 : index
    %swap3A_9 = tpu.vector_load %arg8[%swap3A_8] {strides = array<i32>} : memref<5136xi32, #tpu.memory_space<vmem>>, vector<16xi32>,
    tpu.vector_store %arg8[%swap3A_8], %broadcast_in_dim3A_4 {strides = array<i32>} : memref<5136xi32, #tpu.memory_space<vmem>>, vector<16xi32>,
    %swap3A_10 = arith.constant 5000 : index
    %swap3A_11 = tpu.vector_load %arg9[%swap3A_10] {strides = array<i32>} : memref<5136xf32, #tpu.memory_space<vmem>>, vector<16xf32>,
    tpu.vector_store %arg9[%swap3A_10], %broadcast_in_dim3A_6 {strides = array<i32>} : memref<5136xf32, #tpu.memory_space<vmem>>, vector<16xf32>,
    %swap3A_12 = arith.constant 5016 : index
    %swap3A_13 = tpu.vector_load %arg7[%swap3A_12] {strides = array<i32>} : memref<5136xi32, #tpu.memory_space<vmem>>, vector<16xi32>,
    tpu.vector_store %arg7[%swap3A_12], %broadcast_in_dim3A_4 {strides = array<i32>} : memref<5136xi32, #tpu.memory_space<vmem>>, vector<16xi32>,
    %swap3A_14 = arith.constant 5016 : index
    %swap3A_15 = tpu.vector_load %arg8[%swap3A_14] {strides = array<i32>} : memref<5136xi32, #tpu.memory_space<vmem>>, vector<16xi32>,
    tpu.vector_store %arg8[%swap3A_14], %broadcast_in_dim3A_4 {strides = array<i32>} : memref<5136xi32, #tpu.memory_space<vmem>>, vector<16xi32>,
    %swap3A_16 = arith.constant 5016 : index
    %swap3A_17 = tpu.vector_load %arg9[%swap3A_16] {strides = array<i32>} : memref<5136xf32, #tpu.memory_space<vmem>>, vector<16xf32>,
    tpu.vector_store %arg9[%swap3A_16], %broadcast_in_dim3A_6 {strides = array<i32>} : memref<5136xf32, #tpu.memory_space<vmem>>, vector<16xf32>,
    %swap3A_18 = arith.constant 5032 : index
    %swap3A_19 = tpu.vector_load %arg7[%swap3A_18] {strides = array<i32>} : memref<5136xi32, #tpu.memory_space<vmem>>, vector<16xi32>,
    tpu.vector_store %arg7[%swap3A_18], %broadcast_in_dim3A_4 {strides = array<i32>} : memref<5136xi32, #tpu.memory_space<vmem>>, vector<16xi32>,
    %swap3A_20 = arith.constant 5032 : index
    %swap3A_21 = tpu.vector_load %arg8[%swap3A_20] {strides = array<i32>} : memref<5136xi32, #tpu.memory_space<vmem>>, vector<16xi32>,
    tpu.vector_store %arg8[%swap3A_20], %broadcast_in_dim3A_4 {strides = array<i32>} : memref<5136xi32, #tpu.memory_space<vmem>>, vector<16xi32>,
    %swap3A_22 = arith.constant 5032 : index
    %swap3A_23 = tpu.vector_load %arg9[%swap3A_22] {strides = array<i32>} : memref<5136xf32, #tpu.memory_space<vmem>>, vector<16xf32>,
    tpu.vector_store %arg9[%swap3A_22], %broadcast_in_dim3A_6 {strides = array<i32>} : memref<5136xf32, #tpu.memory_space<vmem>>, vector<16xf32>,
    %swap3A_24 = arith.constant 5048 : index
    %swap3A_25 = tpu.vector_load %arg7[%swap3A_24] {strides = array<i32>} : memref<5136xi32, #tpu.memory_space<vmem>>, vector<16xi32>,
    tpu.vector_store %arg7[%swap3A_24], %broadcast_in_dim3A_4 {strides = array<i32>} : memref<5136xi32, #tpu.memory_space<vmem>>, vector<16xi32>,
    %swap3A_26 = arith.constant 5048 : index
    %swap3A_27 = tpu.vector_load %arg8[%swap3A_26] {strides = array<i32>} : memref<5136xi32, #tpu.memory_space<vmem>>, vector<16xi32>,
    tpu.vector_store %arg8[%swap3A_26], %broadcast_in_dim3A_4 {strides = array<i32>} : memref<5136xi32, #tpu.memory_space<vmem>>, vector<16xi32>,
    %swap3A_28 = arith.constant 5048 : index
    %swap3A_29 = tpu.vector_load %arg9[%swap3A_28] {strides = array<i32>} : memref<5136xf32, #tpu.memory_space<vmem>>, vector<16xf32>,
    tpu.vector_store %arg9[%swap3A_28], %broadcast_in_dim3A_6 {strides = array<i32>} : memref<5136xf32, #tpu.memory_space<vmem>>, vector<16xf32>,
    %swap3A_30 = arith.constant 5064 : index
    %swap3A_31 = tpu.vector_load %arg7[%swap3A_30] {strides = array<i32>} : memref<5136xi32, #tpu.memory_space<vmem>>, vector<16xi32>,
    tpu.vector_store %arg7[%swap3A_30], %broadcast_in_dim3A_4 {strides = array<i32>} : memref<5136xi32, #tpu.memory_space<vmem>>, vector<16xi32>,
    %swap3A_32 = arith.constant 5064 : index
    %swap3A_33 = tpu.vector_load %arg8[%swap3A_32] {strides = array<i32>} : memref<5136xi32, #tpu.memory_space<vmem>>, vector<16xi32>,
    tpu.vector_store %arg8[%swap3A_32], %broadcast_in_dim3A_4 {strides = array<i32>} : memref<5136xi32, #tpu.memory_space<vmem>>, vector<16xi32>,
    %swap3A_34 = arith.constant 5064 : index
    %swap3A_35 = tpu.vector_load %arg9[%swap3A_34] {strides = array<i32>} : memref<5136xf32, #tpu.memory_space<vmem>>, vector<16xf32>,
    tpu.vector_store %arg9[%swap3A_34], %broadcast_in_dim3A_6 {strides = array<i32>} : memref<5136xf32, #tpu.memory_space<vmem>>, vector<16xf32>,
    %swap3A_36 = arith.constant 5080 : index
    %swap3A_37 = tpu.vector_load %arg7[%swap3A_36] {strides = array<i32>} : memref<5136xi32, #tpu.memory_space<vmem>>, vector<16xi32>,
    tpu.vector_store %arg7[%swap3A_36], %broadcast_in_dim3A_4 {strides = array<i32>} : memref<5136xi32, #tpu.memory_space<vmem>>, vector<16xi32>,
    %swap3A_38 = arith.constant 5080 : index
    %swap3A_39 = tpu.vector_load %arg8[%swap3A_38] {strides = array<i32>} : memref<5136xi32, #tpu.memory_space<vmem>>, vector<16xi32>,
    tpu.vector_store %arg8[%swap3A_38], %broadcast_in_dim3A_4 {strides = array<i32>} : memref<5136xi32, #tpu.memory_space<vmem>>, vector<16xi32>,
    %swap3A_40 = arith.constant 5080 : index
    %swap3A_41 = tpu.vector_load %arg9[%swap3A_40] {strides = array<i32>} : memref<5136xf32, #tpu.memory_space<vmem>>, vector<16xf32>,
    tpu.vector_store %arg9[%swap3A_40], %broadcast_in_dim3A_6 {strides = array<i32>} : memref<5136xf32, #tpu.memory_space<vmem>>, vector<16xf32>,
    %swap3A_42 = arith.constant 5096 : index
    %swap3A_43 = tpu.vector_load %arg7[%swap3A_42] {strides = array<i32>} : memref<5136xi32, #tpu.memory_space<vmem>>, vector<16xi32>,
    tpu.vector_store %arg7[%swap3A_42], %broadcast_in_dim3A_4 {strides = array<i32>} : memref<5136xi32, #tpu.memory_space<vmem>>, vector<16xi32>,
    %swap3A_44 = arith.constant 5096 : index
    %swap3A_45 = tpu.vector_load %arg8[%swap3A_44] {strides = array<i32>} : memref<5136xi32, #tpu.memory_space<vmem>>, vector<16xi32>,
    tpu.vector_store %arg8[%swap3A_44], %broadcast_in_dim3A_4 {strides = array<i32>} : memref<5136xi32, #tpu.memory_space<vmem>>, vector<16xi32>,
    %swap3A_46 = arith.constant 5096 : index
    %swap3A_47 = tpu.vector_load %arg9[%swap3A_46] {strides = array<i32>} : memref<5136xf32, #tpu.memory_space<vmem>>, vector<16xf32>,
    tpu.vector_store %arg9[%swap3A_46], %broadcast_in_dim3A_6 {strides = array<i32>} : memref<5136xf32, #tpu.memory_space<vmem>>, vector<16xf32>,
    %swap3A_48 = arith.constant 5112 : index
    %swap3A_49 = tpu.vector_load %arg7[%swap3A_48] {strides = array<i32>} : memref<5136xi32, #tpu.memory_space<vmem>>, vector<16xi32>,
    tpu.vector_store %arg7[%swap3A_48], %broadcast_in_dim3A_4 {strides = array<i32>} : memref<5136xi32, #tpu.memory_space<vmem>>, vector<16xi32>,
    %swap3A_50 = arith.constant 5112 : index
    %swap3A_51 = tpu.vector_load %arg8[%swap3A_50] {strides = array<i32>} : memref<5136xi32, #tpu.memory_space<vmem>>, vector<16xi32>,
    tpu.vector_store %arg8[%swap3A_50], %broadcast_in_dim3A_4 {strides = array<i32>} : memref<5136xi32, #tpu.memory_space<vmem>>, vector<16xi32>,
    %swap3A_52 = arith.constant 5112 : index
    %swap3A_53 = tpu.vector_load %arg9[%swap3A_52] {strides = array<i32>} : memref<5136xf32, #tpu.memory_space<vmem>>, vector<16xf32>,
    tpu.vector_store %arg9[%swap3A_52], %broadcast_in_dim3A_6 {strides = array<i32>} : memref<5136xf32, #tpu.memory_space<vmem>>, vector<16xf32>,
    %mul3A_54 = arith.constant 624 : i32
    %mul3A_55 = arith.muli %arg1, %mul3A_54 : i32
    "tpu.region"() ({
      %run_scoped3A_73 = tpu.sem_alloc : memref<!tpu.dma_semaphore, #tpu.memory_space<semaphore_mem>>
      %dma_start3A = arith.constant 0 : i32
      %dma_start3A_74 = tpu.memref_slice %arg12[%mul3A_55, %dma_start3A] : memref<10000x256xbf16, #tpu.memory_space<vmem_shared>> -> memref<624x256xbf16, #tpu.memory_space<vmem_shared>>
      tpu.enqueue_dma source(%arg5 : memref<624x256xbf16, #tpu.memory_space<hbm>>) target(%dma_start3A_74 : memref<624x256xbf16, #tpu.memory_space<vmem_shared>>) target_semaphore(%run_scoped3A_73 : memref<!tpu.dma_semaphore, #tpu.memory_space<semaphore_mem>>)
      %dma_wait3A = arith.constant 0 : i32
      %dma_wait3A_75 = tpu.memref_slice %arg12[%mul3A_55, %dma_wait3A] : memref<10000x256xbf16, #tpu.memory_space<vmem_shared>> -> memref<624x256xbf16, #tpu.memory_space<vmem_shared>>
      tpu.wait_dma2 semaphore(%run_scoped3A_73 : memref<!tpu.dma_semaphore, #tpu.memory_space<semaphore_mem>>) src(%arg5 : memref<624x256xbf16, #tpu.memory_space<hbm>>) dst(%dma_wait3A_75 : memref<624x256xbf16, #tpu.memory_space<vmem_shared>>)
      tpu.yield
    }) : () -> ()
    %eq3A = arith.constant 0 : i32
    %eq3A_56 = arith.cmpi eq, %arg1, %eq3A : i32
    %convert_element_type3A = arith.extui %eq3A_56 : i1 to i32
    %cond3A = arith.constant 0 : i32
    %cond3A_57 = arith.cmpi ne, %convert_element_type3A, %cond3A : i32
    scf.if %cond3A_57 {
      "tpu.region"() ({
        %run_scoped3A_73 = tpu.sem_alloc : memref<!tpu.dma_semaphore, #tpu.memory_space<semaphore_mem>>
        %dma_start3A = arith.constant 9984 : i32
        %dma_start3A_74 = arith.constant 0 : i32
        %dma_start3A_75 = tpu.memref_slice %arg12[%dma_start3A, %dma_start3A_74] : memref<10000x256xbf16, #tpu.memory_space<vmem_shared>> -> memref<16x256xbf16, #tpu.memory_space<vmem_shared>>
        %dma_start3A_76 = arith.constant 0 : i32
        %dma_start3A_77 = arith.constant 0 : i32
        %dma_start3A_78 = tpu.memref_slice %arg5[%dma_start3A_76, %dma_start3A_77] : memref<624x256xbf16, #tpu.memory_space<hbm>> -> memref<16x256xbf16, #tpu.memory_space<hbm>>
        tpu.enqueue_dma source(%dma_start3A_78 : memref<16x256xbf16, #tpu.memory_space<hbm>>) target(%dma_start3A_75 : memref<16x256xbf16, #tpu.memory_space<vmem_shared>>) target_semaphore(%run_scoped3A_73 : memref<!tpu.dma_semaphore, #tpu.memory_space<semaphore_mem>>)
        %dma_wait3A = arith.constant 9984 : i32
        %dma_wait3A_79 = arith.constant 0 : i32
        %dma_wait3A_80 = tpu.memref_slice %arg12[%dma_wait3A, %dma_wait3A_79] : memref<10000x256xbf16, #tpu.memory_space<vmem_shared>> -> memref<16x256xbf16, #tpu.memory_space<vmem_shared>>
        %dma_wait3A_81 = arith.constant 0 : i32
        %dma_wait3A_82 = arith.constant 0 : i32
        %dma_wait3A_83 = tpu.memref_slice %arg5[%dma_wait3A_81, %dma_wait3A_82] : memref<624x256xbf16, #tpu.memory_space<hbm>> -> memref<16x256xbf16, #tpu.memory_space<hbm>>
        tpu.wait_dma2 semaphore(%run_scoped3A_73 : memref<!tpu.dma_semaphore, #tpu.memory_space<semaphore_mem>>) src(%dma_wait3A_83 : memref<16x256xbf16, #tpu.memory_space<hbm>>) dst(%dma_wait3A_80 : memref<16x256xbf16, #tpu.memory_space<vmem_shared>>)
        tpu.yield
      }) : () -> ()
    } else {
    }
    %barrier3A = arith.constant 0 : index
    tpu.barrier barrier_id(%barrier3A)
    %scan3A = arith.constant 0 : i32
    %scan3A_58 = arith.constant 0 : i32
    %scan3A_59 = arith.constant 40 : i32
    %scan3A_60 = arith.addi %scan3A_58, %scan3A_59 : i32
    %scan3A_61 = arith.constant 1 : i32
    scf.for %scan3A_73 = %scan3A_58 to %scan3A_60 step %scan3A_61  : i32 {
      %mul3A_74 = arith.constant 128 : i32
      %mul3A_75 = arith.muli %scan3A_73, %mul3A_74 : i32
      %dma_start3A = tpu.memref_slice %arg7[%mul3A_75] : memref<5136xi32, #tpu.memory_space<vmem>> -> memref<128xi32, #tpu.memory_space<vmem>>
      %dma_start3A_76 = arith.constant 0 : i32
      %dma_start3A_77 = arith.constant 0 : i32
      %dma_start3A_78 = tpu.memref_slice %arg2[%dma_start3A_76, %dma_start3A_77] : memref<10000x256xbf16, #tpu.memory_space<hbm>> -> memref<10000x256xbf16, #tpu.memory_space<hbm>>
      tpu.enqueue_indirect_dma source(%dma_start3A_78 : memref<10000x256xbf16, #tpu.memory_space<hbm>>) target(%arg10 : memref<128x256xbf16, #tpu.memory_space<vmem>>) offsets(%dma_start3A : memref<128xi32, #tpu.memory_space<vmem>>) semaphore(%arg13 : memref<!tpu.dma_semaphore, #tpu.memory_space<semaphore_mem>>)
      %dma_wait3A = tpu.memref_slice %arg7[%mul3A_75] : memref<5136xi32, #tpu.memory_space<vmem>> -> memref<128xi32, #tpu.memory_space<vmem>>
      %dma_wait3A_79 = arith.constant 0 : i32
      %dma_wait3A_80 = arith.constant 0 : i32
      %dma_wait3A_81 = tpu.memref_slice %arg2[%dma_wait3A_79, %dma_wait3A_80] : memref<10000x256xbf16, #tpu.memory_space<hbm>> -> memref<10000x256xbf16, #tpu.memory_space<hbm>>
      tpu.wait_indirect_dma semaphore(%arg13 : memref<!tpu.dma_semaphore, #tpu.memory_space<semaphore_mem>>) src(%dma_wait3A_81 : memref<10000x256xbf16, #tpu.memory_space<hbm>>) dst(%arg10 : memref<128x256xbf16, #tpu.memory_space<vmem>>)
      %parallel_loop3A = arith.constant 0 : i32
      %parallel_loop3A_82 = arith.constant 8 : i32
      %parallel_loop3A_83 = arith.constant 1 : i32
      scf.for %parallel_loop3A_84 = %parallel_loop3A to %parallel_loop3A_82 step %parallel_loop3A_83  : i32 {
        %parallel_loop3A_85 = arith.constant 128 : i32
        %parallel_loop3A_86 = arith.muli %scan3A_73, %parallel_loop3A_85 : i32
        %parallel_loop3A_87 = arith.constant 16 : i32
        %parallel_loop3A_88 = arith.muli %parallel_loop3A_84, %parallel_loop3A_87 : i32
        %parallel_loop3A_89 = arith.addi %parallel_loop3A_86, %parallel_loop3A_88 : i32
        %parallel_loop3A_90 = arith.index_cast %parallel_loop3A_89 : i32 to index
        %parallel_loop3A_91 = tpu.vector_load %arg9[%parallel_loop3A_90] {strides = array<i32>} : memref<5136xf32, #tpu.memory_space<vmem>>, vector<16xf32>,
        %parallel_loop3A_92 = vector.extract_strided_slice %parallel_loop3A_91 {offsets = [0], sizes = [1], strides = [1]} : vector<16xf32> to vector<1xf32>
        %parallel_loop3A_93 = vector.extract %parallel_loop3A_92[0] : f32 from vector<1xf32>
        %parallel_loop3A_94 = vector.broadcast %parallel_loop3A_93 : f32 to vector<16xf32>
        %parallel_loop3A_95 = tpu.pack_subelements %parallel_loop3A_94, %parallel_loop3A_94 {pack_format = #tpu.pack_format<interleaved>, positions = array<i32: 0, 1>} : vector<16xf32>, vector<16xf32> -> vector<32xbf16>
        %parallel_loop3A_96 = arith.constant 16 : i32
        %parallel_loop3A_97 = arith.muli %parallel_loop3A_84, %parallel_loop3A_96 : i32
        %parallel_loop3A_98 = arith.constant 0 : i32
        %parallel_loop3A_99 = arith.addi %parallel_loop3A_97, %parallel_loop3A_98 : i32
        %parallel_loop3A_100 = arith.index_cast %parallel_loop3A_99 : i32 to index
        %parallel_loop3A_101 = arith.constant 0 : index
        %parallel_loop3A_102 = tpu.vector_load %arg10[%parallel_loop3A_100, %parallel_loop3A_101] {strides = array<i32>} : memref<128x256xbf16, #tpu.memory_space<vmem>>, vector<32xbf16>,
        %parallel_loop3A_103 = arith.mulf %parallel_loop3A_102, %parallel_loop3A_95 : vector<32xbf16>
        %parallel_loop3A_104 = arith.index_cast %parallel_loop3A_99 : i32 to index
        %parallel_loop3A_105 = arith.constant 0 : index
        %parallel_loop3A_106 = tpu.vector_load %arg11[%parallel_loop3A_104, %parallel_loop3A_105] {strides = array<i32>} : memref<128x256xbf16, #tpu.memory_space<vmem>>, vector<32xbf16>,
        tpu.vector_store %arg11[%parallel_loop3A_104, %parallel_loop3A_105], %parallel_loop3A_103 {strides = array<i32>} : memref<128x256xbf16, #tpu.memory_space<vmem>>, vector<32xbf16>,
        %parallel_loop3A_107 = arith.index_cast %parallel_loop3A_99 : i32 to index
        %parallel_loop3A_108 = arith.constant 32 : index
        %parallel_loop3A_109 = tpu.vector_load %arg10[%parallel_loop3A_107, %parallel_loop3A_108] {strides = array<i32>} : memref<128x256xbf16, #tpu.memory_space<vmem>>, vector<32xbf16>,
        %parallel_loop3A_110 = arith.mulf %parallel_loop3A_109, %parallel_loop3A_95 : vector<32xbf16>
        %parallel_loop3A_111 = arith.index_cast %parallel_loop3A_99 : i32 to index
        %parallel_loop3A_112 = arith.constant 32 : index
        %parallel_loop3A_113 = tpu.vector_load %arg11[%parallel_loop3A_111, %parallel_loop3A_112] {strides = array<i32>} : memref<128x256xbf16, #tpu.memory_space<vmem>>, vector<32xbf16>,
        tpu.vector_store %arg11[%parallel_loop3A_111, %parallel_loop3A_112], %parallel_loop3A_110 {strides = array<i32>} : memref<128x256xbf16, #tpu.memory_space<vmem>>, vector<32xbf16>,
        %parallel_loop3A_114 = arith.index_cast %parallel_loop3A_99 : i32 to index
        %parallel_loop3A_115 = arith.constant 64 : index
        %parallel_loop3A_116 = tpu.vector_load %arg10[%parallel_loop3A_114, %parallel_loop3A_115] {strides = array<i32>} : memref<128x256xbf16, #tpu.memory_space<vmem>>, vector<32xbf16>,
        %parallel_loop3A_117 = arith.mulf %parallel_loop3A_116, %parallel_loop3A_95 : vector<32xbf16>
        %parallel_loop3A_118 = arith.index_cast %parallel_loop3A_99 : i32 to index
        %parallel_loop3A_119 = arith.constant 64 : index
        %parallel_loop3A_120 = tpu.vector_load %arg11[%parallel_loop3A_118, %parallel_loop3A_119] {strides = array<i32>} : memref<128x256xbf16, #tpu.memory_space<vmem>>, vector<32xbf16>,
        tpu.vector_store %arg11[%parallel_loop3A_118, %parallel_loop3A_119], %parallel_loop3A_117 {strides = array<i32>} : memref<128x256xbf16, #tpu.memory_space<vmem>>, vector<32xbf16>,
        %parallel_loop3A_121 = arith.index_cast %parallel_loop3A_99 : i32 to index
        %parallel_loop3A_122 = arith.constant 96 : index
        %parallel_loop3A_123 = tpu.vector_load %arg10[%parallel_loop3A_121, %parallel_loop3A_122] {strides = array<i32>} : memref<128x256xbf16, #tpu.memory_space<vmem>>, vector<32xbf16>,
        %parallel_loop3A_124 = arith.mulf %parallel_loop3A_123, %parallel_loop3A_95 : vector<32xbf16>
        %parallel_loop3A_125 = arith.index_cast %parallel_loop3A_99 : i32 to index
        %parallel_loop3A_126 = arith.constant 96 : index
        %parallel_loop3A_127 = tpu.vector_load %arg11[%parallel_loop3A_125, %parallel_loop3A_126] {strides = array<i32>} : memref<128x256xbf16, #tpu.memory_space<vmem>>, vector<32xbf16>,
        tpu.vector_store %arg11[%parallel_loop3A_125, %parallel_loop3A_126], %parallel_loop3A_124 {strides = array<i32>} : memref<128x256xbf16, #tpu.memory_space<vmem>>, vector<32xbf16>,
        %parallel_loop3A_128 = arith.index_cast %parallel_loop3A_99 : i32 to index
        %parallel_loop3A_129 = arith.constant 128 : index
        %parallel_loop3A_130 = tpu.vector_load %arg10[%parallel_loop3A_128, %parallel_loop3A_129] {strides = array<i32>} : memref<128x256xbf16, #tpu.memory_space<vmem>>, vector<32xbf16>,
        %parallel_loop3A_131 = arith.mulf %parallel_loop3A_130, %parallel_loop3A_95 : vector<32xbf16>
        %parallel_loop3A_132 = arith.index_cast %parallel_loop3A_99 : i32 to index
        %parallel_loop3A_133 = arith.constant 128 : index
        %parallel_loop3A_134 = tpu.vector_load %arg11[%parallel_loop3A_132, %parallel_loop3A_133] {strides = array<i32>} : memref<128x256xbf16, #tpu.memory_space<vmem>>, vector<32xbf16>,
        tpu.vector_store %arg11[%parallel_loop3A_132, %parallel_loop3A_133], %parallel_loop3A_131 {strides = array<i32>} : memref<128x256xbf16, #tpu.memory_space<vmem>>, vector<32xbf16>,
        %parallel_loop3A_135 = arith.index_cast %parallel_loop3A_99 : i32 to index
        %parallel_loop3A_136 = arith.constant 160 : index
        %parallel_loop3A_137 = tpu.vector_load %arg10[%parallel_loop3A_135, %parallel_loop3A_136] {strides = array<i32>} : memref<128x256xbf16, #tpu.memory_space<vmem>>, vector<32xbf16>,
        %parallel_loop3A_138 = arith.mulf %parallel_loop3A_137, %parallel_loop3A_95 : vector<32xbf16>
        %parallel_loop3A_139 = arith.index_cast %parallel_loop3A_99 : i32 to index
        %parallel_loop3A_140 = arith.constant 160 : index
        %parallel_loop3A_141 = tpu.vector_load %arg11[%parallel_loop3A_139, %parallel_loop3A_140] {strides = array<i32>} : memref<128x256xbf16, #tpu.memory_space<vmem>>, vector<32xbf16>,
        tpu.vector_store %arg11[%parallel_loop3A_139, %parallel_loop3A_140], %parallel_loop3A_138 {strides = array<i32>} : memref<128x256xbf16, #tpu.memory_space<vmem>>, vector<32xbf16>,
        %parallel_loop3A_142 = arith.index_cast %parallel_loop3A_99 : i32 to index
        %parallel_loop3A_143 = arith.constant 192 : index
        %parallel_loop3A_144 = tpu.vector_load %arg10[%parallel_loop3A_142, %parallel_loop3A_143] {strides = array<i32>} : memref<128x256xbf16, #tpu.memory_space<vmem>>, vector<32xbf16>,
        %parallel_loop3A_145 = arith.mulf %parallel_loop3A_144, %parallel_loop3A_95 : vector<32xbf16>
        %parallel_loop3A_146 = arith.index_cast %parallel_loop3A_99 : i32 to index
        %parallel_loop3A_147 = arith.constant 192 : index
        %parallel_loop3A_148 = tpu.vector_load %arg11[%parallel_loop3A_146, %parallel_loop3A_147] {strides = array<i32>} : memref<128x256xbf16, #tpu.memory_space<vmem>>, vector<32xbf16>,
        tpu.vector_store %arg11[%parallel_loop3A_146, %parallel_loop3A_147], %parallel_loop3A_145 {strides = array<i32>} : memref<128x256xbf16, #tpu.memory_space<vmem>>, vector<32xbf16>,
        %parallel_loop3A_149 = arith.index_cast %parallel_loop3A_99 : i32 to index
        %parallel_loop3A_150 = arith.constant 224 : index
        %parallel_loop3A_151 = tpu.vector_load %arg10[%parallel_loop3A_149, %parallel_loop3A_150] {strides = array<i32>} : memref<128x256xbf16, #tpu.memory_space<vmem>>, vector<32xbf16>,
        %parallel_loop3A_152 = arith.mulf %parallel_loop3A_151, %parallel_loop3A_95 : vector<32xbf16>
        %parallel_loop3A_153 = arith.index_cast %parallel_loop3A_99 : i32 to index
        %parallel_loop3A_154 = arith.constant 224 : index
        %parallel_loop3A_155 = tpu.vector_load %arg11[%parallel_loop3A_153, %parallel_loop3A_154] {strides = array<i32>} : memref<128x256xbf16, #tpu.memory_space<vmem>>, vector<32xbf16>,
        tpu.vector_store %arg11[%parallel_loop3A_153, %parallel_loop3A_154], %parallel_loop3A_152 {strides = array<i32>} : memref<128x256xbf16, #tpu.memory_space<vmem>>, vector<32xbf16>,
        %parallel_loop3A_156 = vector.extract_strided_slice %parallel_loop3A_91 {offsets = [1], sizes = [1], strides = [1]} : vector<16xf32> to vector<1xf32>
        %parallel_loop3A_157 = vector.extract %parallel_loop3A_156[0] : f32 from vector<1xf32>
        %parallel_loop3A_158 = vector.broadcast %parallel_loop3A_157 : f32 to vector<16xf32>
        %parallel_loop3A_159 = tpu.pack_subelements %parallel_loop3A_158, %parallel_loop3A_158 {pack_format = #tpu.pack_format<interleaved>, positions = array<i32: 0, 1>} : vector<16xf32>, vector<16xf32> -> vector<32xbf16>
        %parallel_loop3A_160 = arith.constant 16 : i32
        %parallel_loop3A_161 = arith.muli %parallel_loop3A_84, %parallel_loop3A_160 : i32
        %parallel_loop3A_162 = arith.constant 1 : i32
        %parallel_loop3A_163 = arith.addi %parallel_loop3A_161, %parallel_loop3A_162 : i32
        %parallel_loop3A_164 = arith.index_cast %parallel_loop3A_163 : i32 to index
        %parallel_loop3A_165 = arith.constant 0 : index
        %parallel_loop3A_166 = tpu.vector_load %arg10[%parallel_loop3A_164, %parallel_loop3A_165] {strides = array<i32>} : memref<128x256xbf16, #tpu.memory_space<vmem>>, vector<32xbf16>,
        %parallel_loop3A_167 = arith.mulf %parallel_loop3A_166, %parallel_loop3A_159 : vector<32xbf16>
        %parallel_loop3A_168 = arith.index_cast %parallel_loop3A_163 : i32 to index
        %parallel_loop3A_169 = arith.constant 0 : index
        %parallel_loop3A_170 = tpu.vector_load %arg11[%parallel_loop3A_168, %parallel_loop3A_169] {strides = array<i32>} : memref<128x256xbf16, #tpu.memory_space<vmem>>, vector<32xbf16>,
        tpu.vector_store %arg11[%parallel_loop3A_168, %parallel_loop3A_169], %parallel_loop3A_167 {strides = array<i32>} : memref<128x256xbf16, #tpu.memory_space<vmem>>, vector<32xbf16>,
        %parallel_loop3A_171 = arith.index_cast %parallel_loop3A_163 : i32 to index
        %parallel_loop3A_172 = arith.constant 32 : index
        %parallel_loop3A_173 = tpu.vector_load %arg10[%parallel_loop3A_171, %parallel_loop3A_172] {strides = array<i32>} : memref<128x256xbf16, #tpu.memory_space<vmem>>, vector<32xbf16>,
        %parallel_loop3A_174 = arith.mulf %parallel_loop3A_173, %parallel_loop3A_159 : vector<32xbf16>
        %parallel_loop3A_175 = arith.index_cast %parallel_loop3A_163 : i32 to index
        %parallel_loop3A_176 = arith.constant 32 : index
        %parallel_loop3A_177 = tpu.vector_load %arg11[%parallel_loop3A_175, %parallel_loop3A_176] {strides = array<i32>} : memref<128x256xbf16, #tpu.memory_space<vmem>>, vector<32xbf16>,
        tpu.vector_store %arg11[%parallel_loop3A_175, %parallel_loop3A_176], %parallel_loop3A_174 {strides = array<i32>} : memref<128x256xbf16, #tpu.memory_space<vmem>>, vector<32xbf16>,
        %parallel_loop3A_178 = arith.index_cast %parallel_loop3A_163 : i32 to index
        %parallel_loop3A_179 = arith.constant 64 : index
        %parallel_loop3A_180 = tpu.vector_load %arg10[%parallel_loop3A_178, %parallel_loop3A_179] {strides = array<i32>} : memref<128x256xbf16, #tpu.memory_space<vmem>>, vector<32xbf16>,
        %parallel_loop3A_181 = arith.mulf %parallel_loop3A_180, %parallel_loop3A_159 : vector<32xbf16>
        %parallel_loop3A_182 = arith.index_cast %parallel_loop3A_163 : i32 to index
        %parallel_loop3A_183 = arith.constant 64 : index
        %parallel_loop3A_184 = tpu.vector_load %arg11[%parallel_loop3A_182, %parallel_loop3A_183] {strides = array<i32>} : memref<128x256xbf16, #tpu.memory_space<vmem>>, vector<32xbf16>,
        tpu.vector_store %arg11[%parallel_loop3A_182, %parallel_loop3A_183], %parallel_loop3A_181 {strides = array<i32>} : memref<128x256xbf16, #tpu.memory_space<vmem>>, vector<32xbf16>,
        %parallel_loop3A_185 = arith.index_cast %parallel_loop3A_163 : i32 to index
        %parallel_loop3A_186 = arith.constant 96 : index
        %parallel_loop3A_187 = tpu.vector_load %arg10[%parallel_loop3A_185, %parallel_loop3A_186] {strides = array<i32>} : memref<128x256xbf16, #tpu.memory_space<vmem>>, vector<32xbf16>,
        %parallel_loop3A_188 = arith.mulf %parallel_loop3A_187, %parallel_loop3A_159 : vector<32xbf16>
        %parallel_loop3A_189 = arith.index_cast %parallel_loop3A_163 : i32 to index
        %parallel_loop3A_190 = arith.constant 96 : index
        %parallel_loop3A_191 = tpu.vector_load %arg11[%parallel_loop3A_189, %parallel_loop3A_190] {strides = array<i32>} : memref<128x256xbf16, #tpu.memory_space<vmem>>, vector<32xbf16>,
        tpu.vector_store %arg11[%parallel_loop3A_189, %parallel_loop3A_190], %parallel_loop3A_188 {strides = array<i32>} : memref<128x256xbf16, #tpu.memory_space<vmem>>, vector<32xbf16>,
        %parallel_loop3A_192 = arith.index_cast %parallel_loop3A_163 : i32 to index
        %parallel_loop3A_193 = arith.constant 128 : index
        %parallel_loop3A_194 = tpu.vector_load %arg10[%parallel_loop3A_192, %parallel_loop3A_193] {strides = array<i32>} : memref<128x256xbf16, #tpu.memory_space<vmem>>, vector<32xbf16>,
        %parallel_loop3A_195 = arith.mulf %parallel_loop3A_194, %parallel_loop3A_159 : vector<32xbf16>
        %parallel_loop3A_196 = arith.index_cast %parallel_loop3A_163 : i32 to index
        %parallel_loop3A_197 = arith.constant 128 : index
        %parallel_loop3A_198 = tpu.vector_load %arg11[%parallel_loop3A_196, %parallel_loop3A_197] {strides = array<i32>} : memref<128x256xbf16, #tpu.memory_space<vmem>>, vector<32xbf16>,
        tpu.vector_store %arg11[%parallel_loop3A_196, %parallel_loop3A_197], %parallel_loop3A_195 {strides = array<i32>} : memref<128x256xbf16, #tpu.memory_space<vmem>>, vector<32xbf16>,
        %parallel_loop3A_199 = arith.index_cast %parallel_loop3A_163 : i32 to index
        %parallel_loop3A_200 = arith.constant 160 : index
        %parallel_loop3A_201 = tpu.vector_load %arg10[%parallel_loop3A_199, %parallel_loop3A_200] {strides = array<i32>} : memref<128x256xbf16, #tpu.memory_space<vmem>>, vector<32xbf16>,
        %parallel_loop3A_202 = arith.mulf %parallel_loop3A_201, %parallel_loop3A_159 : vector<32xbf16>
        %parallel_loop3A_203 = arith.index_cast %parallel_loop3A_163 : i32 to index
        %parallel_loop3A_204 = arith.constant 160 : index
        %parallel_loop3A_205 = tpu.vector_load %arg11[%parallel_loop3A_203, %parallel_loop3A_204] {strides = array<i32>} : memref<128x256xbf16, #tpu.memory_space<vmem>>, vector<32xbf16>,
        tpu.vector_store %arg11[%parallel_loop3A_203, %parallel_loop3A_204], %parallel_loop3A_202 {strides = array<i32>} : memref<128x256xbf16, #tpu.memory_space<vmem>>, vector<32xbf16>,
        %parallel_loop3A_206 = arith.index_cast %parallel_loop3A_163 : i32 to index
        %parallel_loop3A_207 = arith.constant 192 : index
        %parallel_loop3A_208 = tpu.vector_load %arg10[%parallel_loop3A_206, %parallel_loop3A_207] {strides = array<i32>} : memref<128x256xbf16, #tpu.memory_space<vmem>>, vector<32xbf16>,
        %parallel_loop3A_209 = arith.mulf %parallel_loop3A_208, %parallel_loop3A_159 : vector<32xbf16>
        %parallel_loop3A_210 = arith.index_cast %parallel_loop3A_163 : i32 to index
        %parallel_loop3A_211 = arith.constant 192 : index
        %parallel_loop3A_212 = tpu.vector_load %arg11[%parallel_loop3A_210, %parallel_loop3A_211] {strides = array<i32>} : memref<128x256xbf16, #tpu.memory_space<vmem>>, vector<32xbf16>,
        tpu.vector_store %arg11[%parallel_loop3A_210, %parallel_loop3A_211], %parallel_loop3A_209 {strides = array<i32>} : memref<128x256xbf16, #tpu.memory_space<vmem>>, vector<32xbf16>,
        %parallel_loop3A_213 = arith.index_cast %parallel_loop3A_163 : i32 to index
        %parallel_loop3A_214 = arith.constant 224 : index
        %parallel_loop3A_215 = tpu.vector_load %arg10[%parallel_loop3A_213, %parallel_loop3A_214] {strides = array<i32>} : memref<128x256xbf16, #tpu.memory_space<vmem>>, vector<32xbf16>,
        %parallel_loop3A_216 = arith.mulf %parallel_loop3A_215, %parallel_loop3A_159 : vector<32xbf16>
        %parallel_loop3A_217 = arith.index_cast %parallel_loop3A_163 : i32 to index
        %parallel_loop3A_218 = arith.constant 224 : index
        %parallel_loop3A_219 = tpu.vector_load %arg11[%parallel_loop3A_217, %parallel_loop3A_218] {strides = array<i32>} : memref<128x256xbf16, #tpu.memory_space<vmem>>, vector<32xbf16>,
        tpu.vector_store %arg11[%parallel_loop3A_217, %parallel_loop3A_218], %parallel_loop3A_216 {strides = array<i32>} : memref<128x256xbf16, #tpu.memory_space<vmem>>, vector<32xbf16>,
        %parallel_loop3A_220 = vector.extract_strided_slice %parallel_loop3A_91 {offsets = [2], sizes = [1], strides = [1]} : vector<16xf32> to vector<1xf32>
        %parallel_loop3A_221 = vector.extract %parallel_loop3A_220[0] : f32 from vector<1xf32>
        %parallel_loop3A_222 = vector.broadcast %parallel_loop3A_221 : f32 to vector<16xf32>
        %parallel_loop3A_223 = tpu.pack_subelements %parallel_loop3A_222, %parallel_loop3A_222 {pack_format = #tpu.pack_format<interleaved>, positions = array<i32: 0, 1>} : vector<16xf32>, vector<16xf32> -> vector<32xbf16>
        %parallel_loop3A_224 = arith.constant 16 : i32
        %parallel_loop3A_225 = arith.muli %parallel_loop3A_84, %parallel_loop3A_224 : i32
        %parallel_loop3A_226 = arith.constant 2 : i32
        %parallel_loop3A_227 = arith.addi %parallel_loop3A_225, %parallel_loop3A_226 : i32
        %parallel_loop3A_228 = arith.index_cast %parallel_loop3A_227 : i32 to index
        %parallel_loop3A_229 = arith.constant 0 : index
        %parallel_loop3A_230 = tpu.vector_load %arg10[%parallel_loop3A_228, %parallel_loop3A_229] {strides = array<i32>} : memref<128x256xbf16, #tpu.memory_space<vmem>>, vector<32xbf16>,
        %parallel_loop3A_231 = arith.mulf %parallel_loop3A_230, %parallel_loop3A_223 : vector<32xbf16>
        %parallel_loop3A_232 = arith.index_cast %parallel_loop3A_227 : i32 to index
        %parallel_loop3A_233 = arith.constant 0 : index
        %parallel_loop3A_234 = tpu.vector_load %arg11[%parallel_loop3A_232, %parallel_loop3A_233] {strides = array<i32>} : memref<128x256xbf16, #tpu.memory_space<vmem>>, vector<32xbf16>,
        tpu.vector_store %arg11[%parallel_loop3A_232, %parallel_loop3A_233], %parallel_loop3A_231 {strides = array<i32>} : memref<128x256xbf16, #tpu.memory_space<vmem>>, vector<32xbf16>,
        %parallel_loop3A_235 = arith.index_cast %parallel_loop3A_227 : i32 to index
        %parallel_loop3A_236 = arith.constant 32 : index
        %parallel_loop3A_237 = tpu.vector_load %arg10[%parallel_loop3A_235, %parallel_loop3A_236] {strides = array<i32>} : memref<128x256xbf16, #tpu.memory_space<vmem>>, vector<32xbf16>,
        %parallel_loop3A_238 = arith.mulf %parallel_loop3A_237, %parallel_loop3A_223 : vector<32xbf16>
        %parallel_loop3A_239 = arith.index_cast %parallel_loop3A_227 : i32 to index
        %parallel_loop3A_240 = arith.constant 32 : index
        %parallel_loop3A_241 = tpu.vector_load %arg11[%parallel_loop3A_239, %parallel_loop3A_240] {strides = array<i32>} : memref<128x256xbf16, #tpu.memory_space<vmem>>, vector<32xbf16>,
        tpu.vector_store %arg11[%parallel_loop3A_239, %parallel_loop3A_240], %parallel_loop3A_238 {strides = array<i32>} : memref<128x256xbf16, #tpu.memory_space<vmem>>, vector<32xbf16>,
        %parallel_loop3A_242 = arith.index_cast %parallel_loop3A_227 : i32 to index
        %parallel_loop3A_243 = arith.constant 64 : index
        %parallel_loop3A_244 = tpu.vector_load %arg10[%parallel_loop3A_242, %parallel_loop3A_243] {strides = array<i32>} : memref<128x256xbf16, #tpu.memory_space<vmem>>, vector<32xbf16>,
        %parallel_loop3A_245 = arith.mulf %parallel_loop3A_244, %parallel_loop3A_223 : vector<32xbf16>
        %parallel_loop3A_246 = arith.index_cast %parallel_loop3A_227 : i32 to index
        %parallel_loop3A_247 = arith.constant 64 : index
        %parallel_loop3A_248 = tpu.vector_load %arg11[%parallel_loop3A_246, %parallel_loop3A_247] {strides = array<i32>} : memref<128x256xbf16, #tpu.memory_space<vmem>>, vector<32xbf16>,
        tpu.vector_store %arg11[%parallel_loop3A_246, %parallel_loop3A_247], %parallel_loop3A_245 {strides = array<i32>} : memref<128x256xbf16, #tpu.memory_space<vmem>>, vector<32xbf16>,
        %parallel_loop3A_249 = arith.index_cast %parallel_loop3A_227 : i32 to index
        %parallel_loop3A_250 = arith.constant 96 : index
        %parallel_loop3A_251 = tpu.vector_load %arg10[%parallel_loop3A_249, %parallel_loop3A_250] {strides = array<i32>} : memref<128x256xbf16, #tpu.memory_space<vmem>>, vector<32xbf16>,
        %parallel_loop3A_252 = arith.mulf %parallel_loop3A_251, %parallel_loop3A_223 : vector<32xbf16>
        %parallel_loop3A_253 = arith.index_cast %parallel_loop3A_227 : i32 to index
        %parallel_loop3A_254 = arith.constant 96 : index
        %parallel_loop3A_255 = tpu.vector_load %arg11[%parallel_loop3A_253, %parallel_loop3A_254] {strides = array<i32>} : memref<128x256xbf16, #tpu.memory_space<vmem>>, vector<32xbf16>,
        tpu.vector_store %arg11[%parallel_loop3A_253, %parallel_loop3A_254], %parallel_loop3A_252 {strides = array<i32>} : memref<128x256xbf16, #tpu.memory_space<vmem>>, vector<32xbf16>,
        %parallel_loop3A_256 = arith.index_cast %parallel_loop3A_227 : i32 to index
        %parallel_loop3A_257 = arith.constant 128 : index
        %parallel_loop3A_258 = tpu.vector_load %arg10[%parallel_loop3A_256, %parallel_loop3A_257] {strides = array<i32>} : memref<128x256xbf16, #tpu.memory_space<vmem>>, vector<32xbf16>,
        %parallel_loop3A_259 = arith.mulf %parallel_loop3A_258, %parallel_loop3A_223 : vector<32xbf16>
        %parallel_loop3A_260 = arith.index_cast %parallel_loop3A_227 : i32 to index
        %parallel_loop3A_261 = arith.constant 128 : index
        %parallel_loop3A_262 = tpu.vector_load %arg11[%parallel_loop3A_260, %parallel_loop3A_261] {strides = array<i32>} : memref<128x256xbf16, #tpu.memory_space<vmem>>, vector<32xbf16>,
        tpu.vector_store %arg11[%parallel_loop3A_260, %parallel_loop3A_261], %parallel_loop3A_259 {strides = array<i32>} : memref<128x256xbf16, #tpu.memory_space<vmem>>, vector<32xbf16>,
        %parallel_loop3A_263 = arith.index_cast %parallel_loop3A_227 : i32 to index
        %parallel_loop3A_264 = arith.constant 160 : index
        %parallel_loop3A_265 = tpu.vector_load %arg10[%parallel_loop3A_263, %parallel_loop3A_264] {strides = array<i32>} : memref<128x256xbf16, #tpu.memory_space<vmem>>, vector<32xbf16>,
        %parallel_loop3A_266 = arith.mulf %parallel_loop3A_265, %parallel_loop3A_223 : vector<32xbf16>
        %parallel_loop3A_267 = arith.index_cast %parallel_loop3A_227 : i32 to index
        %parallel_loop3A_268 = arith.constant 160 : index
        %parallel_loop3A_269 = tpu.vector_load %arg11[%parallel_loop3A_267, %parallel_loop3A_268] {strides = array<i32>} : memref<128x256xbf16, #tpu.memory_space<vmem>>, vector<32xbf16>,
        tpu.vector_store %arg11[%parallel_loop3A_267, %parallel_loop3A_268], %parallel_loop3A_266 {strides = array<i32>} : memref<128x256xbf16, #tpu.memory_space<vmem>>, vector<32xbf16>,
        %parallel_loop3A_270 = arith.index_cast %parallel_loop3A_227 : i32 to index
        %parallel_loop3A_271 = arith.constant 192 : index
        %parallel_loop3A_272 = tpu.vector_load %arg10[%parallel_loop3A_270, %parallel_loop3A_271] {strides = array<i32>} : memref<128x256xbf16, #tpu.memory_space<vmem>>, vector<32xbf16>,
        %parallel_loop3A_273 = arith.mulf %parallel_loop3A_272, %parallel_loop3A_223 : vector<32xbf16>
        %parallel_loop3A_274 = arith.index_cast %parallel_loop3A_227 : i32 to index
        %parallel_loop3A_275 = arith.constant 192 : index
        %parallel_loop3A_276 = tpu.vector_load %arg11[%parallel_loop3A_274, %parallel_loop3A_275] {strides = array<i32>} : memref<128x256xbf16, #tpu.memory_space<vmem>>, vector<32xbf16>,
        tpu.vector_store %arg11[%parallel_loop3A_274, %parallel_loop3A_275], %parallel_loop3A_273 {strides = array<i32>} : memref<128x256xbf16, #tpu.memory_space<vmem>>, vector<32xbf16>,
        %parallel_loop3A_277 = arith.index_cast %parallel_loop3A_227 : i32 to index
        %parallel_loop3A_278 = arith.constant 224 : index
        %parallel_loop3A_279 = tpu.vector_load %arg10[%parallel_loop3A_277, %parallel_loop3A_278] {strides = array<i32>} : memref<128x256xbf16, #tpu.memory_space<vmem>>, vector<32xbf16>,
        %parallel_loop3A_280 = arith.mulf %parallel_loop3A_279, %parallel_loop3A_223 : vector<32xbf16>
        %parallel_loop3A_281 = arith.index_cast %parallel_loop3A_227 : i32 to index
        %parallel_loop3A_282 = arith.constant 224 : index
        %parallel_loop3A_283 = tpu.vector_load %arg11[%parallel_loop3A_281, %parallel_loop3A_282] {strides = array<i32>} : memref<128x256xbf16, #tpu.memory_space<vmem>>, vector<32xbf16>,
        tpu.vector_store %arg11[%parallel_loop3A_281, %parallel_loop3A_282], %parallel_loop3A_280 {strides = array<i32>} : memref<128x256xbf16, #tpu.memory_space<vmem>>, vector<32xbf16>,
        %parallel_loop3A_284 = vector.extract_strided_slice %parallel_loop3A_91 {offsets = [3], sizes = [1], strides = [1]} : vector<16xf32> to vector<1xf32>
        %parallel_loop3A_285 = vector.extract %parallel_loop3A_284[0] : f32 from vector<1xf32>
        %parallel_loop3A_286 = vector.broadcast %parallel_loop3A_285 : f32 to vector<16xf32>
        %parallel_loop3A_287 = tpu.pack_subelements %parallel_loop3A_286, %parallel_loop3A_286 {pack_format = #tpu.pack_format<interleaved>, positions = array<i32: 0, 1>} : vector<16xf32>, vector<16xf32> -> vector<32xbf16>
        %parallel_loop3A_288 = arith.constant 16 : i32
        %parallel_loop3A_289 = arith.muli %parallel_loop3A_84, %parallel_loop3A_288 : i32
        %parallel_loop3A_290 = arith.constant 3 : i32
        %parallel_loop3A_291 = arith.addi %parallel_loop3A_289, %parallel_loop3A_290 : i32
        %parallel_loop3A_292 = arith.index_cast %parallel_loop3A_291 : i32 to index
        %parallel_loop3A_293 = arith.constant 0 : index
        %parallel_loop3A_294 = tpu.vector_load %arg10[%parallel_loop3A_292, %parallel_loop3A_293] {strides = array<i32>} : memref<128x256xbf16, #tpu.memory_space<vmem>>, vector<32xbf16>,
        %parallel_loop3A_295 = arith.mulf %parallel_loop3A_294, %parallel_loop3A_287 : vector<32xbf16>
        %parallel_loop3A_296 = arith.index_cast %parallel_loop3A_291 : i32 to index
        %parallel_loop3A_297 = arith.constant 0 : index
        %parallel_loop3A_298 = tpu.vector_load %arg11[%parallel_loop3A_296, %parallel_loop3A_297] {strides = array<i32>} : memref<128x256xbf16, #tpu.memory_space<vmem>>, vector<32xbf16>,
        tpu.vector_store %arg11[%parallel_loop3A_296, %parallel_loop3A_297], %parallel_loop3A_295 {strides = array<i32>} : memref<128x256xbf16, #tpu.memory_space<vmem>>, vector<32xbf16>,
        %parallel_loop3A_299 = arith.index_cast %parallel_loop3A_291 : i32 to index
        %parallel_loop3A_300 = arith.constant 32 : index
        %parallel_loop3A_301 = tpu.vector_load %arg10[%parallel_loop3A_299, %parallel_loop3A_300] {strides = array<i32>} : memref<128x256xbf16, #tpu.memory_space<vmem>>, vector<32xbf16>,
        %parallel_loop3A_302 = arith.mulf %parallel_loop3A_301, %parallel_loop3A_287 : vector<32xbf16>
        %parallel_loop3A_303 = arith.index_cast %parallel_loop3A_291 : i32 to index
        %parallel_loop3A_304 = arith.constant 32 : index
        %parallel_loop3A_305 = tpu.vector_load %arg11[%parallel_loop3A_303, %parallel_loop3A_304] {strides = array<i32>} : memref<128x256xbf16, #tpu.memory_space<vmem>>, vector<32xbf16>,
        tpu.vector_store %arg11[%parallel_loop3A_303, %parallel_loop3A_304], %parallel_loop3A_302 {strides = array<i32>} : memref<128x256xbf16, #tpu.memory_space<vmem>>, vector<32xbf16>,
        %parallel_loop3A_306 = arith.index_cast %parallel_loop3A_291 : i32 to index
        %parallel_loop3A_307 = arith.constant 64 : index
        %parallel_loop3A_308 = tpu.vector_load %arg10[%parallel_loop3A_306, %parallel_loop3A_307] {strides = array<i32>} : memref<128x256xbf16, #tpu.memory_space<vmem>>, vector<32xbf16>,
        %parallel_loop3A_309 = arith.mulf %parallel_loop3A_308, %parallel_loop3A_287 : vector<32xbf16>
        %parallel_loop3A_310 = arith.index_cast %parallel_loop3A_291 : i32 to index
        %parallel_loop3A_311 = arith.constant 64 : index
        %parallel_loop3A_312 = tpu.vector_load %arg11[%parallel_loop3A_310, %parallel_loop3A_311] {strides = array<i32>} : memref<128x256xbf16, #tpu.memory_space<vmem>>, vector<32xbf16>,
        tpu.vector_store %arg11[%parallel_loop3A_310, %parallel_loop3A_311], %parallel_loop3A_309 {strides = array<i32>} : memref<128x256xbf16, #tpu.memory_space<vmem>>, vector<32xbf16>,
        %parallel_loop3A_313 = arith.index_cast %parallel_loop3A_291 : i32 to index
        %parallel_loop3A_314 = arith.constant 96 : index
        %parallel_loop3A_315 = tpu.vector_load %arg10[%parallel_loop3A_313, %parallel_loop3A_314] {strides = array<i32>} : memref<128x256xbf16, #tpu.memory_space<vmem>>, vector<32xbf16>,
        %parallel_loop3A_316 = arith.mulf %parallel_loop3A_315, %parallel_loop3A_287 : vector<32xbf16>
        %parallel_loop3A_317 = arith.index_cast %parallel_loop3A_291 : i32 to index
        %parallel_loop3A_318 = arith.constant 96 : index
        %parallel_loop3A_319 = tpu.vector_load %arg11[%parallel_loop3A_317, %parallel_loop3A_318] {strides = array<i32>} : memref<128x256xbf16, #tpu.memory_space<vmem>>, vector<32xbf16>,
        tpu.vector_store %arg11[%parallel_loop3A_317, %parallel_loop3A_318], %parallel_loop3A_316 {strides = array<i32>} : memref<128x256xbf16, #tpu.memory_space<vmem>>, vector<32xbf16>,
        %parallel_loop3A_320 = arith.index_cast %parallel_loop3A_291 : i32 to index
        %parallel_loop3A_321 = arith.constant 128 : index
        %parallel_loop3A_322 = tpu.vector_load %arg10[%parallel_loop3A_320, %parallel_loop3A_321] {strides = array<i32>} : memref<128x256xbf16, #tpu.memory_space<vmem>>, vector<32xbf16>,
        %parallel_loop3A_323 = arith.mulf %parallel_loop3A_322, %parallel_loop3A_287 : vector<32xbf16>
        %parallel_loop3A_324 = arith.index_cast %parallel_loop3A_291 : i32 to index
        %parallel_loop3A_325 = arith.constant 128 : index
        %parallel_loop3A_326 = tpu.vector_load %arg11[%parallel_loop3A_324, %parallel_loop3A_325] {strides = array<i32>} : memref<128x256xbf16, #tpu.memory_space<vmem>>, vector<32xbf16>,
        tpu.vector_store %arg11[%parallel_loop3A_324, %parallel_loop3A_325], %parallel_loop3A_323 {strides = array<i32>} : memref<128x256xbf16, #tpu.memory_space<vmem>>, vector<32xbf16>,
        %parallel_loop3A_327 = arith.index_cast %parallel_loop3A_291 : i32 to index
        %parallel_loop3A_328 = arith.constant 160 : index
        %parallel_loop3A_329 = tpu.vector_load %arg10[%parallel_loop3A_327, %parallel_loop3A_328] {strides = array<i32>} : memref<128x256xbf16, #tpu.memory_space<vmem>>, vector<32xbf16>,
        %parallel_loop3A_330 = arith.mulf %parallel_loop3A_329, %parallel_loop3A_287 : vector<32xbf16>
        %parallel_loop3A_331 = arith.index_cast %parallel_loop3A_291 : i32 to index
        %parallel_loop3A_332 = arith.constant 160 : index
        %parallel_loop3A_333 = tpu.vector_load %arg11[%parallel_loop3A_331, %parallel_loop3A_332] {strides = array<i32>} : memref<128x256xbf16, #tpu.memory_space<vmem>>, vector<32xbf16>,
        tpu.vector_store %arg11[%parallel_loop3A_331, %parallel_loop3A_332], %parallel_loop3A_330 {strides = array<i32>} : memref<128x256xbf16, #tpu.memory_space<vmem>>, vector<32xbf16>,
        %parallel_loop3A_334 = arith.index_cast %parallel_loop3A_291 : i32 to index
        %parallel_loop3A_335 = arith.constant 192 : index
        %parallel_loop3A_336 = tpu.vector_load %arg10[%parallel_loop3A_334, %parallel_loop3A_335] {strides = array<i32>} : memref<128x256xbf16, #tpu.memory_space<vmem>>, vector<32xbf16>,
        %parallel_loop3A_337 = arith.mulf %parallel_loop3A_336, %parallel_loop3A_287 : vector<32xbf16>
        %parallel_loop3A_338 = arith.index_cast %parallel_loop3A_291 : i32 to index
        %parallel_loop3A_339 = arith.constant 192 : index
        %parallel_loop3A_340 = tpu.vector_load %arg11[%parallel_loop3A_338, %parallel_loop3A_339] {strides = array<i32>} : memref<128x256xbf16, #tpu.memory_space<vmem>>, vector<32xbf16>,
        tpu.vector_store %arg11[%parallel_loop3A_338, %parallel_loop3A_339], %parallel_loop3A_337 {strides = array<i32>} : memref<128x256xbf16, #tpu.memory_space<vmem>>, vector<32xbf16>,
        %parallel_loop3A_341 = arith.index_cast %parallel_loop3A_291 : i32 to index
        %parallel_loop3A_342 = arith.constant 224 : index
        %parallel_loop3A_343 = tpu.vector_load %arg10[%parallel_loop3A_341, %parallel_loop3A_342] {strides = array<i32>} : memref<128x256xbf16, #tpu.memory_space<vmem>>, vector<32xbf16>,
        %parallel_loop3A_344 = arith.mulf %parallel_loop3A_343, %parallel_loop3A_287 : vector<32xbf16>
        %parallel_loop3A_345 = arith.index_cast %parallel_loop3A_291 : i32 to index
        %parallel_loop3A_346 = arith.constant 224 : index
        %parallel_loop3A_347 = tpu.vector_load %arg11[%parallel_loop3A_345, %parallel_loop3A_346] {strides = array<i32>} : memref<128x256xbf16, #tpu.memory_space<vmem>>, vector<32xbf16>,
        tpu.vector_store %arg11[%parallel_loop3A_345, %parallel_loop3A_346], %parallel_loop3A_344 {strides = array<i32>} : memref<128x256xbf16, #tpu.memory_space<vmem>>, vector<32xbf16>,
        %parallel_loop3A_348 = vector.extract_strided_slice %parallel_loop3A_91 {offsets = [4], sizes = [1], strides = [1]} : vector<16xf32> to vector<1xf32>
        %parallel_loop3A_349 = vector.extract %parallel_loop3A_348[0] : f32 from vector<1xf32>
        %parallel_loop3A_350 = vector.broadcast %parallel_loop3A_349 : f32 to vector<16xf32>
        %parallel_loop3A_351 = tpu.pack_subelements %parallel_loop3A_350, %parallel_loop3A_350 {pack_format = #tpu.pack_format<interleaved>, positions = array<i32: 0, 1>} : vector<16xf32>, vector<16xf32> -> vector<32xbf16>
        %parallel_loop3A_352 = arith.constant 16 : i32
        %parallel_loop3A_353 = arith.muli %parallel_loop3A_84, %parallel_loop3A_352 : i32
        %parallel_loop3A_354 = arith.constant 4 : i32
        %parallel_loop3A_355 = arith.addi %parallel_loop3A_353, %parallel_loop3A_354 : i32
        %parallel_loop3A_356 = arith.index_cast %parallel_loop3A_355 : i32 to index
        %parallel_loop3A_357 = arith.constant 0 : index
        %parallel_loop3A_358 = tpu.vector_load %arg10[%parallel_loop3A_356, %parallel_loop3A_357] {strides = array<i32>} : memref<128x256xbf16, #tpu.memory_space<vmem>>, vector<32xbf16>,
        %parallel_loop3A_359 = arith.mulf %parallel_loop3A_358, %parallel_loop3A_351 : vector<32xbf16>
        %parallel_loop3A_360 = arith.index_cast %parallel_loop3A_355 : i32 to index
        %parallel_loop3A_361 = arith.constant 0 : index
        %parallel_loop3A_362 = tpu.vector_load %arg11[%parallel_loop3A_360, %parallel_loop3A_361] {strides = array<i32>} : memref<128x256xbf16, #tpu.memory_space<vmem>>, vector<32xbf16>,
        tpu.vector_store %arg11[%parallel_loop3A_360, %parallel_loop3A_361], %parallel_loop3A_359 {strides = array<i32>} : memref<128x256xbf16, #tpu.memory_space<vmem>>, vector<32xbf16>,
        %parallel_loop3A_363 = arith.index_cast %parallel_loop3A_355 : i32 to index
        %parallel_loop3A_364 = arith.constant 32 : index
        %parallel_loop3A_365 = tpu.vector_load %arg10[%parallel_loop3A_363, %parallel_loop3A_364] {strides = array<i32>} : memref<128x256xbf16, #tpu.memory_space<vmem>>, vector<32xbf16>,
        %parallel_loop3A_366 = arith.mulf %parallel_loop3A_365, %parallel_loop3A_351 : vector<32xbf16>
        %parallel_loop3A_367 = arith.index_cast %parallel_loop3A_355 : i32 to index
        %parallel_loop3A_368 = arith.constant 32 : index
        %parallel_loop3A_369 = tpu.vector_load %arg11[%parallel_loop3A_367, %parallel_loop3A_368] {strides = array<i32>} : memref<128x256xbf16, #tpu.memory_space<vmem>>, vector<32xbf16>,
        tpu.vector_store %arg11[%parallel_loop3A_367, %parallel_loop3A_368], %parallel_loop3A_366 {strides = array<i32>} : memref<128x256xbf16, #tpu.memory_space<vmem>>, vector<32xbf16>,
        %parallel_loop3A_370 = arith.index_cast %parallel_loop3A_355 : i32 to index
        %parallel_loop3A_371 = arith.constant 64 : index
        %parallel_loop3A_372 = tpu.vector_load %arg10[%parallel_loop3A_370, %parallel_loop3A_371] {strides = array<i32>} : memref<128x256xbf16, #tpu.memory_space<vmem>>, vector<32xbf16>,
        %parallel_loop3A_373 = arith.mulf %parallel_loop3A_372, %parallel_loop3A_351 : vector<32xbf16>
        %parallel_loop3A_374 = arith.index_cast %parallel_loop3A_355 : i32 to index
        %parallel_loop3A_375 = arith.constant 64 : index
        %parallel_loop3A_376 = tpu.vector_load %arg11[%parallel_loop3A_374, %parallel_loop3A_375] {strides = array<i32>} : memref<128x256xbf16, #tpu.memory_space<vmem>>, vector<32xbf16>,
        tpu.vector_store %arg11[%parallel_loop3A_374, %parallel_loop3A_375], %parallel_loop3A_373 {strides = array<i32>} : memref<128x256xbf16, #tpu.memory_space<vmem>>, vector<32xbf16>,
        %parallel_loop3A_377 = arith.index_cast %parallel_loop3A_355 : i32 to index
        %parallel_loop3A_378 = arith.constant 96 : index
        %parallel_loop3A_379 = tpu.vector_load %arg10[%parallel_loop3A_377, %parallel_loop3A_378] {strides = array<i32>} : memref<128x256xbf16, #tpu.memory_space<vmem>>, vector<32xbf16>,
        %parallel_loop3A_380 = arith.mulf %parallel_loop3A_379, %parallel_loop3A_351 : vector<32xbf16>
        %parallel_loop3A_381 = arith.index_cast %parallel_loop3A_355 : i32 to index
        %parallel_loop3A_382 = arith.constant 96 : index
        %parallel_loop3A_383 = tpu.vector_load %arg11[%parallel_loop3A_381, %parallel_loop3A_382] {strides = array<i32>} : memref<128x256xbf16, #tpu.memory_space<vmem>>, vector<32xbf16>,
        tpu.vector_store %arg11[%parallel_loop3A_381, %parallel_loop3A_382], %parallel_loop3A_380 {strides = array<i32>} : memref<128x256xbf16, #tpu.memory_space<vmem>>, vector<32xbf16>,
        %parallel_loop3A_384 = arith.index_cast %parallel_loop3A_355 : i32 to index
        %parallel_loop3A_385 = arith.constant 128 : index
        %parallel_loop3A_386 = tpu.vector_load %arg10[%parallel_loop3A_384, %parallel_loop3A_385] {strides = array<i32>} : memref<128x256xbf16, #tpu.memory_space<vmem>>, vector<32xbf16>,
        %parallel_loop3A_387 = arith.mulf %parallel_loop3A_386, %parallel_loop3A_351 : vector<32xbf16>
        %parallel_loop3A_388 = arith.index_cast %parallel_loop3A_355 : i32 to index
        %parallel_loop3A_389 = arith.constant 128 : index
        %parallel_loop3A_390 = tpu.vector_load %arg11[%parallel_loop3A_388, %parallel_loop3A_389] {strides = array<i32>} : memref<128x256xbf16, #tpu.memory_space<vmem>>, vector<32xbf16>,
        tpu.vector_store %arg11[%parallel_loop3A_388, %parallel_loop3A_389], %parallel_loop3A_387 {strides = array<i32>} : memref<128x256xbf16, #tpu.memory_space<vmem>>, vector<32xbf16>,
        %parallel_loop3A_391 = arith.index_cast %parallel_loop3A_355 : i32 to index
        %parallel_loop3A_392 = arith.constant 160 : index
        %parallel_loop3A_393 = tpu.vector_load %arg10[%parallel_loop3A_391, %parallel_loop3A_392] {strides = array<i32>} : memref<128x256xbf16, #tpu.memory_space<vmem>>, vector<32xbf16>,
        %parallel_loop3A_394 = arith.mulf %parallel_loop3A_393, %parallel_loop3A_351 : vector<32xbf16>
        %parallel_loop3A_395 = arith.index_cast %parallel_loop3A_355 : i32 to index
        %parallel_loop3A_396 = arith.constant 160 : index
        %parallel_loop3A_397 = tpu.vector_load %arg11[%parallel_loop3A_395, %parallel_loop3A_396] {strides = array<i32>} : memref<128x256xbf16, #tpu.memory_space<vmem>>, vector<32xbf16>,
        tpu.vector_store %arg11[%parallel_loop3A_395, %parallel_loop3A_396], %parallel_loop3A_394 {strides = array<i32>} : memref<128x256xbf16, #tpu.memory_space<vmem>>, vector<32xbf16>,
        %parallel_loop3A_398 = arith.index_cast %parallel_loop3A_355 : i32 to index
        %parallel_loop3A_399 = arith.constant 192 : index
        %parallel_loop3A_400 = tpu.vector_load %arg10[%parallel_loop3A_398, %parallel_loop3A_399] {strides = array<i32>} : memref<128x256xbf16, #tpu.memory_space<vmem>>, vector<32xbf16>,
        %parallel_loop3A_401 = arith.mulf %parallel_loop3A_400, %parallel_loop3A_351 : vector<32xbf16>
        %parallel_loop3A_402 = arith.index_cast %parallel_loop3A_355 : i32 to index
        %parallel_loop3A_403 = arith.constant 192 : index
        %parallel_loop3A_404 = tpu.vector_load %arg11[%parallel_loop3A_402, %parallel_loop3A_403] {strides = array<i32>} : memref<128x256xbf16, #tpu.memory_space<vmem>>, vector<32xbf16>,
        tpu.vector_store %arg11[%parallel_loop3A_402, %parallel_loop3A_403], %parallel_loop3A_401 {strides = array<i32>} : memref<128x256xbf16, #tpu.memory_space<vmem>>, vector<32xbf16>,
        %parallel_loop3A_405 = arith.index_cast %parallel_loop3A_355 : i32 to index
        %parallel_loop3A_406 = arith.constant 224 : index
        %parallel_loop3A_407 = tpu.vector_load %arg10[%parallel_loop3A_405, %parallel_loop3A_406] {strides = array<i32>} : memref<128x256xbf16, #tpu.memory_space<vmem>>, vector<32xbf16>,
        %parallel_loop3A_408 = arith.mulf %parallel_loop3A_407, %parallel_loop3A_351 : vector<32xbf16>
        %parallel_loop3A_409 = arith.index_cast %parallel_loop3A_355 : i32 to index
        %parallel_loop3A_410 = arith.constant 224 : index
        %parallel_loop3A_411 = tpu.vector_load %arg11[%parallel_loop3A_409, %parallel_loop3A_410] {strides = array<i32>} : memref<128x256xbf16, #tpu.memory_space<vmem>>, vector<32xbf16>,
        tpu.vector_store %arg11[%parallel_loop3A_409, %parallel_loop3A_410], %parallel_loop3A_408 {strides = array<i32>} : memref<128x256xbf16, #tpu.memory_space<vmem>>, vector<32xbf16>,
        %parallel_loop3A_412 = vector.extract_strided_slice %parallel_loop3A_91 {offsets = [5], sizes = [1], strides = [1]} : vector<16xf32> to vector<1xf32>
        %parallel_loop3A_413 = vector.extract %parallel_loop3A_412[0] : f32 from vector<1xf32>
        %parallel_loop3A_414 = vector.broadcast %parallel_loop3A_413 : f32 to vector<16xf32>
        %parallel_loop3A_415 = tpu.pack_subelements %parallel_loop3A_414, %parallel_loop3A_414 {pack_format = #tpu.pack_format<interleaved>, positions = array<i32: 0, 1>} : vector<16xf32>, vector<16xf32> -> vector<32xbf16>
        %parallel_loop3A_416 = arith.constant 16 : i32
        %parallel_loop3A_417 = arith.muli %parallel_loop3A_84, %parallel_loop3A_416 : i32
        %parallel_loop3A_418 = arith.constant 5 : i32
        %parallel_loop3A_419 = arith.addi %parallel_loop3A_417, %parallel_loop3A_418 : i32
        %parallel_loop3A_420 = arith.index_cast %parallel_loop3A_419 : i32 to index
        %parallel_loop3A_421 = arith.constant 0 : index
        %parallel_loop3A_422 = tpu.vector_load %arg10[%parallel_loop3A_420, %parallel_loop3A_421] {strides = array<i32>} : memref<128x256xbf16, #tpu.memory_space<vmem>>, vector<32xbf16>,
        %parallel_loop3A_423 = arith.mulf %parallel_loop3A_422, %parallel_loop3A_415 : vector<32xbf16>
        %parallel_loop3A_424 = arith.index_cast %parallel_loop3A_419 : i32 to index
        %parallel_loop3A_425 = arith.constant 0 : index
        %parallel_loop3A_426 = tpu.vector_load %arg11[%parallel_loop3A_424, %parallel_loop3A_425] {strides = array<i32>} : memref<128x256xbf16, #tpu.memory_space<vmem>>, vector<32xbf16>,
        tpu.vector_store %arg11[%parallel_loop3A_424, %parallel_loop3A_425], %parallel_loop3A_423 {strides = array<i32>} : memref<128x256xbf16, #tpu.memory_space<vmem>>, vector<32xbf16>,
        %parallel_loop3A_427 = arith.index_cast %parallel_loop3A_419 : i32 to index
        %parallel_loop3A_428 = arith.constant 32 : index
        %parallel_loop3A_429 = tpu.vector_load %arg10[%parallel_loop3A_427, %parallel_loop3A_428] {strides = array<i32>} : memref<128x256xbf16, #tpu.memory_space<vmem>>, vector<32xbf16>,
        %parallel_loop3A_430 = arith.mulf %parallel_loop3A_429, %parallel_loop3A_415 : vector<32xbf16>
        %parallel_loop3A_431 = arith.index_cast %parallel_loop3A_419 : i32 to index
        %parallel_loop3A_432 = arith.constant 32 : index
        %parallel_loop3A_433 = tpu.vector_load %arg11[%parallel_loop3A_431, %parallel_loop3A_432] {strides = array<i32>} : memref<128x256xbf16, #tpu.memory_space<vmem>>, vector<32xbf16>,
        tpu.vector_store %arg11[%parallel_loop3A_431, %parallel_loop3A_432], %parallel_loop3A_430 {strides = array<i32>} : memref<128x256xbf16, #tpu.memory_space<vmem>>, vector<32xbf16>,
        %parallel_loop3A_434 = arith.index_cast %parallel_loop3A_419 : i32 to index
        %parallel_loop3A_435 = arith.constant 64 : index
        %parallel_loop3A_436 = tpu.vector_load %arg10[%parallel_loop3A_434, %parallel_loop3A_435] {strides = array<i32>} : memref<128x256xbf16, #tpu.memory_space<vmem>>, vector<32xbf16>,
        %parallel_loop3A_437 = arith.mulf %parallel_loop3A_436, %parallel_loop3A_415 : vector<32xbf16>
        %parallel_loop3A_438 = arith.index_cast %parallel_loop3A_419 : i32 to index
        %parallel_loop3A_439 = arith.constant 64 : index
        %parallel_loop3A_440 = tpu.vector_load %arg11[%parallel_loop3A_438, %parallel_loop3A_439] {strides = array<i32>} : memref<128x256xbf16, #tpu.memory_space<vmem>>, vector<32xbf16>,
        tpu.vector_store %arg11[%parallel_loop3A_438, %parallel_loop3A_439], %parallel_loop3A_437 {strides = array<i32>} : memref<128x256xbf16, #tpu.memory_space<vmem>>, vector<32xbf16>,
        %parallel_loop3A_441 = arith.index_cast %parallel_loop3A_419 : i32 to index
        %parallel_loop3A_442 = arith.constant 96 : index
        %parallel_loop3A_443 = tpu.vector_load %arg10[%parallel_loop3A_441, %parallel_loop3A_442] {strides = array<i32>} : memref<128x256xbf16, #tpu.memory_space<vmem>>, vector<32xbf16>,
        %parallel_loop3A_444 = arith.mulf %parallel_loop3A_443, %parallel_loop3A_415 : vector<32xbf16>
        %parallel_loop3A_445 = arith.index_cast %parallel_loop3A_419 : i32 to index
        %parallel_loop3A_446 = arith.constant 96 : index
        %parallel_loop3A_447 = tpu.vector_load %arg11[%parallel_loop3A_445, %parallel_loop3A_446] {strides = array<i32>} : memref<128x256xbf16, #tpu.memory_space<vmem>>, vector<32xbf16>,
        tpu.vector_store %arg11[%parallel_loop3A_445, %parallel_loop3A_446], %parallel_loop3A_444 {strides = array<i32>} : memref<128x256xbf16, #tpu.memory_space<vmem>>, vector<32xbf16>,
        %parallel_loop3A_448 = arith.index_cast %parallel_loop3A_419 : i32 to index
        %parallel_loop3A_449 = arith.constant 128 : index
        %parallel_loop3A_450 = tpu.vector_load %arg10[%parallel_loop3A_448, %parallel_loop3A_449] {strides = array<i32>} : memref<128x256xbf16, #tpu.memory_space<vmem>>, vector<32xbf16>,
        %parallel_loop3A_451 = arith.mulf %parallel_loop3A_450, %parallel_loop3A_415 : vector<32xbf16>
        %parallel_loop3A_452 = arith.index_cast %parallel_loop3A_419 : i32 to index
        %parallel_loop3A_453 = arith.constant 128 : index
        %parallel_loop3A_454 = tpu.vector_load %arg11[%parallel_loop3A_452, %parallel_loop3A_453] {strides = array<i32>} : memref<128x256xbf16, #tpu.memory_space<vmem>>, vector<32xbf16>,
        tpu.vector_store %arg11[%parallel_loop3A_452, %parallel_loop3A_453], %parallel_loop3A_451 {strides = array<i32>} : memref<128x256xbf16, #tpu.memory_space<vmem>>, vector<32xbf16>,
        %parallel_loop3A_455 = arith.index_cast %parallel_loop3A_419 : i32 to index
        %parallel_loop3A_456 = arith.constant 160 : index
        %parallel_loop3A_457 = tpu.vector_load %arg10[%parallel_loop3A_455, %parallel_loop3A_456] {strides = array<i32>} : memref<128x256xbf16, #tpu.memory_space<vmem>>, vector<32xbf16>,
        %parallel_loop3A_458 = arith.mulf %parallel_loop3A_457, %parallel_loop3A_415 : vector<32xbf16>
        %parallel_loop3A_459 = arith.index_cast %parallel_loop3A_419 : i32 to index
        %parallel_loop3A_460 = arith.constant 160 : index
        %parallel_loop3A_461 = tpu.vector_load %arg11[%parallel_loop3A_459, %parallel_loop3A_460] {strides = array<i32>} : memref<128x256xbf16, #tpu.memory_space<vmem>>, vector<32xbf16>,
        tpu.vector_store %arg11[%parallel_loop3A_459, %parallel_loop3A_460], %parallel_loop3A_458 {strides = array<i32>} : memref<128x256xbf16, #tpu.memory_space<vmem>>, vector<32xbf16>,
        %parallel_loop3A_462 = arith.index_cast %parallel_loop3A_419 : i32 to index
        %parallel_loop3A_463 = arith.constant 192 : index
        %parallel_loop3A_464 = tpu.vector_load %arg10[%parallel_loop3A_462, %parallel_loop3A_463] {strides = array<i32>} : memref<128x256xbf16, #tpu.memory_space<vmem>>, vector<32xbf16>,
        %parallel_loop3A_465 = arith.mulf %parallel_loop3A_464, %parallel_loop3A_415 : vector<32xbf16>
        %parallel_loop3A_466 = arith.index_cast %parallel_loop3A_419 : i32 to index
        %parallel_loop3A_467 = arith.constant 192 : index
        %parallel_loop3A_468 = tpu.vector_load %arg11[%parallel_loop3A_466, %parallel_loop3A_467] {strides = array<i32>} : memref<128x256xbf16, #tpu.memory_space<vmem>>, vector<32xbf16>,
        tpu.vector_store %arg11[%parallel_loop3A_466, %parallel_loop3A_467], %parallel_loop3A_465 {strides = array<i32>} : memref<128x256xbf16, #tpu.memory_space<vmem>>, vector<32xbf16>,
        %parallel_loop3A_469 = arith.index_cast %parallel_loop3A_419 : i32 to index
        %parallel_loop3A_470 = arith.constant 224 : index
        %parallel_loop3A_471 = tpu.vector_load %arg10[%parallel_loop3A_469, %parallel_loop3A_470] {strides = array<i32>} : memref<128x256xbf16, #tpu.memory_space<vmem>>, vector<32xbf16>,
        %parallel_loop3A_472 = arith.mulf %parallel_loop3A_471, %parallel_loop3A_415 : vector<32xbf16>
        %parallel_loop3A_473 = arith.index_cast %parallel_loop3A_419 : i32 to index
        %parallel_loop3A_474 = arith.constant 224 : index
        %parallel_loop3A_475 = tpu.vector_load %arg11[%parallel_loop3A_473, %parallel_loop3A_474] {strides = array<i32>} : memref<128x256xbf16, #tpu.memory_space<vmem>>, vector<32xbf16>,
        tpu.vector_store %arg11[%parallel_loop3A_473, %parallel_loop3A_474], %parallel_loop3A_472 {strides = array<i32>} : memref<128x256xbf16, #tpu.memory_space<vmem>>, vector<32xbf16>,
        %parallel_loop3A_476 = vector.extract_strided_slice %parallel_loop3A_91 {offsets = [6], sizes = [1], strides = [1]} : vector<16xf32> to vector<1xf32>
        %parallel_loop3A_477 = vector.extract %parallel_loop3A_476[0] : f32 from vector<1xf32>
        %parallel_loop3A_478 = vector.broadcast %parallel_loop3A_477 : f32 to vector<16xf32>
        %parallel_loop3A_479 = tpu.pack_subelements %parallel_loop3A_478, %parallel_loop3A_478 {pack_format = #tpu.pack_format<interleaved>, positions = array<i32: 0, 1>} : vector<16xf32>, vector<16xf32> -> vector<32xbf16>
        %parallel_loop3A_480 = arith.constant 16 : i32
        %parallel_loop3A_481 = arith.muli %parallel_loop3A_84, %parallel_loop3A_480 : i32
        %parallel_loop3A_482 = arith.constant 6 : i32
        %parallel_loop3A_483 = arith.addi %parallel_loop3A_481, %parallel_loop3A_482 : i32
        %parallel_loop3A_484 = arith.index_cast %parallel_loop3A_483 : i32 to index
        %parallel_loop3A_485 = arith.constant 0 : index
        %parallel_loop3A_486 = tpu.vector_load %arg10[%parallel_loop3A_484, %parallel_loop3A_485] {strides = array<i32>} : memref<128x256xbf16, #tpu.memory_space<vmem>>, vector<32xbf16>,
        %parallel_loop3A_487 = arith.mulf %parallel_loop3A_486, %parallel_loop3A_479 : vector<32xbf16>
        %parallel_loop3A_488 = arith.index_cast %parallel_loop3A_483 : i32 to index
        %parallel_loop3A_489 = arith.constant 0 : index
        %parallel_loop3A_490 = tpu.vector_load %arg11[%parallel_loop3A_488, %parallel_loop3A_489] {strides = array<i32>} : memref<128x256xbf16, #tpu.memory_space<vmem>>, vector<32xbf16>,
        tpu.vector_store %arg11[%parallel_loop3A_488, %parallel_loop3A_489], %parallel_loop3A_487 {strides = array<i32>} : memref<128x256xbf16, #tpu.memory_space<vmem>>, vector<32xbf16>,
        %parallel_loop3A_491 = arith.index_cast %parallel_loop3A_483 : i32 to index
        %parallel_loop3A_492 = arith.constant 32 : index
        %parallel_loop3A_493 = tpu.vector_load %arg10[%parallel_loop3A_491, %parallel_loop3A_492] {strides = array<i32>} : memref<128x256xbf16, #tpu.memory_space<vmem>>, vector<32xbf16>,
        %parallel_loop3A_494 = arith.mulf %parallel_loop3A_493, %parallel_loop3A_479 : vector<32xbf16>
        %parallel_loop3A_495 = arith.index_cast %parallel_loop3A_483 : i32 to index
        %parallel_loop3A_496 = arith.constant 32 : index
        %parallel_loop3A_497 = tpu.vector_load %arg11[%parallel_loop3A_495, %parallel_loop3A_496] {strides = array<i32>} : memref<128x256xbf16, #tpu.memory_space<vmem>>, vector<32xbf16>,
        tpu.vector_store %arg11[%parallel_loop3A_495, %parallel_loop3A_496], %parallel_loop3A_494 {strides = array<i32>} : memref<128x256xbf16, #tpu.memory_space<vmem>>, vector<32xbf16>,
        %parallel_loop3A_498 = arith.index_cast %parallel_loop3A_483 : i32 to index
        %parallel_loop3A_499 = arith.constant 64 : index
        %parallel_loop3A_500 = tpu.vector_load %arg10[%parallel_loop3A_498, %parallel_loop3A_499] {strides = array<i32>} : memref<128x256xbf16, #tpu.memory_space<vmem>>, vector<32xbf16>,
        %parallel_loop3A_501 = arith.mulf %parallel_loop3A_500, %parallel_loop3A_479 : vector<32xbf16>
        %parallel_loop3A_502 = arith.index_cast %parallel_loop3A_483 : i32 to index
        %parallel_loop3A_503 = arith.constant 64 : index
        %parallel_loop3A_504 = tpu.vector_load %arg11[%parallel_loop3A_502, %parallel_loop3A_503] {strides = array<i32>} : memref<128x256xbf16, #tpu.memory_space<vmem>>, vector<32xbf16>,
        tpu.vector_store %arg11[%parallel_loop3A_502, %parallel_loop3A_503], %parallel_loop3A_501 {strides = array<i32>} : memref<128x256xbf16, #tpu.memory_space<vmem>>, vector<32xbf16>,
        %parallel_loop3A_505 = arith.index_cast %parallel_loop3A_483 : i32 to index
        %parallel_loop3A_506 = arith.constant 96 : index
        %parallel_loop3A_507 = tpu.vector_load %arg10[%parallel_loop3A_505, %parallel_loop3A_506] {strides = array<i32>} : memref<128x256xbf16, #tpu.memory_space<vmem>>, vector<32xbf16>,
        %parallel_loop3A_508 = arith.mulf %parallel_loop3A_507, %parallel_loop3A_479 : vector<32xbf16>
        %parallel_loop3A_509 = arith.index_cast %parallel_loop3A_483 : i32 to index
        %parallel_loop3A_510 = arith.constant 96 : index
        %parallel_loop3A_511 = tpu.vector_load %arg11[%parallel_loop3A_509, %parallel_loop3A_510] {strides = array<i32>} : memref<128x256xbf16, #tpu.memory_space<vmem>>, vector<32xbf16>,
        tpu.vector_store %arg11[%parallel_loop3A_509, %parallel_loop3A_510], %parallel_loop3A_508 {strides = array<i32>} : memref<128x256xbf16, #tpu.memory_space<vmem>>, vector<32xbf16>,
        %parallel_loop3A_512 = arith.index_cast %parallel_loop3A_483 : i32 to index
        %parallel_loop3A_513 = arith.constant 128 : index
        %parallel_loop3A_514 = tpu.vector_load %arg10[%parallel_loop3A_512, %parallel_loop3A_513] {strides = array<i32>} : memref<128x256xbf16, #tpu.memory_space<vmem>>, vector<32xbf16>,
        %parallel_loop3A_515 = arith.mulf %parallel_loop3A_514, %parallel_loop3A_479 : vector<32xbf16>
        %parallel_loop3A_516 = arith.index_cast %parallel_loop3A_483 : i32 to index
        %parallel_loop3A_517 = arith.constant 128 : index
        %parallel_loop3A_518 = tpu.vector_load %arg11[%parallel_loop3A_516, %parallel_loop3A_517] {strides = array<i32>} : memref<128x256xbf16, #tpu.memory_space<vmem>>, vector<32xbf16>,
        tpu.vector_store %arg11[%parallel_loop3A_516, %parallel_loop3A_517], %parallel_loop3A_515 {strides = array<i32>} : memref<128x256xbf16, #tpu.memory_space<vmem>>, vector<32xbf16>,
        %parallel_loop3A_519 = arith.index_cast %parallel_loop3A_483 : i32 to index
        %parallel_loop3A_520 = arith.constant 160 : index
        %parallel_loop3A_521 = tpu.vector_load %arg10[%parallel_loop3A_519, %parallel_loop3A_520] {strides = array<i32>} : memref<128x256xbf16, #tpu.memory_space<vmem>>, vector<32xbf16>,
        %parallel_loop3A_522 = arith.mulf %parallel_loop3A_521, %parallel_loop3A_479 : vector<32xbf16>
        %parallel_loop3A_523 = arith.index_cast %parallel_loop3A_483 : i32 to index
        %parallel_loop3A_524 = arith.constant 160 : index
        %parallel_loop3A_525 = tpu.vector_load %arg11[%parallel_loop3A_523, %parallel_loop3A_524] {strides = array<i32>} : memref<128x256xbf16, #tpu.memory_space<vmem>>, vector<32xbf16>,
        tpu.vector_store %arg11[%parallel_loop3A_523, %parallel_loop3A_524], %parallel_loop3A_522 {strides = array<i32>} : memref<128x256xbf16, #tpu.memory_space<vmem>>, vector<32xbf16>,
        %parallel_loop3A_526 = arith.index_cast %parallel_loop3A_483 : i32 to index
        %parallel_loop3A_527 = arith.constant 192 : index
        %parallel_loop3A_528 = tpu.vector_load %arg10[%parallel_loop3A_526, %parallel_loop3A_527] {strides = array<i32>} : memref<128x256xbf16, #tpu.memory_space<vmem>>, vector<32xbf16>,
        %parallel_loop3A_529 = arith.mulf %parallel_loop3A_528, %parallel_loop3A_479 : vector<32xbf16>
        %parallel_loop3A_530 = arith.index_cast %parallel_loop3A_483 : i32 to index
        %parallel_loop3A_531 = arith.constant 192 : index
        %parallel_loop3A_532 = tpu.vector_load %arg11[%parallel_loop3A_530, %parallel_loop3A_531] {strides = array<i32>} : memref<128x256xbf16, #tpu.memory_space<vmem>>, vector<32xbf16>,
        tpu.vector_store %arg11[%parallel_loop3A_530, %parallel_loop3A_531], %parallel_loop3A_529 {strides = array<i32>} : memref<128x256xbf16, #tpu.memory_space<vmem>>, vector<32xbf16>,
        %parallel_loop3A_533 = arith.index_cast %parallel_loop3A_483 : i32 to index
        %parallel_loop3A_534 = arith.constant 224 : index
        %parallel_loop3A_535 = tpu.vector_load %arg10[%parallel_loop3A_533, %parallel_loop3A_534] {strides = array<i32>} : memref<128x256xbf16, #tpu.memory_space<vmem>>, vector<32xbf16>,
        %parallel_loop3A_536 = arith.mulf %parallel_loop3A_535, %parallel_loop3A_479 : vector<32xbf16>
        %parallel_loop3A_537 = arith.index_cast %parallel_loop3A_483 : i32 to index
        %parallel_loop3A_538 = arith.constant 224 : index
        %parallel_loop3A_539 = tpu.vector_load %arg11[%parallel_loop3A_537, %parallel_loop3A_538] {strides = array<i32>} : memref<128x256xbf16, #tpu.memory_space<vmem>>, vector<32xbf16>,
        tpu.vector_store %arg11[%parallel_loop3A_537, %parallel_loop3A_538], %parallel_loop3A_536 {strides = array<i32>} : memref<128x256xbf16, #tpu.memory_space<vmem>>, vector<32xbf16>,
        %parallel_loop3A_540 = vector.extract_strided_slice %parallel_loop3A_91 {offsets = [7], sizes = [1], strides = [1]} : vector<16xf32> to vector<1xf32>
        %parallel_loop3A_541 = vector.extract %parallel_loop3A_540[0] : f32 from vector<1xf32>
        %parallel_loop3A_542 = vector.broadcast %parallel_loop3A_541 : f32 to vector<16xf32>
        %parallel_loop3A_543 = tpu.pack_subelements %parallel_loop3A_542, %parallel_loop3A_542 {pack_format = #tpu.pack_format<interleaved>, positions = array<i32: 0, 1>} : vector<16xf32>, vector<16xf32> -> vector<32xbf16>
        %parallel_loop3A_544 = arith.constant 16 : i32
        %parallel_loop3A_545 = arith.muli %parallel_loop3A_84, %parallel_loop3A_544 : i32
        %parallel_loop3A_546 = arith.constant 7 : i32
        %parallel_loop3A_547 = arith.addi %parallel_loop3A_545, %parallel_loop3A_546 : i32
        %parallel_loop3A_548 = arith.index_cast %parallel_loop3A_547 : i32 to index
        %parallel_loop3A_549 = arith.constant 0 : index
        %parallel_loop3A_550 = tpu.vector_load %arg10[%parallel_loop3A_548, %parallel_loop3A_549] {strides = array<i32>} : memref<128x256xbf16, #tpu.memory_space<vmem>>, vector<32xbf16>,
        %parallel_loop3A_551 = arith.mulf %parallel_loop3A_550, %parallel_loop3A_543 : vector<32xbf16>
        %parallel_loop3A_552 = arith.index_cast %parallel_loop3A_547 : i32 to index
        %parallel_loop3A_553 = arith.constant 0 : index
        %parallel_loop3A_554 = tpu.vector_load %arg11[%parallel_loop3A_552, %parallel_loop3A_553] {strides = array<i32>} : memref<128x256xbf16, #tpu.memory_space<vmem>>, vector<32xbf16>,
        tpu.vector_store %arg11[%parallel_loop3A_552, %parallel_loop3A_553], %parallel_loop3A_551 {strides = array<i32>} : memref<128x256xbf16, #tpu.memory_space<vmem>>, vector<32xbf16>,
        %parallel_loop3A_555 = arith.index_cast %parallel_loop3A_547 : i32 to index
        %parallel_loop3A_556 = arith.constant 32 : index
        %parallel_loop3A_557 = tpu.vector_load %arg10[%parallel_loop3A_555, %parallel_loop3A_556] {strides = array<i32>} : memref<128x256xbf16, #tpu.memory_space<vmem>>, vector<32xbf16>,
        %parallel_loop3A_558 = arith.mulf %parallel_loop3A_557, %parallel_loop3A_543 : vector<32xbf16>
        %parallel_loop3A_559 = arith.index_cast %parallel_loop3A_547 : i32 to index
        %parallel_loop3A_560 = arith.constant 32 : index
        %parallel_loop3A_561 = tpu.vector_load %arg11[%parallel_loop3A_559, %parallel_loop3A_560] {strides = array<i32>} : memref<128x256xbf16, #tpu.memory_space<vmem>>, vector<32xbf16>,
        tpu.vector_store %arg11[%parallel_loop3A_559, %parallel_loop3A_560], %parallel_loop3A_558 {strides = array<i32>} : memref<128x256xbf16, #tpu.memory_space<vmem>>, vector<32xbf16>,
        %parallel_loop3A_562 = arith.index_cast %parallel_loop3A_547 : i32 to index
        %parallel_loop3A_563 = arith.constant 64 : index
        %parallel_loop3A_564 = tpu.vector_load %arg10[%parallel_loop3A_562, %parallel_loop3A_563] {strides = array<i32>} : memref<128x256xbf16, #tpu.memory_space<vmem>>, vector<32xbf16>,
        %parallel_loop3A_565 = arith.mulf %parallel_loop3A_564, %parallel_loop3A_543 : vector<32xbf16>
        %parallel_loop3A_566 = arith.index_cast %parallel_loop3A_547 : i32 to index
        %parallel_loop3A_567 = arith.constant 64 : index
        %parallel_loop3A_568 = tpu.vector_load %arg11[%parallel_loop3A_566, %parallel_loop3A_567] {strides = array<i32>} : memref<128x256xbf16, #tpu.memory_space<vmem>>, vector<32xbf16>,
        tpu.vector_store %arg11[%parallel_loop3A_566, %parallel_loop3A_567], %parallel_loop3A_565 {strides = array<i32>} : memref<128x256xbf16, #tpu.memory_space<vmem>>, vector<32xbf16>,
        %parallel_loop3A_569 = arith.index_cast %parallel_loop3A_547 : i32 to index
        %parallel_loop3A_570 = arith.constant 96 : index
        %parallel_loop3A_571 = tpu.vector_load %arg10[%parallel_loop3A_569, %parallel_loop3A_570] {strides = array<i32>} : memref<128x256xbf16, #tpu.memory_space<vmem>>, vector<32xbf16>,
        %parallel_loop3A_572 = arith.mulf %parallel_loop3A_571, %parallel_loop3A_543 : vector<32xbf16>
        %parallel_loop3A_573 = arith.index_cast %parallel_loop3A_547 : i32 to index
        %parallel_loop3A_574 = arith.constant 96 : index
        %parallel_loop3A_575 = tpu.vector_load %arg11[%parallel_loop3A_573, %parallel_loop3A_574] {strides = array<i32>} : memref<128x256xbf16, #tpu.memory_space<vmem>>, vector<32xbf16>,
        tpu.vector_store %arg11[%parallel_loop3A_573, %parallel_loop3A_574], %parallel_loop3A_572 {strides = array<i32>} : memref<128x256xbf16, #tpu.memory_space<vmem>>, vector<32xbf16>,
        %parallel_loop3A_576 = arith.index_cast %parallel_loop3A_547 : i32 to index
        %parallel_loop3A_577 = arith.constant 128 : index
        %parallel_loop3A_578 = tpu.vector_load %arg10[%parallel_loop3A_576, %parallel_loop3A_577] {strides = array<i32>} : memref<128x256xbf16, #tpu.memory_space<vmem>>, vector<32xbf16>,
        %parallel_loop3A_579 = arith.mulf %parallel_loop3A_578, %parallel_loop3A_543 : vector<32xbf16>
        %parallel_loop3A_580 = arith.index_cast %parallel_loop3A_547 : i32 to index
        %parallel_loop3A_581 = arith.constant 128 : index
        %parallel_loop3A_582 = tpu.vector_load %arg11[%parallel_loop3A_580, %parallel_loop3A_581] {strides = array<i32>} : memref<128x256xbf16, #tpu.memory_space<vmem>>, vector<32xbf16>,
        tpu.vector_store %arg11[%parallel_loop3A_580, %parallel_loop3A_581], %parallel_loop3A_579 {strides = array<i32>} : memref<128x256xbf16, #tpu.memory_space<vmem>>, vector<32xbf16>,
        %parallel_loop3A_583 = arith.index_cast %parallel_loop3A_547 : i32 to index
        %parallel_loop3A_584 = arith.constant 160 : index
        %parallel_loop3A_585 = tpu.vector_load %arg10[%parallel_loop3A_583, %parallel_loop3A_584] {strides = array<i32>} : memref<128x256xbf16, #tpu.memory_space<vmem>>, vector<32xbf16>,
        %parallel_loop3A_586 = arith.mulf %parallel_loop3A_585, %parallel_loop3A_543 : vector<32xbf16>
        %parallel_loop3A_587 = arith.index_cast %parallel_loop3A_547 : i32 to index
        %parallel_loop3A_588 = arith.constant 160 : index
        %parallel_loop3A_589 = tpu.vector_load %arg11[%parallel_loop3A_587, %parallel_loop3A_588] {strides = array<i32>} : memref<128x256xbf16, #tpu.memory_space<vmem>>, vector<32xbf16>,
        tpu.vector_store %arg11[%parallel_loop3A_587, %parallel_loop3A_588], %parallel_loop3A_586 {strides = array<i32>} : memref<128x256xbf16, #tpu.memory_space<vmem>>, vector<32xbf16>,
        %parallel_loop3A_590 = arith.index_cast %parallel_loop3A_547 : i32 to index
        %parallel_loop3A_591 = arith.constant 192 : index
        %parallel_loop3A_592 = tpu.vector_load %arg10[%parallel_loop3A_590, %parallel_loop3A_591] {strides = array<i32>} : memref<128x256xbf16, #tpu.memory_space<vmem>>, vector<32xbf16>,
        %parallel_loop3A_593 = arith.mulf %parallel_loop3A_592, %parallel_loop3A_543 : vector<32xbf16>
        %parallel_loop3A_594 = arith.index_cast %parallel_loop3A_547 : i32 to index
        %parallel_loop3A_595 = arith.constant 192 : index
        %parallel_loop3A_596 = tpu.vector_load %arg11[%parallel_loop3A_594, %parallel_loop3A_595] {strides = array<i32>} : memref<128x256xbf16, #tpu.memory_space<vmem>>, vector<32xbf16>,
        tpu.vector_store %arg11[%parallel_loop3A_594, %parallel_loop3A_595], %parallel_loop3A_593 {strides = array<i32>} : memref<128x256xbf16, #tpu.memory_space<vmem>>, vector<32xbf16>,
        %parallel_loop3A_597 = arith.index_cast %parallel_loop3A_547 : i32 to index
        %parallel_loop3A_598 = arith.constant 224 : index
        %parallel_loop3A_599 = tpu.vector_load %arg10[%parallel_loop3A_597, %parallel_loop3A_598] {strides = array<i32>} : memref<128x256xbf16, #tpu.memory_space<vmem>>, vector<32xbf16>,
        %parallel_loop3A_600 = arith.mulf %parallel_loop3A_599, %parallel_loop3A_543 : vector<32xbf16>
        %parallel_loop3A_601 = arith.index_cast %parallel_loop3A_547 : i32 to index
        %parallel_loop3A_602 = arith.constant 224 : index
        %parallel_loop3A_603 = tpu.vector_load %arg11[%parallel_loop3A_601, %parallel_loop3A_602] {strides = array<i32>} : memref<128x256xbf16, #tpu.memory_space<vmem>>, vector<32xbf16>,
        tpu.vector_store %arg11[%parallel_loop3A_601, %parallel_loop3A_602], %parallel_loop3A_600 {strides = array<i32>} : memref<128x256xbf16, #tpu.memory_space<vmem>>, vector<32xbf16>,
        %parallel_loop3A_604 = vector.extract_strided_slice %parallel_loop3A_91 {offsets = [8], sizes = [1], strides = [1]} : vector<16xf32> to vector<1xf32>
        %parallel_loop3A_605 = vector.extract %parallel_loop3A_604[0] : f32 from vector<1xf32>
        %parallel_loop3A_606 = vector.broadcast %parallel_loop3A_605 : f32 to vector<16xf32>
        %parallel_loop3A_607 = tpu.pack_subelements %parallel_loop3A_606, %parallel_loop3A_606 {pack_format = #tpu.pack_format<interleaved>, positions = array<i32: 0, 1>} : vector<16xf32>, vector<16xf32> -> vector<32xbf16>
        %parallel_loop3A_608 = arith.constant 16 : i32
        %parallel_loop3A_609 = arith.muli %parallel_loop3A_84, %parallel_loop3A_608 : i32
        %parallel_loop3A_610 = arith.constant 8 : i32
        %parallel_loop3A_611 = arith.addi %parallel_loop3A_609, %parallel_loop3A_610 : i32
        %parallel_loop3A_612 = arith.index_cast %parallel_loop3A_611 : i32 to index
        %parallel_loop3A_613 = arith.constant 0 : index
        %parallel_loop3A_614 = tpu.vector_load %arg10[%parallel_loop3A_612, %parallel_loop3A_613] {strides = array<i32>} : memref<128x256xbf16, #tpu.memory_space<vmem>>, vector<32xbf16>,
        %parallel_loop3A_615 = arith.mulf %parallel_loop3A_614, %parallel_loop3A_607 : vector<32xbf16>
        %parallel_loop3A_616 = arith.index_cast %parallel_loop3A_611 : i32 to index
        %parallel_loop3A_617 = arith.constant 0 : index
        %parallel_loop3A_618 = tpu.vector_load %arg11[%parallel_loop3A_616, %parallel_loop3A_617] {strides = array<i32>} : memref<128x256xbf16, #tpu.memory_space<vmem>>, vector<32xbf16>,
        tpu.vector_store %arg11[%parallel_loop3A_616, %parallel_loop3A_617], %parallel_loop3A_615 {strides = array<i32>} : memref<128x256xbf16, #tpu.memory_space<vmem>>, vector<32xbf16>,
        %parallel_loop3A_619 = arith.index_cast %parallel_loop3A_611 : i32 to index
        %parallel_loop3A_620 = arith.constant 32 : index
        %parallel_loop3A_621 = tpu.vector_load %arg10[%parallel_loop3A_619, %parallel_loop3A_620] {strides = array<i32>} : memref<128x256xbf16, #tpu.memory_space<vmem>>, vector<32xbf16>,
        %parallel_loop3A_622 = arith.mulf %parallel_loop3A_621, %parallel_loop3A_607 : vector<32xbf16>
        %parallel_loop3A_623 = arith.index_cast %parallel_loop3A_611 : i32 to index
        %parallel_loop3A_624 = arith.constant 32 : index
        %parallel_loop3A_625 = tpu.vector_load %arg11[%parallel_loop3A_623, %parallel_loop3A_624] {strides = array<i32>} : memref<128x256xbf16, #tpu.memory_space<vmem>>, vector<32xbf16>,
        tpu.vector_store %arg11[%parallel_loop3A_623, %parallel_loop3A_624], %parallel_loop3A_622 {strides = array<i32>} : memref<128x256xbf16, #tpu.memory_space<vmem>>, vector<32xbf16>,
        %parallel_loop3A_626 = arith.index_cast %parallel_loop3A_611 : i32 to index
        %parallel_loop3A_627 = arith.constant 64 : index
        %parallel_loop3A_628 = tpu.vector_load %arg10[%parallel_loop3A_626, %parallel_loop3A_627] {strides = array<i32>} : memref<128x256xbf16, #tpu.memory_space<vmem>>, vector<32xbf16>,
        %parallel_loop3A_629 = arith.mulf %parallel_loop3A_628, %parallel_loop3A_607 : vector<32xbf16>
        %parallel_loop3A_630 = arith.index_cast %parallel_loop3A_611 : i32 to index
        %parallel_loop3A_631 = arith.constant 64 : index
        %parallel_loop3A_632 = tpu.vector_load %arg11[%parallel_loop3A_630, %parallel_loop3A_631] {strides = array<i32>} : memref<128x256xbf16, #tpu.memory_space<vmem>>, vector<32xbf16>,
        tpu.vector_store %arg11[%parallel_loop3A_630, %parallel_loop3A_631], %parallel_loop3A_629 {strides = array<i32>} : memref<128x256xbf16, #tpu.memory_space<vmem>>, vector<32xbf16>,
        %parallel_loop3A_633 = arith.index_cast %parallel_loop3A_611 : i32 to index
        %parallel_loop3A_634 = arith.constant 96 : index
        %parallel_loop3A_635 = tpu.vector_load %arg10[%parallel_loop3A_633, %parallel_loop3A_634] {strides = array<i32>} : memref<128x256xbf16, #tpu.memory_space<vmem>>, vector<32xbf16>,
        %parallel_loop3A_636 = arith.mulf %parallel_loop3A_635, %parallel_loop3A_607 : vector<32xbf16>
        %parallel_loop3A_637 = arith.index_cast %parallel_loop3A_611 : i32 to index
        %parallel_loop3A_638 = arith.constant 96 : index
        %parallel_loop3A_639 = tpu.vector_load %arg11[%parallel_loop3A_637, %parallel_loop3A_638] {strides = array<i32>} : memref<128x256xbf16, #tpu.memory_space<vmem>>, vector<32xbf16>,
        tpu.vector_store %arg11[%parallel_loop3A_637, %parallel_loop3A_638], %parallel_loop3A_636 {strides = array<i32>} : memref<128x256xbf16, #tpu.memory_space<vmem>>, vector<32xbf16>,
        %parallel_loop3A_640 = arith.index_cast %parallel_loop3A_611 : i32 to index
        %parallel_loop3A_641 = arith.constant 128 : index
        %parallel_loop3A_642 = tpu.vector_load %arg10[%parallel_loop3A_640, %parallel_loop3A_641] {strides = array<i32>} : memref<128x256xbf16, #tpu.memory_space<vmem>>, vector<32xbf16>,
        %parallel_loop3A_643 = arith.mulf %parallel_loop3A_642, %parallel_loop3A_607 : vector<32xbf16>
        %parallel_loop3A_644 = arith.index_cast %parallel_loop3A_611 : i32 to index
        %parallel_loop3A_645 = arith.constant 128 : index
        %parallel_loop3A_646 = tpu.vector_load %arg11[%parallel_loop3A_644, %parallel_loop3A_645] {strides = array<i32>} : memref<128x256xbf16, #tpu.memory_space<vmem>>, vector<32xbf16>,
        tpu.vector_store %arg11[%parallel_loop3A_644, %parallel_loop3A_645], %parallel_loop3A_643 {strides = array<i32>} : memref<128x256xbf16, #tpu.memory_space<vmem>>, vector<32xbf16>,
        %parallel_loop3A_647 = arith.index_cast %parallel_loop3A_611 : i32 to index
        %parallel_loop3A_648 = arith.constant 160 : index
        %parallel_loop3A_649 = tpu.vector_load %arg10[%parallel_loop3A_647, %parallel_loop3A_648] {strides = array<i32>} : memref<128x256xbf16, #tpu.memory_space<vmem>>, vector<32xbf16>,
        %parallel_loop3A_650 = arith.mulf %parallel_loop3A_649, %parallel_loop3A_607 : vector<32xbf16>
        %parallel_loop3A_651 = arith.index_cast %parallel_loop3A_611 : i32 to index
        %parallel_loop3A_652 = arith.constant 160 : index
        %parallel_loop3A_653 = tpu.vector_load %arg11[%parallel_loop3A_651, %parallel_loop3A_652] {strides = array<i32>} : memref<128x256xbf16, #tpu.memory_space<vmem>>, vector<32xbf16>,
        tpu.vector_store %arg11[%parallel_loop3A_651, %parallel_loop3A_652], %parallel_loop3A_650 {strides = array<i32>} : memref<128x256xbf16, #tpu.memory_space<vmem>>, vector<32xbf16>,
        %parallel_loop3A_654 = arith.index_cast %parallel_loop3A_611 : i32 to index
        %parallel_loop3A_655 = arith.constant 192 : index
        %parallel_loop3A_656 = tpu.vector_load %arg10[%parallel_loop3A_654, %parallel_loop3A_655] {strides = array<i32>} : memref<128x256xbf16, #tpu.memory_space<vmem>>, vector<32xbf16>,
        %parallel_loop3A_657 = arith.mulf %parallel_loop3A_656, %parallel_loop3A_607 : vector<32xbf16>
        %parallel_loop3A_658 = arith.index_cast %parallel_loop3A_611 : i32 to index
        %parallel_loop3A_659 = arith.constant 192 : index
        %parallel_loop3A_660 = tpu.vector_load %arg11[%parallel_loop3A_658, %parallel_loop3A_659] {strides = array<i32>} : memref<128x256xbf16, #tpu.memory_space<vmem>>, vector<32xbf16>,
        tpu.vector_store %arg11[%parallel_loop3A_658, %parallel_loop3A_659], %parallel_loop3A_657 {strides = array<i32>} : memref<128x256xbf16, #tpu.memory_space<vmem>>, vector<32xbf16>,
        %parallel_loop3A_661 = arith.index_cast %parallel_loop3A_611 : i32 to index
        %parallel_loop3A_662 = arith.constant 224 : index
        %parallel_loop3A_663 = tpu.vector_load %arg10[%parallel_loop3A_661, %parallel_loop3A_662] {strides = array<i32>} : memref<128x256xbf16, #tpu.memory_space<vmem>>, vector<32xbf16>,
        %parallel_loop3A_664 = arith.mulf %parallel_loop3A_663, %parallel_loop3A_607 : vector<32xbf16>
        %parallel_loop3A_665 = arith.index_cast %parallel_loop3A_611 : i32 to index
        %parallel_loop3A_666 = arith.constant 224 : index
        %parallel_loop3A_667 = tpu.vector_load %arg11[%parallel_loop3A_665, %parallel_loop3A_666] {strides = array<i32>} : memref<128x256xbf16, #tpu.memory_space<vmem>>, vector<32xbf16>,
        tpu.vector_store %arg11[%parallel_loop3A_665, %parallel_loop3A_666], %parallel_loop3A_664 {strides = array<i32>} : memref<128x256xbf16, #tpu.memory_space<vmem>>, vector<32xbf16>,
        %parallel_loop3A_668 = vector.extract_strided_slice %parallel_loop3A_91 {offsets = [9], sizes = [1], strides = [1]} : vector<16xf32> to vector<1xf32>
        %parallel_loop3A_669 = vector.extract %parallel_loop3A_668[0] : f32 from vector<1xf32>
        %parallel_loop3A_670 = vector.broadcast %parallel_loop3A_669 : f32 to vector<16xf32>
        %parallel_loop3A_671 = tpu.pack_subelements %parallel_loop3A_670, %parallel_loop3A_670 {pack_format = #tpu.pack_format<interleaved>, positions = array<i32: 0, 1>} : vector<16xf32>, vector<16xf32> -> vector<32xbf16>
        %parallel_loop3A_672 = arith.constant 16 : i32
        %parallel_loop3A_673 = arith.muli %parallel_loop3A_84, %parallel_loop3A_672 : i32
        %parallel_loop3A_674 = arith.constant 9 : i32
        %parallel_loop3A_675 = arith.addi %parallel_loop3A_673, %parallel_loop3A_674 : i32
        %parallel_loop3A_676 = arith.index_cast %parallel_loop3A_675 : i32 to index
        %parallel_loop3A_677 = arith.constant 0 : index
        %parallel_loop3A_678 = tpu.vector_load %arg10[%parallel_loop3A_676, %parallel_loop3A_677] {strides = array<i32>} : memref<128x256xbf16, #tpu.memory_space<vmem>>, vector<32xbf16>,
        %parallel_loop3A_679 = arith.mulf %parallel_loop3A_678, %parallel_loop3A_671 : vector<32xbf16>
        %parallel_loop3A_680 = arith.index_cast %parallel_loop3A_675 : i32 to index
        %parallel_loop3A_681 = arith.constant 0 : index
        %parallel_loop3A_682 = tpu.vector_load %arg11[%parallel_loop3A_680, %parallel_loop3A_681] {strides = array<i32>} : memref<128x256xbf16, #tpu.memory_space<vmem>>, vector<32xbf16>,
        tpu.vector_store %arg11[%parallel_loop3A_680, %parallel_loop3A_681], %parallel_loop3A_679 {strides = array<i32>} : memref<128x256xbf16, #tpu.memory_space<vmem>>, vector<32xbf16>,
        %parallel_loop3A_683 = arith.index_cast %parallel_loop3A_675 : i32 to index
        %parallel_loop3A_684 = arith.constant 32 : index
        %parallel_loop3A_685 = tpu.vector_load %arg10[%parallel_loop3A_683, %parallel_loop3A_684] {strides = array<i32>} : memref<128x256xbf16, #tpu.memory_space<vmem>>, vector<32xbf16>,
        %parallel_loop3A_686 = arith.mulf %parallel_loop3A_685, %parallel_loop3A_671 : vector<32xbf16>
        %parallel_loop3A_687 = arith.index_cast %parallel_loop3A_675 : i32 to index
        %parallel_loop3A_688 = arith.constant 32 : index
        %parallel_loop3A_689 = tpu.vector_load %arg11[%parallel_loop3A_687, %parallel_loop3A_688] {strides = array<i32>} : memref<128x256xbf16, #tpu.memory_space<vmem>>, vector<32xbf16>,
        tpu.vector_store %arg11[%parallel_loop3A_687, %parallel_loop3A_688], %parallel_loop3A_686 {strides = array<i32>} : memref<128x256xbf16, #tpu.memory_space<vmem>>, vector<32xbf16>,
        %parallel_loop3A_690 = arith.index_cast %parallel_loop3A_675 : i32 to index
        %parallel_loop3A_691 = arith.constant 64 : index
        %parallel_loop3A_692 = tpu.vector_load %arg10[%parallel_loop3A_690, %parallel_loop3A_691] {strides = array<i32>} : memref<128x256xbf16, #tpu.memory_space<vmem>>, vector<32xbf16>,
        %parallel_loop3A_693 = arith.mulf %parallel_loop3A_692, %parallel_loop3A_671 : vector<32xbf16>
        %parallel_loop3A_694 = arith.index_cast %parallel_loop3A_675 : i32 to index
        %parallel_loop3A_695 = arith.constant 64 : index
        %parallel_loop3A_696 = tpu.vector_load %arg11[%parallel_loop3A_694, %parallel_loop3A_695] {strides = array<i32>} : memref<128x256xbf16, #tpu.memory_space<vmem>>, vector<32xbf16>,
        tpu.vector_store %arg11[%parallel_loop3A_694, %parallel_loop3A_695], %parallel_loop3A_693 {strides = array<i32>} : memref<128x256xbf16, #tpu.memory_space<vmem>>, vector<32xbf16>,
        %parallel_loop3A_697 = arith.index_cast %parallel_loop3A_675 : i32 to index
        %parallel_loop3A_698 = arith.constant 96 : index
        %parallel_loop3A_699 = tpu.vector_load %arg10[%parallel_loop3A_697, %parallel_loop3A_698] {strides = array<i32>} : memref<128x256xbf16, #tpu.memory_space<vmem>>, vector<32xbf16>,
        %parallel_loop3A_700 = arith.mulf %parallel_loop3A_699, %parallel_loop3A_671 : vector<32xbf16>
        %parallel_loop3A_701 = arith.index_cast %parallel_loop3A_675 : i32 to index
        %parallel_loop3A_702 = arith.constant 96 : index
        %parallel_loop3A_703 = tpu.vector_load %arg11[%parallel_loop3A_701, %parallel_loop3A_702] {strides = array<i32>} : memref<128x256xbf16, #tpu.memory_space<vmem>>, vector<32xbf16>,
        tpu.vector_store %arg11[%parallel_loop3A_701, %parallel_loop3A_702], %parallel_loop3A_700 {strides = array<i32>} : memref<128x256xbf16, #tpu.memory_space<vmem>>, vector<32xbf16>,
        %parallel_loop3A_704 = arith.index_cast %parallel_loop3A_675 : i32 to index
        %parallel_loop3A_705 = arith.constant 128 : index
        %parallel_loop3A_706 = tpu.vector_load %arg10[%parallel_loop3A_704, %parallel_loop3A_705] {strides = array<i32>} : memref<128x256xbf16, #tpu.memory_space<vmem>>, vector<32xbf16>,
        %parallel_loop3A_707 = arith.mulf %parallel_loop3A_706, %parallel_loop3A_671 : vector<32xbf16>
        %parallel_loop3A_708 = arith.index_cast %parallel_loop3A_675 : i32 to index
        %parallel_loop3A_709 = arith.constant 128 : index
        %parallel_loop3A_710 = tpu.vector_load %arg11[%parallel_loop3A_708, %parallel_loop3A_709] {strides = array<i32>} : memref<128x256xbf16, #tpu.memory_space<vmem>>, vector<32xbf16>,
        tpu.vector_store %arg11[%parallel_loop3A_708, %parallel_loop3A_709], %parallel_loop3A_707 {strides = array<i32>} : memref<128x256xbf16, #tpu.memory_space<vmem>>, vector<32xbf16>,
        %parallel_loop3A_711 = arith.index_cast %parallel_loop3A_675 : i32 to index
        %parallel_loop3A_712 = arith.constant 160 : index
        %parallel_loop3A_713 = tpu.vector_load %arg10[%parallel_loop3A_711, %parallel_loop3A_712] {strides = array<i32>} : memref<128x256xbf16, #tpu.memory_space<vmem>>, vector<32xbf16>,
        %parallel_loop3A_714 = arith.mulf %parallel_loop3A_713, %parallel_loop3A_671 : vector<32xbf16>
        %parallel_loop3A_715 = arith.index_cast %parallel_loop3A_675 : i32 to index
        %parallel_loop3A_716 = arith.constant 160 : index
        %parallel_loop3A_717 = tpu.vector_load %arg11[%parallel_loop3A_715, %parallel_loop3A_716] {strides = array<i32>} : memref<128x256xbf16, #tpu.memory_space<vmem>>, vector<32xbf16>,
        tpu.vector_store %arg11[%parallel_loop3A_715, %parallel_loop3A_716], %parallel_loop3A_714 {strides = array<i32>} : memref<128x256xbf16, #tpu.memory_space<vmem>>, vector<32xbf16>,
        %parallel_loop3A_718 = arith.index_cast %parallel_loop3A_675 : i32 to index
        %parallel_loop3A_719 = arith.constant 192 : index
        %parallel_loop3A_720 = tpu.vector_load %arg10[%parallel_loop3A_718, %parallel_loop3A_719] {strides = array<i32>} : memref<128x256xbf16, #tpu.memory_space<vmem>>, vector<32xbf16>,
        %parallel_loop3A_721 = arith.mulf %parallel_loop3A_720, %parallel_loop3A_671 : vector<32xbf16>
        %parallel_loop3A_722 = arith.index_cast %parallel_loop3A_675 : i32 to index
        %parallel_loop3A_723 = arith.constant 192 : index
        %parallel_loop3A_724 = tpu.vector_load %arg11[%parallel_loop3A_722, %parallel_loop3A_723] {strides = array<i32>} : memref<128x256xbf16, #tpu.memory_space<vmem>>, vector<32xbf16>,
        tpu.vector_store %arg11[%parallel_loop3A_722, %parallel_loop3A_723], %parallel_loop3A_721 {strides = array<i32>} : memref<128x256xbf16, #tpu.memory_space<vmem>>, vector<32xbf16>,
        %parallel_loop3A_725 = arith.index_cast %parallel_loop3A_675 : i32 to index
        %parallel_loop3A_726 = arith.constant 224 : index
        %parallel_loop3A_727 = tpu.vector_load %arg10[%parallel_loop3A_725, %parallel_loop3A_726] {strides = array<i32>} : memref<128x256xbf16, #tpu.memory_space<vmem>>, vector<32xbf16>,
        %parallel_loop3A_728 = arith.mulf %parallel_loop3A_727, %parallel_loop3A_671 : vector<32xbf16>
        %parallel_loop3A_729 = arith.index_cast %parallel_loop3A_675 : i32 to index
        %parallel_loop3A_730 = arith.constant 224 : index
        %parallel_loop3A_731 = tpu.vector_load %arg11[%parallel_loop3A_729, %parallel_loop3A_730] {strides = array<i32>} : memref<128x256xbf16, #tpu.memory_space<vmem>>, vector<32xbf16>,
        tpu.vector_store %arg11[%parallel_loop3A_729, %parallel_loop3A_730], %parallel_loop3A_728 {strides = array<i32>} : memref<128x256xbf16, #tpu.memory_space<vmem>>, vector<32xbf16>,
        %parallel_loop3A_732 = vector.extract_strided_slice %parallel_loop3A_91 {offsets = [10], sizes = [1], strides = [1]} : vector<16xf32> to vector<1xf32>
        %parallel_loop3A_733 = vector.extract %parallel_loop3A_732[0] : f32 from vector<1xf32>
        %parallel_loop3A_734 = vector.broadcast %parallel_loop3A_733 : f32 to vector<16xf32>
        %parallel_loop3A_735 = tpu.pack_subelements %parallel_loop3A_734, %parallel_loop3A_734 {pack_format = #tpu.pack_format<interleaved>, positions = array<i32: 0, 1>} : vector<16xf32>, vector<16xf32> -> vector<32xbf16>
        %parallel_loop3A_736 = arith.constant 16 : i32
        %parallel_loop3A_737 = arith.muli %parallel_loop3A_84, %parallel_loop3A_736 : i32
        %parallel_loop3A_738 = arith.constant 10 : i32
        %parallel_loop3A_739 = arith.addi %parallel_loop3A_737, %parallel_loop3A_738 : i32
        %parallel_loop3A_740 = arith.index_cast %parallel_loop3A_739 : i32 to index
        %parallel_loop3A_741 = arith.constant 0 : index
        %parallel_loop3A_742 = tpu.vector_load %arg10[%parallel_loop3A_740, %parallel_loop3A_741] {strides = array<i32>} : memref<128x256xbf16, #tpu.memory_space<vmem>>, vector<32xbf16>,
        %parallel_loop3A_743 = arith.mulf %parallel_loop3A_742, %parallel_loop3A_735 : vector<32xbf16>
        %parallel_loop3A_744 = arith.index_cast %parallel_loop3A_739 : i32 to index
        %parallel_loop3A_745 = arith.constant 0 : index
        %parallel_loop3A_746 = tpu.vector_load %arg11[%parallel_loop3A_744, %parallel_loop3A_745] {strides = array<i32>} : memref<128x256xbf16, #tpu.memory_space<vmem>>, vector<32xbf16>,
        tpu.vector_store %arg11[%parallel_loop3A_744, %parallel_loop3A_745], %parallel_loop3A_743 {strides = array<i32>} : memref<128x256xbf16, #tpu.memory_space<vmem>>, vector<32xbf16>,
        %parallel_loop3A_747 = arith.index_cast %parallel_loop3A_739 : i32 to index
        %parallel_loop3A_748 = arith.constant 32 : index
        %parallel_loop3A_749 = tpu.vector_load %arg10[%parallel_loop3A_747, %parallel_loop3A_748] {strides = array<i32>} : memref<128x256xbf16, #tpu.memory_space<vmem>>, vector<32xbf16>,
        %parallel_loop3A_750 = arith.mulf %parallel_loop3A_749, %parallel_loop3A_735 : vector<32xbf16>
        %parallel_loop3A_751 = arith.index_cast %parallel_loop3A_739 : i32 to index
        %parallel_loop3A_752 = arith.constant 32 : index
        %parallel_loop3A_753 = tpu.vector_load %arg11[%parallel_loop3A_751, %parallel_loop3A_752] {strides = array<i32>} : memref<128x256xbf16, #tpu.memory_space<vmem>>, vector<32xbf16>,
        tpu.vector_store %arg11[%parallel_loop3A_751, %parallel_loop3A_752], %parallel_loop3A_750 {strides = array<i32>} : memref<128x256xbf16, #tpu.memory_space<vmem>>, vector<32xbf16>,
        %parallel_loop3A_754 = arith.index_cast %parallel_loop3A_739 : i32 to index
        %parallel_loop3A_755 = arith.constant 64 : index
        %parallel_loop3A_756 = tpu.vector_load %arg10[%parallel_loop3A_754, %parallel_loop3A_755] {strides = array<i32>} : memref<128x256xbf16, #tpu.memory_space<vmem>>, vector<32xbf16>,
        %parallel_loop3A_757 = arith.mulf %parallel_loop3A_756, %parallel_loop3A_735 : vector<32xbf16>
        %parallel_loop3A_758 = arith.index_cast %parallel_loop3A_739 : i32 to index
        %parallel_loop3A_759 = arith.constant 64 : index
        %parallel_loop3A_760 = tpu.vector_load %arg11[%parallel_loop3A_758, %parallel_loop3A_759] {strides = array<i32>} : memref<128x256xbf16, #tpu.memory_space<vmem>>, vector<32xbf16>,
        tpu.vector_store %arg11[%parallel_loop3A_758, %parallel_loop3A_759], %parallel_loop3A_757 {strides = array<i32>} : memref<128x256xbf16, #tpu.memory_space<vmem>>, vector<32xbf16>,
        %parallel_loop3A_761 = arith.index_cast %parallel_loop3A_739 : i32 to index
        %parallel_loop3A_762 = arith.constant 96 : index
        %parallel_loop3A_763 = tpu.vector_load %arg10[%parallel_loop3A_761, %parallel_loop3A_762] {strides = array<i32>} : memref<128x256xbf16, #tpu.memory_space<vmem>>, vector<32xbf16>,
        %parallel_loop3A_764 = arith.mulf %parallel_loop3A_763, %parallel_loop3A_735 : vector<32xbf16>
        %parallel_loop3A_765 = arith.index_cast %parallel_loop3A_739 : i32 to index
        %parallel_loop3A_766 = arith.constant 96 : index
        %parallel_loop3A_767 = tpu.vector_load %arg11[%parallel_loop3A_765, %parallel_loop3A_766] {strides = array<i32>} : memref<128x256xbf16, #tpu.memory_space<vmem>>, vector<32xbf16>,
        tpu.vector_store %arg11[%parallel_loop3A_765, %parallel_loop3A_766], %parallel_loop3A_764 {strides = array<i32>} : memref<128x256xbf16, #tpu.memory_space<vmem>>, vector<32xbf16>,
        %parallel_loop3A_768 = arith.index_cast %parallel_loop3A_739 : i32 to index
        %parallel_loop3A_769 = arith.constant 128 : index
        %parallel_loop3A_770 = tpu.vector_load %arg10[%parallel_loop3A_768, %parallel_loop3A_769] {strides = array<i32>} : memref<128x256xbf16, #tpu.memory_space<vmem>>, vector<32xbf16>,
        %parallel_loop3A_771 = arith.mulf %parallel_loop3A_770, %parallel_loop3A_735 : vector<32xbf16>
        %parallel_loop3A_772 = arith.index_cast %parallel_loop3A_739 : i32 to index
        %parallel_loop3A_773 = arith.constant 128 : index
        %parallel_loop3A_774 = tpu.vector_load %arg11[%parallel_loop3A_772, %parallel_loop3A_773] {strides = array<i32>} : memref<128x256xbf16, #tpu.memory_space<vmem>>, vector<32xbf16>,
        tpu.vector_store %arg11[%parallel_loop3A_772, %parallel_loop3A_773], %parallel_loop3A_771 {strides = array<i32>} : memref<128x256xbf16, #tpu.memory_space<vmem>>, vector<32xbf16>,
        %parallel_loop3A_775 = arith.index_cast %parallel_loop3A_739 : i32 to index
        %parallel_loop3A_776 = arith.constant 160 : index
        %parallel_loop3A_777 = tpu.vector_load %arg10[%parallel_loop3A_775, %parallel_loop3A_776] {strides = array<i32>} : memref<128x256xbf16, #tpu.memory_space<vmem>>, vector<32xbf16>,
        %parallel_loop3A_778 = arith.mulf %parallel_loop3A_777, %parallel_loop3A_735 : vector<32xbf16>
        %parallel_loop3A_779 = arith.index_cast %parallel_loop3A_739 : i32 to index
        %parallel_loop3A_780 = arith.constant 160 : index
        %parallel_loop3A_781 = tpu.vector_load %arg11[%parallel_loop3A_779, %parallel_loop3A_780] {strides = array<i32>} : memref<128x256xbf16, #tpu.memory_space<vmem>>, vector<32xbf16>,
        tpu.vector_store %arg11[%parallel_loop3A_779, %parallel_loop3A_780], %parallel_loop3A_778 {strides = array<i32>} : memref<128x256xbf16, #tpu.memory_space<vmem>>, vector<32xbf16>,
        %parallel_loop3A_782 = arith.index_cast %parallel_loop3A_739 : i32 to index
        %parallel_loop3A_783 = arith.constant 192 : index
        %parallel_loop3A_784 = tpu.vector_load %arg10[%parallel_loop3A_782, %parallel_loop3A_783] {strides = array<i32>} : memref<128x256xbf16, #tpu.memory_space<vmem>>, vector<32xbf16>,
        %parallel_loop3A_785 = arith.mulf %parallel_loop3A_784, %parallel_loop3A_735 : vector<32xbf16>
        %parallel_loop3A_786 = arith.index_cast %parallel_loop3A_739 : i32 to index
        %parallel_loop3A_787 = arith.constant 192 : index
        %parallel_loop3A_788 = tpu.vector_load %arg11[%parallel_loop3A_786, %parallel_loop3A_787] {strides = array<i32>} : memref<128x256xbf16, #tpu.memory_space<vmem>>, vector<32xbf16>,
        tpu.vector_store %arg11[%parallel_loop3A_786, %parallel_loop3A_787], %parallel_loop3A_785 {strides = array<i32>} : memref<128x256xbf16, #tpu.memory_space<vmem>>, vector<32xbf16>,
        %parallel_loop3A_789 = arith.index_cast %parallel_loop3A_739 : i32 to index
        %parallel_loop3A_790 = arith.constant 224 : index
        %parallel_loop3A_791 = tpu.vector_load %arg10[%parallel_loop3A_789, %parallel_loop3A_790] {strides = array<i32>} : memref<128x256xbf16, #tpu.memory_space<vmem>>, vector<32xbf16>,
        %parallel_loop3A_792 = arith.mulf %parallel_loop3A_791, %parallel_loop3A_735 : vector<32xbf16>
        %parallel_loop3A_793 = arith.index_cast %parallel_loop3A_739 : i32 to index
        %parallel_loop3A_794 = arith.constant 224 : index
        %parallel_loop3A_795 = tpu.vector_load %arg11[%parallel_loop3A_793, %parallel_loop3A_794] {strides = array<i32>} : memref<128x256xbf16, #tpu.memory_space<vmem>>, vector<32xbf16>,
        tpu.vector_store %arg11[%parallel_loop3A_793, %parallel_loop3A_794], %parallel_loop3A_792 {strides = array<i32>} : memref<128x256xbf16, #tpu.memory_space<vmem>>, vector<32xbf16>,
        %parallel_loop3A_796 = vector.extract_strided_slice %parallel_loop3A_91 {offsets = [11], sizes = [1], strides = [1]} : vector<16xf32> to vector<1xf32>
        %parallel_loop3A_797 = vector.extract %parallel_loop3A_796[0] : f32 from vector<1xf32>
        %parallel_loop3A_798 = vector.broadcast %parallel_loop3A_797 : f32 to vector<16xf32>
        %parallel_loop3A_799 = tpu.pack_subelements %parallel_loop3A_798, %parallel_loop3A_798 {pack_format = #tpu.pack_format<interleaved>, positions = array<i32: 0, 1>} : vector<16xf32>, vector<16xf32> -> vector<32xbf16>
        %parallel_loop3A_800 = arith.constant 16 : i32
        %parallel_loop3A_801 = arith.muli %parallel_loop3A_84, %parallel_loop3A_800 : i32
        %parallel_loop3A_802 = arith.constant 11 : i32
        %parallel_loop3A_803 = arith.addi %parallel_loop3A_801, %parallel_loop3A_802 : i32
        %parallel_loop3A_804 = arith.index_cast %parallel_loop3A_803 : i32 to index
        %parallel_loop3A_805 = arith.constant 0 : index
        %parallel_loop3A_806 = tpu.vector_load %arg10[%parallel_loop3A_804, %parallel_loop3A_805] {strides = array<i32>} : memref<128x256xbf16, #tpu.memory_space<vmem>>, vector<32xbf16>,
        %parallel_loop3A_807 = arith.mulf %parallel_loop3A_806, %parallel_loop3A_799 : vector<32xbf16>
        %parallel_loop3A_808 = arith.index_cast %parallel_loop3A_803 : i32 to index
        %parallel_loop3A_809 = arith.constant 0 : index
        %parallel_loop3A_810 = tpu.vector_load %arg11[%parallel_loop3A_808, %parallel_loop3A_809] {strides = array<i32>} : memref<128x256xbf16, #tpu.memory_space<vmem>>, vector<32xbf16>,
        tpu.vector_store %arg11[%parallel_loop3A_808, %parallel_loop3A_809], %parallel_loop3A_807 {strides = array<i32>} : memref<128x256xbf16, #tpu.memory_space<vmem>>, vector<32xbf16>,
        %parallel_loop3A_811 = arith.index_cast %parallel_loop3A_803 : i32 to index
        %parallel_loop3A_812 = arith.constant 32 : index
        %parallel_loop3A_813 = tpu.vector_load %arg10[%parallel_loop3A_811, %parallel_loop3A_812] {strides = array<i32>} : memref<128x256xbf16, #tpu.memory_space<vmem>>, vector<32xbf16>,
        %parallel_loop3A_814 = arith.mulf %parallel_loop3A_813, %parallel_loop3A_799 : vector<32xbf16>
        %parallel_loop3A_815 = arith.index_cast %parallel_loop3A_803 : i32 to index
        %parallel_loop3A_816 = arith.constant 32 : index
        %parallel_loop3A_817 = tpu.vector_load %arg11[%parallel_loop3A_815, %parallel_loop3A_816] {strides = array<i32>} : memref<128x256xbf16, #tpu.memory_space<vmem>>, vector<32xbf16>,
        tpu.vector_store %arg11[%parallel_loop3A_815, %parallel_loop3A_816], %parallel_loop3A_814 {strides = array<i32>} : memref<128x256xbf16, #tpu.memory_space<vmem>>, vector<32xbf16>,
        %parallel_loop3A_818 = arith.index_cast %parallel_loop3A_803 : i32 to index
        %parallel_loop3A_819 = arith.constant 64 : index
        %parallel_loop3A_820 = tpu.vector_load %arg10[%parallel_loop3A_818, %parallel_loop3A_819] {strides = array<i32>} : memref<128x256xbf16, #tpu.memory_space<vmem>>, vector<32xbf16>,
        %parallel_loop3A_821 = arith.mulf %parallel_loop3A_820, %parallel_loop3A_799 : vector<32xbf16>
        %parallel_loop3A_822 = arith.index_cast %parallel_loop3A_803 : i32 to index
        %parallel_loop3A_823 = arith.constant 64 : index
        %parallel_loop3A_824 = tpu.vector_load %arg11[%parallel_loop3A_822, %parallel_loop3A_823] {strides = array<i32>} : memref<128x256xbf16, #tpu.memory_space<vmem>>, vector<32xbf16>,
        tpu.vector_store %arg11[%parallel_loop3A_822, %parallel_loop3A_823], %parallel_loop3A_821 {strides = array<i32>} : memref<128x256xbf16, #tpu.memory_space<vmem>>, vector<32xbf16>,
        %parallel_loop3A_825 = arith.index_cast %parallel_loop3A_803 : i32 to index
        %parallel_loop3A_826 = arith.constant 96 : index
        %parallel_loop3A_827 = tpu.vector_load %arg10[%parallel_loop3A_825, %parallel_loop3A_826] {strides = array<i32>} : memref<128x256xbf16, #tpu.memory_space<vmem>>, vector<32xbf16>,
        %parallel_loop3A_828 = arith.mulf %parallel_loop3A_827, %parallel_loop3A_799 : vector<32xbf16>
        %parallel_loop3A_829 = arith.index_cast %parallel_loop3A_803 : i32 to index
        %parallel_loop3A_830 = arith.constant 96 : index
        %parallel_loop3A_831 = tpu.vector_load %arg11[%parallel_loop3A_829, %parallel_loop3A_830] {strides = array<i32>} : memref<128x256xbf16, #tpu.memory_space<vmem>>, vector<32xbf16>,
        tpu.vector_store %arg11[%parallel_loop3A_829, %parallel_loop3A_830], %parallel_loop3A_828 {strides = array<i32>} : memref<128x256xbf16, #tpu.memory_space<vmem>>, vector<32xbf16>,
        %parallel_loop3A_832 = arith.index_cast %parallel_loop3A_803 : i32 to index
        %parallel_loop3A_833 = arith.constant 128 : index
        %parallel_loop3A_834 = tpu.vector_load %arg10[%parallel_loop3A_832, %parallel_loop3A_833] {strides = array<i32>} : memref<128x256xbf16, #tpu.memory_space<vmem>>, vector<32xbf16>,
        %parallel_loop3A_835 = arith.mulf %parallel_loop3A_834, %parallel_loop3A_799 : vector<32xbf16>
        %parallel_loop3A_836 = arith.index_cast %parallel_loop3A_803 : i32 to index
        %parallel_loop3A_837 = arith.constant 128 : index
        %parallel_loop3A_838 = tpu.vector_load %arg11[%parallel_loop3A_836, %parallel_loop3A_837] {strides = array<i32>} : memref<128x256xbf16, #tpu.memory_space<vmem>>, vector<32xbf16>,
        tpu.vector_store %arg11[%parallel_loop3A_836, %parallel_loop3A_837], %parallel_loop3A_835 {strides = array<i32>} : memref<128x256xbf16, #tpu.memory_space<vmem>>, vector<32xbf16>,
        %parallel_loop3A_839 = arith.index_cast %parallel_loop3A_803 : i32 to index
        %parallel_loop3A_840 = arith.constant 160 : index
        %parallel_loop3A_841 = tpu.vector_load %arg10[%parallel_loop3A_839, %parallel_loop3A_840] {strides = array<i32>} : memref<128x256xbf16, #tpu.memory_space<vmem>>, vector<32xbf16>,
        %parallel_loop3A_842 = arith.mulf %parallel_loop3A_841, %parallel_loop3A_799 : vector<32xbf16>
        %parallel_loop3A_843 = arith.index_cast %parallel_loop3A_803 : i32 to index
        %parallel_loop3A_844 = arith.constant 160 : index
        %parallel_loop3A_845 = tpu.vector_load %arg11[%parallel_loop3A_843, %parallel_loop3A_844] {strides = array<i32>} : memref<128x256xbf16, #tpu.memory_space<vmem>>, vector<32xbf16>,
        tpu.vector_store %arg11[%parallel_loop3A_843, %parallel_loop3A_844], %parallel_loop3A_842 {strides = array<i32>} : memref<128x256xbf16, #tpu.memory_space<vmem>>, vector<32xbf16>,
        %parallel_loop3A_846 = arith.index_cast %parallel_loop3A_803 : i32 to index
        %parallel_loop3A_847 = arith.constant 192 : index
        %parallel_loop3A_848 = tpu.vector_load %arg10[%parallel_loop3A_846, %parallel_loop3A_847] {strides = array<i32>} : memref<128x256xbf16, #tpu.memory_space<vmem>>, vector<32xbf16>,
        %parallel_loop3A_849 = arith.mulf %parallel_loop3A_848, %parallel_loop3A_799 : vector<32xbf16>
        %parallel_loop3A_850 = arith.index_cast %parallel_loop3A_803 : i32 to index
        %parallel_loop3A_851 = arith.constant 192 : index
        %parallel_loop3A_852 = tpu.vector_load %arg11[%parallel_loop3A_850, %parallel_loop3A_851] {strides = array<i32>} : memref<128x256xbf16, #tpu.memory_space<vmem>>, vector<32xbf16>,
        tpu.vector_store %arg11[%parallel_loop3A_850, %parallel_loop3A_851], %parallel_loop3A_849 {strides = array<i32>} : memref<128x256xbf16, #tpu.memory_space<vmem>>, vector<32xbf16>,
        %parallel_loop3A_853 = arith.index_cast %parallel_loop3A_803 : i32 to index
        %parallel_loop3A_854 = arith.constant 224 : index
        %parallel_loop3A_855 = tpu.vector_load %arg10[%parallel_loop3A_853, %parallel_loop3A_854] {strides = array<i32>} : memref<128x256xbf16, #tpu.memory_space<vmem>>, vector<32xbf16>,
        %parallel_loop3A_856 = arith.mulf %parallel_loop3A_855, %parallel_loop3A_799 : vector<32xbf16>
        %parallel_loop3A_857 = arith.index_cast %parallel_loop3A_803 : i32 to index
        %parallel_loop3A_858 = arith.constant 224 : index
        %parallel_loop3A_859 = tpu.vector_load %arg11[%parallel_loop3A_857, %parallel_loop3A_858] {strides = array<i32>} : memref<128x256xbf16, #tpu.memory_space<vmem>>, vector<32xbf16>,
        tpu.vector_store %arg11[%parallel_loop3A_857, %parallel_loop3A_858], %parallel_loop3A_856 {strides = array<i32>} : memref<128x256xbf16, #tpu.memory_space<vmem>>, vector<32xbf16>,
        %parallel_loop3A_860 = vector.extract_strided_slice %parallel_loop3A_91 {offsets = [12], sizes = [1], strides = [1]} : vector<16xf32> to vector<1xf32>
        %parallel_loop3A_861 = vector.extract %parallel_loop3A_860[0] : f32 from vector<1xf32>
        %parallel_loop3A_862 = vector.broadcast %parallel_loop3A_861 : f32 to vector<16xf32>
        %parallel_loop3A_863 = tpu.pack_subelements %parallel_loop3A_862, %parallel_loop3A_862 {pack_format = #tpu.pack_format<interleaved>, positions = array<i32: 0, 1>} : vector<16xf32>, vector<16xf32> -> vector<32xbf16>
        %parallel_loop3A_864 = arith.constant 16 : i32
        %parallel_loop3A_865 = arith.muli %parallel_loop3A_84, %parallel_loop3A_864 : i32
        %parallel_loop3A_866 = arith.constant 12 : i32
        %parallel_loop3A_867 = arith.addi %parallel_loop3A_865, %parallel_loop3A_866 : i32
        %parallel_loop3A_868 = arith.index_cast %parallel_loop3A_867 : i32 to index
        %parallel_loop3A_869 = arith.constant 0 : index
        %parallel_loop3A_870 = tpu.vector_load %arg10[%parallel_loop3A_868, %parallel_loop3A_869] {strides = array<i32>} : memref<128x256xbf16, #tpu.memory_space<vmem>>, vector<32xbf16>,
        %parallel_loop3A_871 = arith.mulf %parallel_loop3A_870, %parallel_loop3A_863 : vector<32xbf16>
        %parallel_loop3A_872 = arith.index_cast %parallel_loop3A_867 : i32 to index
        %parallel_loop3A_873 = arith.constant 0 : index
        %parallel_loop3A_874 = tpu.vector_load %arg11[%parallel_loop3A_872, %parallel_loop3A_873] {strides = array<i32>} : memref<128x256xbf16, #tpu.memory_space<vmem>>, vector<32xbf16>,
        tpu.vector_store %arg11[%parallel_loop3A_872, %parallel_loop3A_873], %parallel_loop3A_871 {strides = array<i32>} : memref<128x256xbf16, #tpu.memory_space<vmem>>, vector<32xbf16>,
        %parallel_loop3A_875 = arith.index_cast %parallel_loop3A_867 : i32 to index
        %parallel_loop3A_876 = arith.constant 32 : index
        %parallel_loop3A_877 = tpu.vector_load %arg10[%parallel_loop3A_875, %parallel_loop3A_876] {strides = array<i32>} : memref<128x256xbf16, #tpu.memory_space<vmem>>, vector<32xbf16>,
        %parallel_loop3A_878 = arith.mulf %parallel_loop3A_877, %parallel_loop3A_863 : vector<32xbf16>
        %parallel_loop3A_879 = arith.index_cast %parallel_loop3A_867 : i32 to index
        %parallel_loop3A_880 = arith.constant 32 : index
        %parallel_loop3A_881 = tpu.vector_load %arg11[%parallel_loop3A_879, %parallel_loop3A_880] {strides = array<i32>} : memref<128x256xbf16, #tpu.memory_space<vmem>>, vector<32xbf16>,
        tpu.vector_store %arg11[%parallel_loop3A_879, %parallel_loop3A_880], %parallel_loop3A_878 {strides = array<i32>} : memref<128x256xbf16, #tpu.memory_space<vmem>>, vector<32xbf16>,
        %parallel_loop3A_882 = arith.index_cast %parallel_loop3A_867 : i32 to index
        %parallel_loop3A_883 = arith.constant 64 : index
        %parallel_loop3A_884 = tpu.vector_load %arg10[%parallel_loop3A_882, %parallel_loop3A_883] {strides = array<i32>} : memref<128x256xbf16, #tpu.memory_space<vmem>>, vector<32xbf16>,
        %parallel_loop3A_885 = arith.mulf %parallel_loop3A_884, %parallel_loop3A_863 : vector<32xbf16>
        %parallel_loop3A_886 = arith.index_cast %parallel_loop3A_867 : i32 to index
        %parallel_loop3A_887 = arith.constant 64 : index
        %parallel_loop3A_888 = tpu.vector_load %arg11[%parallel_loop3A_886, %parallel_loop3A_887] {strides = array<i32>} : memref<128x256xbf16, #tpu.memory_space<vmem>>, vector<32xbf16>,
        tpu.vector_store %arg11[%parallel_loop3A_886, %parallel_loop3A_887], %parallel_loop3A_885 {strides = array<i32>} : memref<128x256xbf16, #tpu.memory_space<vmem>>, vector<32xbf16>,
        %parallel_loop3A_889 = arith.index_cast %parallel_loop3A_867 : i32 to index
        %parallel_loop3A_890 = arith.constant 96 : index
        %parallel_loop3A_891 = tpu.vector_load %arg10[%parallel_loop3A_889, %parallel_loop3A_890] {strides = array<i32>} : memref<128x256xbf16, #tpu.memory_space<vmem>>, vector<32xbf16>,
        %parallel_loop3A_892 = arith.mulf %parallel_loop3A_891, %parallel_loop3A_863 : vector<32xbf16>
        %parallel_loop3A_893 = arith.index_cast %parallel_loop3A_867 : i32 to index
        %parallel_loop3A_894 = arith.constant 96 : index
        %parallel_loop3A_895 = tpu.vector_load %arg11[%parallel_loop3A_893, %parallel_loop3A_894] {strides = array<i32>} : memref<128x256xbf16, #tpu.memory_space<vmem>>, vector<32xbf16>,
        tpu.vector_store %arg11[%parallel_loop3A_893, %parallel_loop3A_894], %parallel_loop3A_892 {strides = array<i32>} : memref<128x256xbf16, #tpu.memory_space<vmem>>, vector<32xbf16>,
        %parallel_loop3A_896 = arith.index_cast %parallel_loop3A_867 : i32 to index
        %parallel_loop3A_897 = arith.constant 128 : index
        %parallel_loop3A_898 = tpu.vector_load %arg10[%parallel_loop3A_896, %parallel_loop3A_897] {strides = array<i32>} : memref<128x256xbf16, #tpu.memory_space<vmem>>, vector<32xbf16>,
        %parallel_loop3A_899 = arith.mulf %parallel_loop3A_898, %parallel_loop3A_863 : vector<32xbf16>
        %parallel_loop3A_900 = arith.index_cast %parallel_loop3A_867 : i32 to index
        %parallel_loop3A_901 = arith.constant 128 : index
        %parallel_loop3A_902 = tpu.vector_load %arg11[%parallel_loop3A_900, %parallel_loop3A_901] {strides = array<i32>} : memref<128x256xbf16, #tpu.memory_space<vmem>>, vector<32xbf16>,
        tpu.vector_store %arg11[%parallel_loop3A_900, %parallel_loop3A_901], %parallel_loop3A_899 {strides = array<i32>} : memref<128x256xbf16, #tpu.memory_space<vmem>>, vector<32xbf16>,
        %parallel_loop3A_903 = arith.index_cast %parallel_loop3A_867 : i32 to index
        %parallel_loop3A_904 = arith.constant 160 : index
        %parallel_loop3A_905 = tpu.vector_load %arg10[%parallel_loop3A_903, %parallel_loop3A_904] {strides = array<i32>} : memref<128x256xbf16, #tpu.memory_space<vmem>>, vector<32xbf16>,
        %parallel_loop3A_906 = arith.mulf %parallel_loop3A_905, %parallel_loop3A_863 : vector<32xbf16>
        %parallel_loop3A_907 = arith.index_cast %parallel_loop3A_867 : i32 to index
        %parallel_loop3A_908 = arith.constant 160 : index
        %parallel_loop3A_909 = tpu.vector_load %arg11[%parallel_loop3A_907, %parallel_loop3A_908] {strides = array<i32>} : memref<128x256xbf16, #tpu.memory_space<vmem>>, vector<32xbf16>,
        tpu.vector_store %arg11[%parallel_loop3A_907, %parallel_loop3A_908], %parallel_loop3A_906 {strides = array<i32>} : memref<128x256xbf16, #tpu.memory_space<vmem>>, vector<32xbf16>,
        %parallel_loop3A_910 = arith.index_cast %parallel_loop3A_867 : i32 to index
        %parallel_loop3A_911 = arith.constant 192 : index
        %parallel_loop3A_912 = tpu.vector_load %arg10[%parallel_loop3A_910, %parallel_loop3A_911] {strides = array<i32>} : memref<128x256xbf16, #tpu.memory_space<vmem>>, vector<32xbf16>,
        %parallel_loop3A_913 = arith.mulf %parallel_loop3A_912, %parallel_loop3A_863 : vector<32xbf16>
        %parallel_loop3A_914 = arith.index_cast %parallel_loop3A_867 : i32 to index
        %parallel_loop3A_915 = arith.constant 192 : index
        %parallel_loop3A_916 = tpu.vector_load %arg11[%parallel_loop3A_914, %parallel_loop3A_915] {strides = array<i32>} : memref<128x256xbf16, #tpu.memory_space<vmem>>, vector<32xbf16>,
        tpu.vector_store %arg11[%parallel_loop3A_914, %parallel_loop3A_915], %parallel_loop3A_913 {strides = array<i32>} : memref<128x256xbf16, #tpu.memory_space<vmem>>, vector<32xbf16>,
        %parallel_loop3A_917 = arith.index_cast %parallel_loop3A_867 : i32 to index
        %parallel_loop3A_918 = arith.constant 224 : index
        %parallel_loop3A_919 = tpu.vector_load %arg10[%parallel_loop3A_917, %parallel_loop3A_918] {strides = array<i32>} : memref<128x256xbf16, #tpu.memory_space<vmem>>, vector<32xbf16>,
        %parallel_loop3A_920 = arith.mulf %parallel_loop3A_919, %parallel_loop3A_863 : vector<32xbf16>
        %parallel_loop3A_921 = arith.index_cast %parallel_loop3A_867 : i32 to index
        %parallel_loop3A_922 = arith.constant 224 : index
        %parallel_loop3A_923 = tpu.vector_load %arg11[%parallel_loop3A_921, %parallel_loop3A_922] {strides = array<i32>} : memref<128x256xbf16, #tpu.memory_space<vmem>>, vector<32xbf16>,
        tpu.vector_store %arg11[%parallel_loop3A_921, %parallel_loop3A_922], %parallel_loop3A_920 {strides = array<i32>} : memref<128x256xbf16, #tpu.memory_space<vmem>>, vector<32xbf16>,
        %parallel_loop3A_924 = vector.extract_strided_slice %parallel_loop3A_91 {offsets = [13], sizes = [1], strides = [1]} : vector<16xf32> to vector<1xf32>
        %parallel_loop3A_925 = vector.extract %parallel_loop3A_924[0] : f32 from vector<1xf32>
        %parallel_loop3A_926 = vector.broadcast %parallel_loop3A_925 : f32 to vector<16xf32>
        %parallel_loop3A_927 = tpu.pack_subelements %parallel_loop3A_926, %parallel_loop3A_926 {pack_format = #tpu.pack_format<interleaved>, positions = array<i32: 0, 1>} : vector<16xf32>, vector<16xf32> -> vector<32xbf16>
        %parallel_loop3A_928 = arith.constant 16 : i32
        %parallel_loop3A_929 = arith.muli %parallel_loop3A_84, %parallel_loop3A_928 : i32
        %parallel_loop3A_930 = arith.constant 13 : i32
        %parallel_loop3A_931 = arith.addi %parallel_loop3A_929, %parallel_loop3A_930 : i32
        %parallel_loop3A_932 = arith.index_cast %parallel_loop3A_931 : i32 to index
        %parallel_loop3A_933 = arith.constant 0 : index
        %parallel_loop3A_934 = tpu.vector_load %arg10[%parallel_loop3A_932, %parallel_loop3A_933] {strides = array<i32>} : memref<128x256xbf16, #tpu.memory_space<vmem>>, vector<32xbf16>,
        %parallel_loop3A_935 = arith.mulf %parallel_loop3A_934, %parallel_loop3A_927 : vector<32xbf16>
        %parallel_loop3A_936 = arith.index_cast %parallel_loop3A_931 : i32 to index
        %parallel_loop3A_937 = arith.constant 0 : index
        %parallel_loop3A_938 = tpu.vector_load %arg11[%parallel_loop3A_936, %parallel_loop3A_937] {strides = array<i32>} : memref<128x256xbf16, #tpu.memory_space<vmem>>, vector<32xbf16>,
        tpu.vector_store %arg11[%parallel_loop3A_936, %parallel_loop3A_937], %parallel_loop3A_935 {strides = array<i32>} : memref<128x256xbf16, #tpu.memory_space<vmem>>, vector<32xbf16>,
        %parallel_loop3A_939 = arith.index_cast %parallel_loop3A_931 : i32 to index
        %parallel_loop3A_940 = arith.constant 32 : index
        %parallel_loop3A_941 = tpu.vector_load %arg10[%parallel_loop3A_939, %parallel_loop3A_940] {strides = array<i32>} : memref<128x256xbf16, #tpu.memory_space<vmem>>, vector<32xbf16>,
        %parallel_loop3A_942 = arith.mulf %parallel_loop3A_941, %parallel_loop3A_927 : vector<32xbf16>
        %parallel_loop3A_943 = arith.index_cast %parallel_loop3A_931 : i32 to index
        %parallel_loop3A_944 = arith.constant 32 : index
        %parallel_loop3A_945 = tpu.vector_load %arg11[%parallel_loop3A_943, %parallel_loop3A_944] {strides = array<i32>} : memref<128x256xbf16, #tpu.memory_space<vmem>>, vector<32xbf16>,
        tpu.vector_store %arg11[%parallel_loop3A_943, %parallel_loop3A_944], %parallel_loop3A_942 {strides = array<i32>} : memref<128x256xbf16, #tpu.memory_space<vmem>>, vector<32xbf16>,
        %parallel_loop3A_946 = arith.index_cast %parallel_loop3A_931 : i32 to index
        %parallel_loop3A_947 = arith.constant 64 : index
        %parallel_loop3A_948 = tpu.vector_load %arg10[%parallel_loop3A_946, %parallel_loop3A_947] {strides = array<i32>} : memref<128x256xbf16, #tpu.memory_space<vmem>>, vector<32xbf16>,
        %parallel_loop3A_949 = arith.mulf %parallel_loop3A_948, %parallel_loop3A_927 : vector<32xbf16>
        %parallel_loop3A_950 = arith.index_cast %parallel_loop3A_931 : i32 to index
        %parallel_loop3A_951 = arith.constant 64 : index
        %parallel_loop3A_952 = tpu.vector_load %arg11[%parallel_loop3A_950, %parallel_loop3A_951] {strides = array<i32>} : memref<128x256xbf16, #tpu.memory_space<vmem>>, vector<32xbf16>,
        tpu.vector_store %arg11[%parallel_loop3A_950, %parallel_loop3A_951], %parallel_loop3A_949 {strides = array<i32>} : memref<128x256xbf16, #tpu.memory_space<vmem>>, vector<32xbf16>,
        %parallel_loop3A_953 = arith.index_cast %parallel_loop3A_931 : i32 to index
        %parallel_loop3A_954 = arith.constant 96 : index
        %parallel_loop3A_955 = tpu.vector_load %arg10[%parallel_loop3A_953, %parallel_loop3A_954] {strides = array<i32>} : memref<128x256xbf16, #tpu.memory_space<vmem>>, vector<32xbf16>,
        %parallel_loop3A_956 = arith.mulf %parallel_loop3A_955, %parallel_loop3A_927 : vector<32xbf16>
        %parallel_loop3A_957 = arith.index_cast %parallel_loop3A_931 : i32 to index
        %parallel_loop3A_958 = arith.constant 96 : index
        %parallel_loop3A_959 = tpu.vector_load %arg11[%parallel_loop3A_957, %parallel_loop3A_958] {strides = array<i32>} : memref<128x256xbf16, #tpu.memory_space<vmem>>, vector<32xbf16>,
        tpu.vector_store %arg11[%parallel_loop3A_957, %parallel_loop3A_958], %parallel_loop3A_956 {strides = array<i32>} : memref<128x256xbf16, #tpu.memory_space<vmem>>, vector<32xbf16>,
        %parallel_loop3A_960 = arith.index_cast %parallel_loop3A_931 : i32 to index
        %parallel_loop3A_961 = arith.constant 128 : index
        %parallel_loop3A_962 = tpu.vector_load %arg10[%parallel_loop3A_960, %parallel_loop3A_961] {strides = array<i32>} : memref<128x256xbf16, #tpu.memory_space<vmem>>, vector<32xbf16>,
        %parallel_loop3A_963 = arith.mulf %parallel_loop3A_962, %parallel_loop3A_927 : vector<32xbf16>
        %parallel_loop3A_964 = arith.index_cast %parallel_loop3A_931 : i32 to index
        %parallel_loop3A_965 = arith.constant 128 : index
        %parallel_loop3A_966 = tpu.vector_load %arg11[%parallel_loop3A_964, %parallel_loop3A_965] {strides = array<i32>} : memref<128x256xbf16, #tpu.memory_space<vmem>>, vector<32xbf16>,
        tpu.vector_store %arg11[%parallel_loop3A_964, %parallel_loop3A_965], %parallel_loop3A_963 {strides = array<i32>} : memref<128x256xbf16, #tpu.memory_space<vmem>>, vector<32xbf16>,
        %parallel_loop3A_967 = arith.index_cast %parallel_loop3A_931 : i32 to index
        %parallel_loop3A_968 = arith.constant 160 : index
        %parallel_loop3A_969 = tpu.vector_load %arg10[%parallel_loop3A_967, %parallel_loop3A_968] {strides = array<i32>} : memref<128x256xbf16, #tpu.memory_space<vmem>>, vector<32xbf16>,
        %parallel_loop3A_970 = arith.mulf %parallel_loop3A_969, %parallel_loop3A_927 : vector<32xbf16>
        %parallel_loop3A_971 = arith.index_cast %parallel_loop3A_931 : i32 to index
        %parallel_loop3A_972 = arith.constant 160 : index
        %parallel_loop3A_973 = tpu.vector_load %arg11[%parallel_loop3A_971, %parallel_loop3A_972] {strides = array<i32>} : memref<128x256xbf16, #tpu.memory_space<vmem>>, vector<32xbf16>,
        tpu.vector_store %arg11[%parallel_loop3A_971, %parallel_loop3A_972], %parallel_loop3A_970 {strides = array<i32>} : memref<128x256xbf16, #tpu.memory_space<vmem>>, vector<32xbf16>,
        %parallel_loop3A_974 = arith.index_cast %parallel_loop3A_931 : i32 to index
        %parallel_loop3A_975 = arith.constant 192 : index
        %parallel_loop3A_976 = tpu.vector_load %arg10[%parallel_loop3A_974, %parallel_loop3A_975] {strides = array<i32>} : memref<128x256xbf16, #tpu.memory_space<vmem>>, vector<32xbf16>,
        %parallel_loop3A_977 = arith.mulf %parallel_loop3A_976, %parallel_loop3A_927 : vector<32xbf16>
        %parallel_loop3A_978 = arith.index_cast %parallel_loop3A_931 : i32 to index
        %parallel_loop3A_979 = arith.constant 192 : index
        %parallel_loop3A_980 = tpu.vector_load %arg11[%parallel_loop3A_978, %parallel_loop3A_979] {strides = array<i32>} : memref<128x256xbf16, #tpu.memory_space<vmem>>, vector<32xbf16>,
        tpu.vector_store %arg11[%parallel_loop3A_978, %parallel_loop3A_979], %parallel_loop3A_977 {strides = array<i32>} : memref<128x256xbf16, #tpu.memory_space<vmem>>, vector<32xbf16>,
        %parallel_loop3A_981 = arith.index_cast %parallel_loop3A_931 : i32 to index
        %parallel_loop3A_982 = arith.constant 224 : index
        %parallel_loop3A_983 = tpu.vector_load %arg10[%parallel_loop3A_981, %parallel_loop3A_982] {strides = array<i32>} : memref<128x256xbf16, #tpu.memory_space<vmem>>, vector<32xbf16>,
        %parallel_loop3A_984 = arith.mulf %parallel_loop3A_983, %parallel_loop3A_927 : vector<32xbf16>
        %parallel_loop3A_985 = arith.index_cast %parallel_loop3A_931 : i32 to index
        %parallel_loop3A_986 = arith.constant 224 : index
        %parallel_loop3A_987 = tpu.vector_load %arg11[%parallel_loop3A_985, %parallel_loop3A_986] {strides = array<i32>} : memref<128x256xbf16, #tpu.memory_space<vmem>>, vector<32xbf16>,
        tpu.vector_store %arg11[%parallel_loop3A_985, %parallel_loop3A_986], %parallel_loop3A_984 {strides = array<i32>} : memref<128x256xbf16, #tpu.memory_space<vmem>>, vector<32xbf16>,
        %parallel_loop3A_988 = vector.extract_strided_slice %parallel_loop3A_91 {offsets = [14], sizes = [1], strides = [1]} : vector<16xf32> to vector<1xf32>
        %parallel_loop3A_989 = vector.extract %parallel_loop3A_988[0] : f32 from vector<1xf32>
        %parallel_loop3A_990 = vector.broadcast %parallel_loop3A_989 : f32 to vector<16xf32>
        %parallel_loop3A_991 = tpu.pack_subelements %parallel_loop3A_990, %parallel_loop3A_990 {pack_format = #tpu.pack_format<interleaved>, positions = array<i32: 0, 1>} : vector<16xf32>, vector<16xf32> -> vector<32xbf16>
        %parallel_loop3A_992 = arith.constant 16 : i32
        %parallel_loop3A_993 = arith.muli %parallel_loop3A_84, %parallel_loop3A_992 : i32
        %parallel_loop3A_994 = arith.constant 14 : i32
        %parallel_loop3A_995 = arith.addi %parallel_loop3A_993, %parallel_loop3A_994 : i32
        %parallel_loop3A_996 = arith.index_cast %parallel_loop3A_995 : i32 to index
        %parallel_loop3A_997 = arith.constant 0 : index
        %parallel_loop3A_998 = tpu.vector_load %arg10[%parallel_loop3A_996, %parallel_loop3A_997] {strides = array<i32>} : memref<128x256xbf16, #tpu.memory_space<vmem>>, vector<32xbf16>,
        %parallel_loop3A_999 = arith.mulf %parallel_loop3A_998, %parallel_loop3A_991 : vector<32xbf16>
        %parallel_loop3A_1000 = arith.index_cast %parallel_loop3A_995 : i32 to index
        %parallel_loop3A_1001 = arith.constant 0 : index
        %parallel_loop3A_1002 = tpu.vector_load %arg11[%parallel_loop3A_1000, %parallel_loop3A_1001] {strides = array<i32>} : memref<128x256xbf16, #tpu.memory_space<vmem>>, vector<32xbf16>,
        tpu.vector_store %arg11[%parallel_loop3A_1000, %parallel_loop3A_1001], %parallel_loop3A_999 {strides = array<i32>} : memref<128x256xbf16, #tpu.memory_space<vmem>>, vector<32xbf16>,
        %parallel_loop3A_1003 = arith.index_cast %parallel_loop3A_995 : i32 to index
        %parallel_loop3A_1004 = arith.constant 32 : index
        %parallel_loop3A_1005 = tpu.vector_load %arg10[%parallel_loop3A_1003, %parallel_loop3A_1004] {strides = array<i32>} : memref<128x256xbf16, #tpu.memory_space<vmem>>, vector<32xbf16>,
        %parallel_loop3A_1006 = arith.mulf %parallel_loop3A_1005, %parallel_loop3A_991 : vector<32xbf16>
        %parallel_loop3A_1007 = arith.index_cast %parallel_loop3A_995 : i32 to index
        %parallel_loop3A_1008 = arith.constant 32 : index
        %parallel_loop3A_1009 = tpu.vector_load %arg11[%parallel_loop3A_1007, %parallel_loop3A_1008] {strides = array<i32>} : memref<128x256xbf16, #tpu.memory_space<vmem>>, vector<32xbf16>,
        tpu.vector_store %arg11[%parallel_loop3A_1007, %parallel_loop3A_1008], %parallel_loop3A_1006 {strides = array<i32>} : memref<128x256xbf16, #tpu.memory_space<vmem>>, vector<32xbf16>,
        %parallel_loop3A_1010 = arith.index_cast %parallel_loop3A_995 : i32 to index
        %parallel_loop3A_1011 = arith.constant 64 : index
        %parallel_loop3A_1012 = tpu.vector_load %arg10[%parallel_loop3A_1010, %parallel_loop3A_1011] {strides = array<i32>} : memref<128x256xbf16, #tpu.memory_space<vmem>>, vector<32xbf16>,
        %parallel_loop3A_1013 = arith.mulf %parallel_loop3A_1012, %parallel_loop3A_991 : vector<32xbf16>
        %parallel_loop3A_1014 = arith.index_cast %parallel_loop3A_995 : i32 to index
        %parallel_loop3A_1015 = arith.constant 64 : index
        %parallel_loop3A_1016 = tpu.vector_load %arg11[%parallel_loop3A_1014, %parallel_loop3A_1015] {strides = array<i32>} : memref<128x256xbf16, #tpu.memory_space<vmem>>, vector<32xbf16>,
        tpu.vector_store %arg11[%parallel_loop3A_1014, %parallel_loop3A_1015], %parallel_loop3A_1013 {strides = array<i32>} : memref<128x256xbf16, #tpu.memory_space<vmem>>, vector<32xbf16>,
        %parallel_loop3A_1017 = arith.index_cast %parallel_loop3A_995 : i32 to index
        %parallel_loop3A_1018 = arith.constant 96 : index
        %parallel_loop3A_1019 = tpu.vector_load %arg10[%parallel_loop3A_1017, %parallel_loop3A_1018] {strides = array<i32>} : memref<128x256xbf16, #tpu.memory_space<vmem>>, vector<32xbf16>,
        %parallel_loop3A_1020 = arith.mulf %parallel_loop3A_1019, %parallel_loop3A_991 : vector<32xbf16>
        %parallel_loop3A_1021 = arith.index_cast %parallel_loop3A_995 : i32 to index
        %parallel_loop3A_1022 = arith.constant 96 : index
        %parallel_loop3A_1023 = tpu.vector_load %arg11[%parallel_loop3A_1021, %parallel_loop3A_1022] {strides = array<i32>} : memref<128x256xbf16, #tpu.memory_space<vmem>>, vector<32xbf16>,
        tpu.vector_store %arg11[%parallel_loop3A_1021, %parallel_loop3A_1022], %parallel_loop3A_1020 {strides = array<i32>} : memref<128x256xbf16, #tpu.memory_space<vmem>>, vector<32xbf16>,
        %parallel_loop3A_1024 = arith.index_cast %parallel_loop3A_995 : i32 to index
        %parallel_loop3A_1025 = arith.constant 128 : index
        %parallel_loop3A_1026 = tpu.vector_load %arg10[%parallel_loop3A_1024, %parallel_loop3A_1025] {strides = array<i32>} : memref<128x256xbf16, #tpu.memory_space<vmem>>, vector<32xbf16>,
        %parallel_loop3A_1027 = arith.mulf %parallel_loop3A_1026, %parallel_loop3A_991 : vector<32xbf16>
        %parallel_loop3A_1028 = arith.index_cast %parallel_loop3A_995 : i32 to index
        %parallel_loop3A_1029 = arith.constant 128 : index
        %parallel_loop3A_1030 = tpu.vector_load %arg11[%parallel_loop3A_1028, %parallel_loop3A_1029] {strides = array<i32>} : memref<128x256xbf16, #tpu.memory_space<vmem>>, vector<32xbf16>,
        tpu.vector_store %arg11[%parallel_loop3A_1028, %parallel_loop3A_1029], %parallel_loop3A_1027 {strides = array<i32>} : memref<128x256xbf16, #tpu.memory_space<vmem>>, vector<32xbf16>,
        %parallel_loop3A_1031 = arith.index_cast %parallel_loop3A_995 : i32 to index
        %parallel_loop3A_1032 = arith.constant 160 : index
        %parallel_loop3A_1033 = tpu.vector_load %arg10[%parallel_loop3A_1031, %parallel_loop3A_1032] {strides = array<i32>} : memref<128x256xbf16, #tpu.memory_space<vmem>>, vector<32xbf16>,
        %parallel_loop3A_1034 = arith.mulf %parallel_loop3A_1033, %parallel_loop3A_991 : vector<32xbf16>
        %parallel_loop3A_1035 = arith.index_cast %parallel_loop3A_995 : i32 to index
        %parallel_loop3A_1036 = arith.constant 160 : index
        %parallel_loop3A_1037 = tpu.vector_load %arg11[%parallel_loop3A_1035, %parallel_loop3A_1036] {strides = array<i32>} : memref<128x256xbf16, #tpu.memory_space<vmem>>, vector<32xbf16>,
        tpu.vector_store %arg11[%parallel_loop3A_1035, %parallel_loop3A_1036], %parallel_loop3A_1034 {strides = array<i32>} : memref<128x256xbf16, #tpu.memory_space<vmem>>, vector<32xbf16>,
        %parallel_loop3A_1038 = arith.index_cast %parallel_loop3A_995 : i32 to index
        %parallel_loop3A_1039 = arith.constant 192 : index
        %parallel_loop3A_1040 = tpu.vector_load %arg10[%parallel_loop3A_1038, %parallel_loop3A_1039] {strides = array<i32>} : memref<128x256xbf16, #tpu.memory_space<vmem>>, vector<32xbf16>,
        %parallel_loop3A_1041 = arith.mulf %parallel_loop3A_1040, %parallel_loop3A_991 : vector<32xbf16>
        %parallel_loop3A_1042 = arith.index_cast %parallel_loop3A_995 : i32 to index
        %parallel_loop3A_1043 = arith.constant 192 : index
        %parallel_loop3A_1044 = tpu.vector_load %arg11[%parallel_loop3A_1042, %parallel_loop3A_1043] {strides = array<i32>} : memref<128x256xbf16, #tpu.memory_space<vmem>>, vector<32xbf16>,
        tpu.vector_store %arg11[%parallel_loop3A_1042, %parallel_loop3A_1043], %parallel_loop3A_1041 {strides = array<i32>} : memref<128x256xbf16, #tpu.memory_space<vmem>>, vector<32xbf16>,
        %parallel_loop3A_1045 = arith.index_cast %parallel_loop3A_995 : i32 to index
        %parallel_loop3A_1046 = arith.constant 224 : index
        %parallel_loop3A_1047 = tpu.vector_load %arg10[%parallel_loop3A_1045, %parallel_loop3A_1046] {strides = array<i32>} : memref<128x256xbf16, #tpu.memory_space<vmem>>, vector<32xbf16>,
        %parallel_loop3A_1048 = arith.mulf %parallel_loop3A_1047, %parallel_loop3A_991 : vector<32xbf16>
        %parallel_loop3A_1049 = arith.index_cast %parallel_loop3A_995 : i32 to index
        %parallel_loop3A_1050 = arith.constant 224 : index
        %parallel_loop3A_1051 = tpu.vector_load %arg11[%parallel_loop3A_1049, %parallel_loop3A_1050] {strides = array<i32>} : memref<128x256xbf16, #tpu.memory_space<vmem>>, vector<32xbf16>,
        tpu.vector_store %arg11[%parallel_loop3A_1049, %parallel_loop3A_1050], %parallel_loop3A_1048 {strides = array<i32>} : memref<128x256xbf16, #tpu.memory_space<vmem>>, vector<32xbf16>,
        %parallel_loop3A_1052 = vector.extract_strided_slice %parallel_loop3A_91 {offsets = [15], sizes = [1], strides = [1]} : vector<16xf32> to vector<1xf32>
        %parallel_loop3A_1053 = vector.extract %parallel_loop3A_1052[0] : f32 from vector<1xf32>
        %parallel_loop3A_1054 = vector.broadcast %parallel_loop3A_1053 : f32 to vector<16xf32>
        %parallel_loop3A_1055 = tpu.pack_subelements %parallel_loop3A_1054, %parallel_loop3A_1054 {pack_format = #tpu.pack_format<interleaved>, positions = array<i32: 0, 1>} : vector<16xf32>, vector<16xf32> -> vector<32xbf16>
        %parallel_loop3A_1056 = arith.constant 16 : i32
        %parallel_loop3A_1057 = arith.muli %parallel_loop3A_84, %parallel_loop3A_1056 : i32
        %parallel_loop3A_1058 = arith.constant 15 : i32
        %parallel_loop3A_1059 = arith.addi %parallel_loop3A_1057, %parallel_loop3A_1058 : i32
        %parallel_loop3A_1060 = arith.index_cast %parallel_loop3A_1059 : i32 to index
        %parallel_loop3A_1061 = arith.constant 0 : index
        %parallel_loop3A_1062 = tpu.vector_load %arg10[%parallel_loop3A_1060, %parallel_loop3A_1061] {strides = array<i32>} : memref<128x256xbf16, #tpu.memory_space<vmem>>, vector<32xbf16>,
        %parallel_loop3A_1063 = arith.mulf %parallel_loop3A_1062, %parallel_loop3A_1055 : vector<32xbf16>
        %parallel_loop3A_1064 = arith.index_cast %parallel_loop3A_1059 : i32 to index
        %parallel_loop3A_1065 = arith.constant 0 : index
        %parallel_loop3A_1066 = tpu.vector_load %arg11[%parallel_loop3A_1064, %parallel_loop3A_1065] {strides = array<i32>} : memref<128x256xbf16, #tpu.memory_space<vmem>>, vector<32xbf16>,
        tpu.vector_store %arg11[%parallel_loop3A_1064, %parallel_loop3A_1065], %parallel_loop3A_1063 {strides = array<i32>} : memref<128x256xbf16, #tpu.memory_space<vmem>>, vector<32xbf16>,
        %parallel_loop3A_1067 = arith.index_cast %parallel_loop3A_1059 : i32 to index
        %parallel_loop3A_1068 = arith.constant 32 : index
        %parallel_loop3A_1069 = tpu.vector_load %arg10[%parallel_loop3A_1067, %parallel_loop3A_1068] {strides = array<i32>} : memref<128x256xbf16, #tpu.memory_space<vmem>>, vector<32xbf16>,
        %parallel_loop3A_1070 = arith.mulf %parallel_loop3A_1069, %parallel_loop3A_1055 : vector<32xbf16>
        %parallel_loop3A_1071 = arith.index_cast %parallel_loop3A_1059 : i32 to index
        %parallel_loop3A_1072 = arith.constant 32 : index
        %parallel_loop3A_1073 = tpu.vector_load %arg11[%parallel_loop3A_1071, %parallel_loop3A_1072] {strides = array<i32>} : memref<128x256xbf16, #tpu.memory_space<vmem>>, vector<32xbf16>,
        tpu.vector_store %arg11[%parallel_loop3A_1071, %parallel_loop3A_1072], %parallel_loop3A_1070 {strides = array<i32>} : memref<128x256xbf16, #tpu.memory_space<vmem>>, vector<32xbf16>,
        %parallel_loop3A_1074 = arith.index_cast %parallel_loop3A_1059 : i32 to index
        %parallel_loop3A_1075 = arith.constant 64 : index
        %parallel_loop3A_1076 = tpu.vector_load %arg10[%parallel_loop3A_1074, %parallel_loop3A_1075] {strides = array<i32>} : memref<128x256xbf16, #tpu.memory_space<vmem>>, vector<32xbf16>,
        %parallel_loop3A_1077 = arith.mulf %parallel_loop3A_1076, %parallel_loop3A_1055 : vector<32xbf16>
        %parallel_loop3A_1078 = arith.index_cast %parallel_loop3A_1059 : i32 to index
        %parallel_loop3A_1079 = arith.constant 64 : index
        %parallel_loop3A_1080 = tpu.vector_load %arg11[%parallel_loop3A_1078, %parallel_loop3A_1079] {strides = array<i32>} : memref<128x256xbf16, #tpu.memory_space<vmem>>, vector<32xbf16>,
        tpu.vector_store %arg11[%parallel_loop3A_1078, %parallel_loop3A_1079], %parallel_loop3A_1077 {strides = array<i32>} : memref<128x256xbf16, #tpu.memory_space<vmem>>, vector<32xbf16>,
        %parallel_loop3A_1081 = arith.index_cast %parallel_loop3A_1059 : i32 to index
        %parallel_loop3A_1082 = arith.constant 96 : index
        %parallel_loop3A_1083 = tpu.vector_load %arg10[%parallel_loop3A_1081, %parallel_loop3A_1082] {strides = array<i32>} : memref<128x256xbf16, #tpu.memory_space<vmem>>, vector<32xbf16>,
        %parallel_loop3A_1084 = arith.mulf %parallel_loop3A_1083, %parallel_loop3A_1055 : vector<32xbf16>
        %parallel_loop3A_1085 = arith.index_cast %parallel_loop3A_1059 : i32 to index
        %parallel_loop3A_1086 = arith.constant 96 : index
        %parallel_loop3A_1087 = tpu.vector_load %arg11[%parallel_loop3A_1085, %parallel_loop3A_1086] {strides = array<i32>} : memref<128x256xbf16, #tpu.memory_space<vmem>>, vector<32xbf16>,
        tpu.vector_store %arg11[%parallel_loop3A_1085, %parallel_loop3A_1086], %parallel_loop3A_1084 {strides = array<i32>} : memref<128x256xbf16, #tpu.memory_space<vmem>>, vector<32xbf16>,
        %parallel_loop3A_1088 = arith.index_cast %parallel_loop3A_1059 : i32 to index
        %parallel_loop3A_1089 = arith.constant 128 : index
        %parallel_loop3A_1090 = tpu.vector_load %arg10[%parallel_loop3A_1088, %parallel_loop3A_1089] {strides = array<i32>} : memref<128x256xbf16, #tpu.memory_space<vmem>>, vector<32xbf16>,
        %parallel_loop3A_1091 = arith.mulf %parallel_loop3A_1090, %parallel_loop3A_1055 : vector<32xbf16>
        %parallel_loop3A_1092 = arith.index_cast %parallel_loop3A_1059 : i32 to index
        %parallel_loop3A_1093 = arith.constant 128 : index
        %parallel_loop3A_1094 = tpu.vector_load %arg11[%parallel_loop3A_1092, %parallel_loop3A_1093] {strides = array<i32>} : memref<128x256xbf16, #tpu.memory_space<vmem>>, vector<32xbf16>,
        tpu.vector_store %arg11[%parallel_loop3A_1092, %parallel_loop3A_1093], %parallel_loop3A_1091 {strides = array<i32>} : memref<128x256xbf16, #tpu.memory_space<vmem>>, vector<32xbf16>,
        %parallel_loop3A_1095 = arith.index_cast %parallel_loop3A_1059 : i32 to index
        %parallel_loop3A_1096 = arith.constant 160 : index
        %parallel_loop3A_1097 = tpu.vector_load %arg10[%parallel_loop3A_1095, %parallel_loop3A_1096] {strides = array<i32>} : memref<128x256xbf16, #tpu.memory_space<vmem>>, vector<32xbf16>,
        %parallel_loop3A_1098 = arith.mulf %parallel_loop3A_1097, %parallel_loop3A_1055 : vector<32xbf16>
        %parallel_loop3A_1099 = arith.index_cast %parallel_loop3A_1059 : i32 to index
        %parallel_loop3A_1100 = arith.constant 160 : index
        %parallel_loop3A_1101 = tpu.vector_load %arg11[%parallel_loop3A_1099, %parallel_loop3A_1100] {strides = array<i32>} : memref<128x256xbf16, #tpu.memory_space<vmem>>, vector<32xbf16>,
        tpu.vector_store %arg11[%parallel_loop3A_1099, %parallel_loop3A_1100], %parallel_loop3A_1098 {strides = array<i32>} : memref<128x256xbf16, #tpu.memory_space<vmem>>, vector<32xbf16>,
        %parallel_loop3A_1102 = arith.index_cast %parallel_loop3A_1059 : i32 to index
        %parallel_loop3A_1103 = arith.constant 192 : index
        %parallel_loop3A_1104 = tpu.vector_load %arg10[%parallel_loop3A_1102, %parallel_loop3A_1103] {strides = array<i32>} : memref<128x256xbf16, #tpu.memory_space<vmem>>, vector<32xbf16>,
        %parallel_loop3A_1105 = arith.mulf %parallel_loop3A_1104, %parallel_loop3A_1055 : vector<32xbf16>
        %parallel_loop3A_1106 = arith.index_cast %parallel_loop3A_1059 : i32 to index
        %parallel_loop3A_1107 = arith.constant 192 : index
        %parallel_loop3A_1108 = tpu.vector_load %arg11[%parallel_loop3A_1106, %parallel_loop3A_1107] {strides = array<i32>} : memref<128x256xbf16, #tpu.memory_space<vmem>>, vector<32xbf16>,
        tpu.vector_store %arg11[%parallel_loop3A_1106, %parallel_loop3A_1107], %parallel_loop3A_1105 {strides = array<i32>} : memref<128x256xbf16, #tpu.memory_space<vmem>>, vector<32xbf16>,
        %parallel_loop3A_1109 = arith.index_cast %parallel_loop3A_1059 : i32 to index
        %parallel_loop3A_1110 = arith.constant 224 : index
        %parallel_loop3A_1111 = tpu.vector_load %arg10[%parallel_loop3A_1109, %parallel_loop3A_1110] {strides = array<i32>} : memref<128x256xbf16, #tpu.memory_space<vmem>>, vector<32xbf16>,
        %parallel_loop3A_1112 = arith.mulf %parallel_loop3A_1111, %parallel_loop3A_1055 : vector<32xbf16>
        %parallel_loop3A_1113 = arith.index_cast %parallel_loop3A_1059 : i32 to index
        %parallel_loop3A_1114 = arith.constant 224 : index
        %parallel_loop3A_1115 = tpu.vector_load %arg11[%parallel_loop3A_1113, %parallel_loop3A_1114] {strides = array<i32>} : memref<128x256xbf16, #tpu.memory_space<vmem>>, vector<32xbf16>,
        tpu.vector_store %arg11[%parallel_loop3A_1113, %parallel_loop3A_1114], %parallel_loop3A_1112 {strides = array<i32>} : memref<128x256xbf16, #tpu.memory_space<vmem>>, vector<32xbf16>,
      } {sc.loop_unroll_factor = 1 : i64, sc.parallel_access}
      "tpu.region"() ({
        %run_scoped3A_84 = tpu.sem_alloc : memref<!tpu.dma_semaphore, #tpu.memory_space<semaphore_mem>>
        %dma_start3A_85 = tpu.memref_slice %arg8[%mul3A_75] : memref<5136xi32, #tpu.memory_space<vmem>> -> memref<128xi32, #tpu.memory_space<vmem>>
        %dma_start3A_86 = arith.constant 0 : i32
        %dma_start3A_87 = arith.constant 0 : i32
        %dma_start3A_88 = tpu.memref_slice %arg12[%dma_start3A_86, %dma_start3A_87] : memref<10000x256xbf16, #tpu.memory_space<vmem_shared>> -> memref<10000x256xbf16, #tpu.memory_space<vmem_shared>>
        tpu.enqueue_indirect_dma source(%arg11 : memref<128x256xbf16, #tpu.memory_space<vmem>>) target(%dma_start3A_88 : memref<10000x256xbf16, #tpu.memory_space<vmem_shared>>) offsets(%dma_start3A_85 : memref<128xi32, #tpu.memory_space<vmem>>) semaphore(%run_scoped3A_84 : memref<!tpu.dma_semaphore, #tpu.memory_space<semaphore_mem>>) {add = true}
        %dma_wait3A_89 = tpu.memref_slice %arg8[%mul3A_75] : memref<5136xi32, #tpu.memory_space<vmem>> -> memref<128xi32, #tpu.memory_space<vmem>>
        %dma_wait3A_90 = arith.constant 0 : i32
        %dma_wait3A_91 = arith.constant 0 : i32
        %dma_wait3A_92 = tpu.memref_slice %arg12[%dma_wait3A_90, %dma_wait3A_91] : memref<10000x256xbf16, #tpu.memory_space<vmem_shared>> -> memref<10000x256xbf16, #tpu.memory_space<vmem_shared>>
        tpu.wait_indirect_dma semaphore(%run_scoped3A_84 : memref<!tpu.dma_semaphore, #tpu.memory_space<semaphore_mem>>) src(%arg11 : memref<128x256xbf16, #tpu.memory_space<vmem>>) dst(%dma_wait3A_92 : memref<10000x256xbf16, #tpu.memory_space<vmem_shared>>)
        tpu.yield
      }) : () -> ()
    }
    %scan3A_62 = arith.constant 40 : i32
    %barrier3A_63 = arith.constant 0 : index
    tpu.barrier barrier_id(%barrier3A_63)
    %mul3A_64 = arith.constant 624 : i32
    %mul3A_65 = arith.muli %arg1, %mul3A_64 : i32
    %mul3A_66 = arith.constant 624 : i32
    %mul3A_67 = arith.muli %arg1, %mul3A_66 : i32
    "tpu.region"() ({
      %run_scoped3A_73 = tpu.sem_alloc : memref<!tpu.dma_semaphore, #tpu.memory_space<semaphore_mem>>
      %dma_start3A = arith.constant 0 : i32
      %dma_start3A_74 = tpu.memref_slice %arg6[%arg0, %mul3A_67, %dma_start3A] : memref<2x10000x256xbf16, #tpu.memory_space<hbm>> -> memref<1x624x256xbf16, #tpu.memory_space<hbm>>
      %dma_start3A_75 = tpu.memref_squeeze %dma_start3A_74 : memref<1x624x256xbf16, #tpu.memory_space<hbm>> -> memref<624x256xbf16, #tpu.memory_space<hbm>>
      %dma_start3A_76 = arith.constant 0 : i32
      %dma_start3A_77 = tpu.memref_slice %arg12[%mul3A_65, %dma_start3A_76] : memref<10000x256xbf16, #tpu.memory_space<vmem_shared>> -> memref<624x256xbf16, #tpu.memory_space<vmem_shared>>
      tpu.enqueue_dma source(%dma_start3A_77 : memref<624x256xbf16, #tpu.memory_space<vmem_shared>>) target(%dma_start3A_75 : memref<624x256xbf16, #tpu.memory_space<hbm>>) target_semaphore(%run_scoped3A_73 : memref<!tpu.dma_semaphore, #tpu.memory_space<semaphore_mem>>)
      %dma_wait3A = arith.constant 0 : i32
      %dma_wait3A_78 = tpu.memref_slice %arg6[%arg0, %mul3A_67, %dma_wait3A] : memref<2x10000x256xbf16, #tpu.memory_space<hbm>> -> memref<1x624x256xbf16, #tpu.memory_space<hbm>>
      %dma_wait3A_79 = tpu.memref_squeeze %dma_wait3A_78 : memref<1x624x256xbf16, #tpu.memory_space<hbm>> -> memref<624x256xbf16, #tpu.memory_space<hbm>>
      %dma_wait3A_80 = arith.constant 0 : i32
      %dma_wait3A_81 = tpu.memref_slice %arg12[%mul3A_65, %dma_wait3A_80] : memref<10000x256xbf16, #tpu.memory_space<vmem_shared>> -> memref<624x256xbf16, #tpu.memory_space<vmem_shared>>
      tpu.wait_dma2 semaphore(%run_scoped3A_73 : memref<!tpu.dma_semaphore, #tpu.memory_space<semaphore_mem>>) src(%dma_wait3A_81 : memref<624x256xbf16, #tpu.memory_space<vmem_shared>>) dst(%dma_wait3A_79 : memref<624x256xbf16, #tpu.memory_space<hbm>>)
      tpu.yield
    }) : () -> ()
    %eq3A_68 = arith.constant 0 : i32
    %eq3A_69 = arith.cmpi eq, %arg1, %eq3A_68 : i32
    %convert_element_type3A_70 = arith.extui %eq3A_69 : i1 to i32
    %cond3A_71 = arith.constant 0 : i32
    %cond3A_72 = arith.cmpi ne, %convert_element_type3A_70, %cond3A_71 : i32
    scf.if %cond3A_72 {
      "tpu.region"() ({
        %run_scoped3A_73 = tpu.sem_alloc : memref<!tpu.dma_semaphore, #tpu.memory_space<semaphore_mem>>
        %dma_start3A = arith.constant 9984 : i32
        %dma_start3A_74 = arith.constant 0 : i32
        %dma_start3A_75 = tpu.memref_slice %arg6[%arg0, %dma_start3A, %dma_start3A_74] : memref<2x10000x256xbf16, #tpu.memory_space<hbm>> -> memref<1x16x256xbf16, #tpu.memory_space<hbm>>
        %dma_start3A_76 = tpu.memref_squeeze %dma_start3A_75 : memref<1x16x256xbf16, #tpu.memory_space<hbm>> -> memref<16x256xbf16, #tpu.memory_space<hbm>>
        %dma_start3A_77 = arith.constant 9984 : i32
        %dma_start3A_78 = arith.constant 0 : i32
        %dma_start3A_79 = tpu.memref_slice %arg12[%dma_start3A_77, %dma_start3A_78] : memref<10000x256xbf16, #tpu.memory_space<vmem_shared>> -> memref<16x256xbf16, #tpu.memory_space<vmem_shared>>
        tpu.enqueue_dma source(%dma_start3A_79 : memref<16x256xbf16, #tpu.memory_space<vmem_shared>>) target(%dma_start3A_76 : memref<16x256xbf16, #tpu.memory_space<hbm>>) target_semaphore(%run_scoped3A_73 : memref<!tpu.dma_semaphore, #tpu.memory_space<semaphore_mem>>)
        %dma_wait3A = arith.constant 9984 : i32
        %dma_wait3A_80 = arith.constant 0 : i32
        %dma_wait3A_81 = tpu.memref_slice %arg6[%arg0, %dma_wait3A, %dma_wait3A_80] : memref<2x10000x256xbf16, #tpu.memory_space<hbm>> -> memref<1x16x256xbf16, #tpu.memory_space<hbm>>
        %dma_wait3A_82 = tpu.memref_squeeze %dma_wait3A_81 : memref<1x16x256xbf16, #tpu.memory_space<hbm>> -> memref<16x256xbf16, #tpu.memory_space<hbm>>
        %dma_wait3A_83 = arith.constant 9984 : i32
        %dma_wait3A_84 = arith.constant 0 : i32
        %dma_wait3A_85 = tpu.memref_slice %arg12[%dma_wait3A_83, %dma_wait3A_84] : memref<10000x256xbf16, #tpu.memory_space<vmem_shared>> -> memref<16x256xbf16, #tpu.memory_space<vmem_shared>>
        tpu.wait_dma2 semaphore(%run_scoped3A_73 : memref<!tpu.dma_semaphore, #tpu.memory_space<semaphore_mem>>) src(%dma_wait3A_85 : memref<16x256xbf16, #tpu.memory_space<vmem_shared>>) dst(%dma_wait3A_82 : memref<16x256xbf16, #tpu.memory_space<hbm>>)
        tpu.yield
      }) : () -> ()
    } else {
    }
    return
  }
}

module attributes {stable_mosaic.version = 14 : i64} {
  func.func @_mm_body(%arg0: i32, %arg1: memref<400x256xf32, #tpu.memory_space<vmem>>, %arg2: memref<256x256xf32, #tpu.memory_space<vmem>>, %arg3: memref<400x256xbf16, #tpu.memory_space<vmem>>) attributes {dimension_semantics = [#tpu.dimension_semantics<arbitrary>], iteration_bounds = array<i64: 25>, scalar_prefetch = 0 : i64, scratch_operands = 0 : i64, tpu.core_type = #tpu.core_type<tc>, window_params = [{transform_indices = @transform_0, window_bounds = array<i64: 400, 256>}, {pipeline_mode = #tpu.pipeline_mode<synchronous>, transform_indices = @transform_1, window_bounds = array<i64: 256, 256>}, {transform_indices = @transform_2, window_bounds = array<i64: 400, 256>}]} {
    %get3A = arith.constant 0 : index
    %get3A_0 = arith.constant 0 : index
    %get3A_1 = vector.load %arg1[%get3A, %get3A_0] : memref<400x256xf32, #tpu.memory_space<vmem>>, vector<400x256xf32>
    %get3A_2 = arith.constant 0 : index
    %get3A_3 = arith.constant 0 : index
    %get3A_4 = vector.load %arg2[%get3A_2, %get3A_3] : memref<256x256xf32, #tpu.memory_space<vmem>>, vector<256x256xf32>
    %dot_general3A = arith.constant dense<0.000000e+00> : vector<400x256xf32>
    %dot_general3A_5 = tpu.matmul %get3A_1, %get3A_4, %dot_general3A {dimension_numbers = #tpu.dot_dimension_numbers<[1], [1], [0], [0], [0, 0, 1, 0], [], []>, transpose_lhs_hint = false} : vector<400x256xf32>, vector<256x256xf32>, vector<400x256xf32> -> vector<400x256xf32>
    %convert_element_type3A = arith.truncf %dot_general3A_5 : vector<400x256xf32> to vector<400x256xbf16>
    %swap3A = arith.constant 0 : index
    %swap3A_6 = arith.constant 0 : index
    %swap3A_7 = vector.load %arg3[%swap3A, %swap3A_6] : memref<400x256xbf16, #tpu.memory_space<vmem>>, vector<400x256xbf16>
    tpu.vector_store %arg3[%swap3A, %swap3A_6], %convert_element_type3A {strides = array<i32>} : memref<400x256xbf16, #tpu.memory_space<vmem>>, vector<400x256xbf16>,
    return
  }
  func.func @transform_0(%arg0: i32) -> (i32, i32) {
    %c0_i32 = arith.constant 0 : i32
    %c0_i32_0 = arith.constant 0 : i32
    return %arg0, %c0_i32 : i32, i32
  }
  func.func @transform_1(%arg0: i32) -> (i32, i32) {
    %c0_i32 = arith.constant 0 : i32
    %c0_i32_0 = arith.constant 0 : i32
    %c0_i32_1 = arith.constant 0 : i32
    return %c0_i32, %c0_i32_0 : i32, i32
  }
  func.func @transform_2(%arg0: i32) -> (i32, i32) {
    %c0_i32 = arith.constant 0 : i32
    %c0_i32_0 = arith.constant 0 : i32
    return %arg0, %c0_i32 : i32, i32
  }
}

module attributes {stable_mosaic.version = 14 : i64} {
  func.func @_merge_body(%arg0: i32, %arg1: memref<1x400x256xbf16, #tpu.memory_space<vmem>>, %arg2: memref<1x400x256xbf16, #tpu.memory_space<vmem>>, %arg3: memref<400x256xf32, #tpu.memory_space<vmem>>) attributes {dimension_semantics = [#tpu.dimension_semantics<arbitrary>], iteration_bounds = array<i64: 25>, scalar_prefetch = 0 : i64, scratch_operands = 0 : i64, tpu.core_type = #tpu.core_type<tc>, window_params = [{transform_indices = @transform_0, window_bounds = array<i64: 1, 400, 256>}, {transform_indices = @transform_1, window_bounds = array<i64: 1, 400, 256>}, {transform_indices = @transform_2, window_bounds = array<i64: 400, 256>}]} {
    %get3A = arith.constant 0 : index
    %get3A_0 = arith.constant 0 : index
    %get3A_1 = arith.constant 0 : index
    %get3A_2 = vector.load %arg1[%get3A, %get3A_0, %get3A_1] : memref<1x400x256xbf16, #tpu.memory_space<vmem>>, vector<1x400x256xbf16>
    %get3A_3 = vector.shape_cast %get3A_2 : vector<1x400x256xbf16> to vector<400x256xbf16>
    %convert_element_type3A = arith.extf %get3A_3 : vector<400x256xbf16> to vector<400x256xf32>
    %get3A_4 = arith.constant 0 : index
    %get3A_5 = arith.constant 0 : index
    %get3A_6 = arith.constant 0 : index
    %get3A_7 = vector.load %arg2[%get3A_4, %get3A_5, %get3A_6] : memref<1x400x256xbf16, #tpu.memory_space<vmem>>, vector<1x400x256xbf16>
    %get3A_8 = vector.shape_cast %get3A_7 : vector<1x400x256xbf16> to vector<400x256xbf16>
    %convert_element_type3A_9 = arith.extf %get3A_8 : vector<400x256xbf16> to vector<400x256xf32>
    %add3A = arith.addf %convert_element_type3A, %convert_element_type3A_9 : vector<400x256xf32>
    %max3A = arith.constant 0.000000e+00 : f32
    %max3A_10 = vector.broadcast %max3A : f32 to vector<400x256xf32>
    %max3A_11 = arith.maximumf %add3A, %max3A_10 : vector<400x256xf32>
    %swap3A = arith.constant 0 : index
    %swap3A_12 = arith.constant 0 : index
    %swap3A_13 = vector.load %arg3[%swap3A, %swap3A_12] : memref<400x256xf32, #tpu.memory_space<vmem>>, vector<400x256xf32>
    tpu.vector_store %arg3[%swap3A, %swap3A_12], %max3A_11 {strides = array<i32>} : memref<400x256xf32, #tpu.memory_space<vmem>>, vector<400x256xf32>,
    return
  }
  func.func @transform_0(%arg0: i32) -> (i32, i32, i32) {
    %c0_i32 = arith.constant 0 : i32
    %c0_i32_0 = arith.constant 0 : i32
    %c0_i32_1 = arith.constant 0 : i32
    return %c0_i32, %arg0, %c0_i32_0 : i32, i32, i32
  }
  func.func @transform_1(%arg0: i32) -> (i32, i32, i32) {
    %c1_i32 = arith.constant 1 : i32
    %c0_i32 = arith.constant 0 : i32
    %c0_i32_0 = arith.constant 0 : i32
    return %c1_i32, %arg0, %c0_i32 : i32, i32, i32
  }
  func.func @transform_2(%arg0: i32) -> (i32, i32) {
    %c0_i32 = arith.constant 0 : i32
    %c0_i32_0 = arith.constant 0 : i32
    return %arg0, %c0_i32 : i32, i32
  }
}

</mosaic_0001>

<sc_bundles>
// kernel: kernel.5.cloned.1.call-start
scs
__scs_entry_jumppad:
0x0: {  	(pc) =	sbr.rel $0x88, $3  }
0x1: {  	(tag) =	ssettag $0x0;
	lr =	simm.s32 $0x1  }
0x2: {  	[smem:$0x3F9D] =	sst lr;
	_ =	strace $0xD0000000  }
0x3: {  	_ = 	snop  }
0x4: {  	_ = 	snop  }
0x5: {  	_ = 	snop  }
0x6: {  	_ = 	snop  }
0x7: {  	_ = 	snop  }
__scs_overlays_trampoline_lowered:
0x8: {  	[smem:$0x3FAC] =	sst s0  }
0x9: {  	[smem:$0x3FAD] =	sst s1  }
0xa: {  	[smem:$0x3FAE] =	sst s2  }
0xb: {  	[smem:$0x3FAF] =	sst s3  }
0xc: {  	[smem:$0x3FB0] =	sst s4  }
0xd: {  	[smem:$0x3FB1] =	sst s5  }
0xe: {  	[smem:$0x3FB2] =	sst s6  }
0xf: {  	[smem:$0x3FB3] =	sst s7  }
0x10: {  	[smem:$0x3FB4] =	sst s8  }
0x11: {  	[smem:$0x3FB5] =	sst s9;
	s0 =	simm.s32 @!p0 $0x0  }
0x12: {  	s1 =	sld [smem:$0x3F9B];
	s0 =	simm.s32 @p0 $0x1  }
0x13: {  	[smem:$0x3FB6] =	sst s0;
	s0 =	simm.s32 @!p1 $0x0  }
0x14: {  	s2 =	sld [smem:$0x3F9A];
	s0 =	simm.s32 @p1 $0x1  }
0x15: {  	[smem:$0x3FB7] =	sst s0;
	s0 =	simm.s32 @!p2 $0x0  }
0x16: {  	s3 =	sld [smem:$0x3FDB];
	s0 =	simm.s32 @p2 $0x1  }
0x17: {  	s4 =	simm.s32 $0x1BF5;
	[smem:$0x3FB9] =	sst s0  }
0x18: {  	s0 =	sld [smem:$0x3F9C];
	_ =	swait.ge [sflag:s4], $0x0  }
0x19: {  	s7 =	sld [smem:$0x3F9D]  }
0x1a: {  	s8 =	sadd.s32 $0xFFFFE003, lr  }
0x1b: {  	s9 =	sadd.s32 $0xFFFFFEF7, lr;
	s5 =	simm.s32 $0xFFFFFFFF;
	p2 =	slt.u32 s8, $0xFFFFF086  }
0x1c: {  	p1 =	slt.u32 s9, $0xF7A;
	s5 =	simm.s32 @!p2 $0x0  }
0x1d: {  	s5 =	simm.s32 @p1 $0x1;
	p0 =	seq.s32 s7, s2  }
0x1e: {  	s7 =	smul.u32 @!p0 $0xF7A, s2;
	p2 =	seq.s32 @!p0 s5, $0x0  }
0x1f: {  	s9 =	smul.u32 $0xF7A, s1;
	s8 =	simm.s32 @!p0 $0x1BF5;
	p2 =	por !p2, p0  }
0x20: {  	[sflag:s8] =	ssyncset.s32 @!p0 $0xFFFFF086;
	s6 =	sadd.s32 @!p0 s3, s7;
	s7 =	simm.s32 @!p0 $0x108  }
0x21: {  	s3 =	sadd.s32 s3, s9;
	s6 =	sadd.s32 @!p0 $0x88, s6;
	s7 =	simm.s32 @p2 $0x1082  }
0x22: {  	[simem:s7], [sflag:s8] =	dma.local @!p0 [hbm:s6], $0xF7A  }
0x23: {  	s9 =	sor.u32 $0xD0000000, s2;
	s6 =	simm.s32 $0x108;
	_ =	swait.ge @!p0 [sflag:s8], $0x0  }
0x24: {  	s3 =	sadd.s32 $0x88, s3;
	s6 =	simm.s32 @!p1 $0x1082;
	[sflag:s4] =	ssyncset.s32 $0xFFFFF086  }
0x25: {  	[simem:s6], [sflag:s4] =	dma.local [hbm:s3], $0xF7A  }
0x26: {  	[smem:$0x3F9D] =	sst s1;
	(tag) =	ssettag s2;
	_ =	strace s9  }
0x27: {  	s1 =	sld [smem:$0x3FAD]  }
0x28: {  	s2 =	sld [smem:$0x3FAE]  }
0x29: {  	s4 =	sld [smem:$0x3FB0]  }
0x2a: {  	p0 =	seq.s32 s5, $0x0;
	s5 =	sld [smem:$0x3FB1]  }
0x2b: {  	s6 =	sld [smem:$0x3FB2]  }
0x2c: {  	s7 =	sld [smem:$0x3FB3]  }
0x2d: {  	s3 =	simm.s32 $0x108;
	s8 =	sld [smem:$0x3FB4]  }
0x2e: {  	s3 =	simm.s32 @!p0 $0x1082;
	s9 =	sld [smem:$0x3FB5]  }
0x2f: {  	lr =	sadd.s32 s0, s3;
	s0 =	sld [smem:$0x3FAC]  }
0x30: {  	s3 =	sld [smem:$0x3FAF]  }
0x31: {  	[smem:$0x3FB8] =	sst s10  }
0x32: {  	s10 =	sld [smem:$0x3FB6];
	_ =	sdelay $0x3  }
0x33: {  	p0 =	seq.s32 s10, $0x1;
	s10 =	sld [smem:$0x3FB8];
	_ =	sdelay $0x3  }
0x34: {  	[smem:$0x3FB8] =	sst s10  }
0x35: {  	s10 =	sld [smem:$0x3FB7];
	_ =	sdelay $0x3  }
0x36: {  	p1 =	seq.s32 s10, $0x1;
	s10 =	sld [smem:$0x3FB8];
	_ =	sdelay $0x3  }
0x37: {  	[smem:$0x3FB8] =	sst s10  }
0x38: {  	s10 =	sld [smem:$0x3FB9]  }
0x39: {  	_ = 	snop;
	(pc) =	sbr.ind lr, $3  }
0x3a: {  	_ = 	snop  }
0x3b: {  	_ = 	snop  }
0x3c: {  	p2 =	seq.s32 s10, $0x1;
	s10 =	sld [smem:$0x3FB8]  }
0x3d: {  	_ =	shalt  }
0x3e: {  	_ =	shalt  }
0x3f: {  	_ =	shalt  }
0x40: {  	_ =	shalt  }
0x41: {  	_ =	shalt  }
0x42: {  	_ =	shalt  }
0x43: {  	_ =	shalt  }
0x44: {  	_ =	shalt  }
0x45: {  	_ =	shalt  }
0x46: {  	_ =	shalt  }
0x47: {  	_ =	shalt  }
0x48: {  	_ =	shalt  }
0x49: {  	_ =	shalt  }
0x4a: {  	_ =	shalt  }
0x4b: {  	_ =	shalt  }
0x4c: {  	_ =	shalt  }
0x4d: {  	_ =	shalt  }
0x4e: {  	_ =	shalt  }
0x4f: {  	_ =	shalt  }
0x50: {  	_ =	shalt  }
0x51: {  	_ =	shalt  }
0x52: {  	_ =	shalt  }
0x53: {  	_ =	shalt  }
0x54: {  	_ =	shalt  }
0x55: {  	_ =	shalt  }
0x56: {  	_ =	shalt  }
0x57: {  	_ =	shalt  }
0x58: {  	_ =	shalt  }
0x59: {  	_ =	shalt  }
0x5a: {  	_ =	shalt  }
0x5b: {  	_ =	shalt  }
0x5c: {  	_ =	shalt  }
0x5d: {  	_ =	shalt  }
0x5e: {  	_ =	shalt  }
0x5f: {  	_ =	shalt  }
0x60: {  	_ =	shalt  }
0x61: {  	_ =	shalt  }
0x62: {  	_ =	shalt  }
0x63: {  	_ =	shalt  }
0x64: {  	_ =	shalt  }
0x65: {  	_ =	shalt  }
0x66: {  	_ =	shalt  }
0x67: {  	_ =	shalt  }
0x68: {  	_ =	shalt  }
0x69: {  	_ =	shalt  }
0x6a: {  	_ =	shalt  }
0x6b: {  	_ =	shalt  }
0x6c: {  	_ =	shalt  }
0x6d: {  	_ =	shalt  }
0x6e: {  	_ =	shalt  }
0x6f: {  	_ =	shalt  }
0x70: {  	_ =	shalt  }
0x71: {  	_ =	shalt  }
0x72: {  	_ =	shalt  }
0x73: {  	_ =	shalt  }
0x74: {  	_ =	shalt  }
0x75: {  	_ =	shalt  }
0x76: {  	_ =	shalt  }
0x77: {  	_ =	shalt  }
0x78: {  	_ =	shalt  }
0x79: {  	_ =	shalt  }
0x7a: {  	_ =	shalt  }
0x7b: {  	_ =	shalt  }
0x7c: {  	_ =	shalt  }
0x7d: {  	_ =	shalt  }
0x7e: {  	_ =	shalt  }
0x7f: {  	_ =	shalt  }
0x80: {  	_ =	shalt  }
0x81: {  	_ =	shalt  }
0x82: {  	_ =	shalt  }
0x83: {  	_ =	shalt  }
0x84: {  	_ =	shalt  }
0x85: {  	_ =	shalt  }
0x86: {  	_ =	shalt  }
0x87: {  	_ =	shalt  }
.Lfunc_end0:
.L_simem_size_0:
called_computation_lowered:
.L_overlay_start_0:
0x88: {  	s2 =	sld [smem:$0x3FD9]  }
0x89: {  	s3 =	sld [smem:$0x3FFE];
	_ =	sdelay $0x1  }
0x8a: {  	s1 =	srdreg.scid  }
0x8b: {  	s0 =	sand.u32 $0x1, s1  }
0x8c: {  	s17 =	sshll.u32 s0, $0xA;
	s2 =	sadd.s32 s3, s2  }
0x8d: {  	s2 =	sadd.s32 s2, s17  }
0x8e: {  	[smem:$0x3FC4] =	sst s2  }
0x8f: {  	_ = 	snop  }
0x90: {  	s2 =	sld [smem:$0x3FC7]  }
0x91: {  	s18 =	sld [smem:$0x3FD0];
	(tm) =	ssettm $0x1  }
0x92: {  	s4 =	sld [smem:$0x3FFB];
	_ =	sdelay $0x3  }
0x93: {  	_ =	strace s4  }
0x94: {  	s4 =	sld [smem:$0x3FFC];
	_ =	sdelay $0x3  }
0x95: {  	_ =	strace s4  }
0x96: {  	s4 =	sld [smem:$0x3FFD];
	_ =	sdelay $0x3  }
0x97: {  	_ =	strace s4  }
0x98: {  	_ =	strace $0x8FFFFFFF  }
0x99: {  	s19 =	sld [smem:$0x3FDB];
	_ =	sdelay $0x1  }
0x9a: {  	s5 =	simm.s32 $_scs_section_size  }
0x9b: {  	s6 =	simm.s32 $_size__tile_overlayer_lowered;
	s7 =	simm.s32 $_tile_overlayer_lowered  }
0x9c: {  	s22 =	simm.s32 $0x1BFF;
	s21 =	sshll.u32 s7, $0x1;
	s4 =	sadd.s32 s5, s19  }
0x9d: {  	s8 =	simm.s32 $0x0;
	s20 =	sshll.u32 s6, $0x1;
	s6 =	sadd.s32 s21, s4  }
0x9e: {  	[timem:s8], [sflag:s22] =	dma.local [hbm:s6], s20  }
0x9f: {  	_ =	swait.ge [sflag:s22], s20  }
0xa0: {  	s5 =	ssub.s32 $0x0, s20;
	[sflag:s22] =	ssyncset.done $0x0  }
0xa1: {  	[sflag:s22] =	ssyncadd.s32 s5;
	_ =	sdelay $0x1  }
0xa2: {  	s23 =	simm.s32 $0x1B8B  }
0xa3: {  	_ =	swait.ge [sflag:s23], $0x1  }
0xa4: {  	[sflag:s23] =	ssyncset.done $0x0  }
0xa5: {  	s25 =	simm.s32 $0x1B8E;
	s24 =	sld [smem:$0x3FFE];
	[sflag:s23] =	ssyncadd.s32 $0xFFFFFFFF  }
0xa6: {  	s26 =	simm.s32 $execute0_lowered;
	[smem:$0x3FD2] =	sst s25  }
0xa7: {  	s6 =	sshll.u32 s26, $0x1;
	_ =	strace $0x80000046;
	[dreg:$0x1] =	wrdreg $0xFFFFFFFF  }
0xa8: {  	s28 =	simm.s32 $_size_execute0_lowered;
	s4 =	sadd.s32 s4, s6;
	[dreg:$0x0] =	wrdreg $0x0  }
0xa9: {  	s6 =	sshll.u32 s28, $0x1;
	[dreg:$0x2] =	wrdreg s4  }
0xaa: {  	[dreg:$0x3] =	wrdreg s6  }
0xab: {  	[dreg:$0x4] =	wrdreg $0xC0  }
0xac: {  	_ =	task [dreg:s8], $0x5FFFF  }
0xad: {  	[dreg:$0x1] =	wrdreg $0xFFFFFFFF  }
0xae: {  	[dreg:$0x0] =	wrdreg $0x60  }
0xaf: {  	[dreg:$0x2] =	wrdreg s24  }
0xb0: {  	[dreg:$0x3] =	wrdreg s2  }
0xb1: {  	[dreg:$0x4] =	wrdreg s18  }
0xb2: {  	[dreg:$0x5] =	wrdreg $0xBC300  }
0xb3: {  	[dreg:$0x6] =	wrdreg $0x9  }
0xb4: {  	_ =	task.clear_ibuf [dreg:s8], $0x7FFFF;
	_ =	strace $0x90000046  }
0xb5: {  	s29 =	simm.s32 $0x9;
	_ =	strace $0x80000048  }
0xb6: {  	_ =	swait.ge [sflag:s29], $0x1  }
0xb7: {  	[sflag:s29] =	ssyncadd.s32 $0xFFFFFFFF  }
0xb8: {  	_ =	strace $0x90000048  }
0xb9: {  	_ =	sfence  }
0xba: {  	s30 =	sld [smem:$0x0];
	_ =	sdelay $0x2  }
0xbb: {  	s31 =	sshll.u32 s1, $0xD;
	s1 =	sshrl.u32 s1, $0x2  }
0xbc: {  	s3 =	sand.u32 $0x4000, s31;
	s1 =	sadd.s32 s1, s30  }
0xbd: {  	s0 =	sor.u32 s3, s0;
	s1 =	sshll.u32 s1, $0x11  }
0xbe: {  	s0 =	sor.u32 s1, s0  }
0xbf: {  	s0 =	sadd.s32 $0x8F2B, s0  }
0xc0: {  	[sflag:s0] =	ssyncadd.remote.s32 $0x1  }
0xc1: {  	_ =	sfence.sel $0xFFFF  }
0xc2: {  	[dreg:$0x0] =	wrdreg $0xFFFFFFFF;
	(pc) =	sbr.abs _section_cstart, $3  }
0xc3: {  	[dreg:$0x1] =	wrdreg $0xFFFFFFFF  }
0xc4: {  	_ =	task.clear_ibuf [dreg:s8], $0x2FFFF;
	_ =	strace $0x9FFFFFFF  }
0xc5: {  	(tm) =	ssettm $0x7FFFFFFF  }
tec
execute0_lowered:
.L_overlay_start_1:
0x0: {  	(tag) =	ssettag $0x1  }
0x1: {  	s4 =	rddreg [dreg:$0x0]  }
0x2: {  	s7 =	rddreg [dreg:$0x1]  }
0x3: {  	s0 =	srdreg.scid;
	s9 =	rddreg [dreg:$0x2]  }
0x4: {  	s13 =	stileid.u32;
	s1 =	rddreg [dreg:$0x3];
	s2 =	simm.s32 $0x0  }
0x5: {  	s17 =	simm.s32 $0x80;
	s18 =	simm.s32 $0x3C30;
	s19 =	simm.s32 $0x1  }
0x6: {  	s20 =	simm.s32 $0x7C30;
	s21 =	simm.s32 $0x0;
	s5 =	sand.u32 $0x1, s0  }
0x7: {  	[smem:$0x7FF] =	sst s2;
	s11 =	smul.u32 $0x27000, s13;
	s16 =	sadd.s32 $0x138000, s1  }
0x8: {  	p0 =	sne.s32 s13, $0x0;
	s31 =	sshll.u32 s13, $0x6;
	s0 =	sshll.u32 s5, $0x4  }
0x9: {  	s10 =	ssub.s32 $0x2, s5;
	s14 =	smul.u32 $0x271000, s5;
	s16 =	sshrl.u32 @!p0 s16, $0x3  }
0xa: {  	s3 =	sor.u32 s13, s0;
	s0 =	rddreg [dreg:$0x4];
	_ =	strace $0x80000047  }
0xb: {  	s12 =	sshrl.u32 s10, $0x1;
	s28 =	sshrl.u32 s11, $0x1;
	s13 =	simm.s32 $0x2820  }
0xc: {  	s6 =	smul.u32 $0x1388, s3;
	s3 =	sadd.s32 $0xCE00, s4;
	s10 =	ssub.s32 s10, s12  }
0xd: {  	s11 =	sadd.s32 s11, s14;
	s15 =	sadd.s32 s28, s1;
	s30 =	sshrl.u32 s14, $0x4  }
0xe: {  	s12 =	simm.s32 $0x1410;
	s14 =	sor.u32 $0x1C02, s31;
	s29 =	sshrl.u32 s11, $0x4  }
0xf: {  	s10 =	smax.u32 s10, $0x1;
	s11 =	simm.s32 $0x2;
	s8 =	sshrl.u32 s6, $0x3  }
0x10: {  	s15 =	sshrl.u32 s15, $0x3;
	s6 =	sadd.s32 s8, s4;
	s4 =	sadd.s32 $0x800, s4  }
0x11: {  	s7 =	sadd.s32 s7, s8;
	s8 =	sadd.s32 s9, s29;
	s9 =	sadd.s32 s9, s30  }
0x12: {  	v0 =	vimm.s32 $0x0;
	v1 =	vimm.f32 $0.0e+00;
	s5 =	sadd.s32 $0x7E20, s6;
	s6 =	sadd.s32 $0x3000, s6;
	s9 =	sadd.s32 $0x27000, s9  }
.LBB2_1:
0x13: {  	[tilespmem:s2], [sflag:$0x2] =	stream.linear.gather [hbm4b:s5+s2], $0x1388, $0x38;
	[tilespmem:$0x1F4B0] =	vst v63  }
0x14: {  	_ =	swait.ge [sflag:s11], $0x1388  }
0x15: {  	[sflag:s11] =	ssyncset.done $0x0  }
0x16: {  	[sflag:s11] =	ssyncadd.s32 $0xFFFFEC78  }
0x17: {  	[tilespmem:s12], [sflag:$0x2] =	stream.linear.gather [hbm4b:s6+s2], $0x1388, $0x38;
	[tilespmem:$0x1F4B0] =	vst v63  }
0x18: {  	_ =	swait.ge [sflag:s11], $0x1388  }
0x19: {  	[sflag:s11] =	ssyncset.done $0x0  }
0x1a: {  	[sflag:s11] =	ssyncadd.s32 $0xFFFFEC78  }
0x1b: {  	[tilespmem:s13], [sflag:$0x2] =	stream.linear.gather [hbm4b:s7+s2], $0x1388, $0x38;
	[tilespmem:$0x1F4B0] =	vst v63  }
0x1c: {  	_ =	swait.ge [sflag:s11], $0x1388  }
0x1d: {  	[sflag:s11] =	ssyncset.done $0x0  }
0x1e: {  	[sflag:s11] =	ssyncadd.s32 $0xFFFFEC78  }
0x1f: {  	[tilespmem:$0x1388] =	vst v0  }
0x20: {  	[tilespmem:$0x2798] =	vst v0  }
0x21: {  	[tilespmem:$0x3BA8] =	vst v1  }
0x22: {  	[tilespmem:$0x1398] =	vst v0  }
0x23: {  	[tilespmem:$0x27A8] =	vst v0  }
0x24: {  	[tilespmem:$0x3BB8] =	vst v1  }
0x25: {  	[tilespmem:$0x13A8] =	vst v0  }
0x26: {  	[tilespmem:$0x27B8] =	vst v0  }
0x27: {  	[tilespmem:$0x3BC8] =	vst v1  }
0x28: {  	[tilespmem:$0x13B8] =	vst v0  }
0x29: {  	[tilespmem:$0x27C8] =	vst v0  }
0x2a: {  	[tilespmem:$0x3BD8] =	vst v1  }
0x2b: {  	[tilespmem:$0x13C8] =	vst v0  }
0x2c: {  	[tilespmem:$0x27D8] =	vst v0  }
0x2d: {  	[tilespmem:$0x3BE8] =	vst v1  }
0x2e: {  	[tilespmem:$0x13D8] =	vst v0  }
0x2f: {  	[tilespmem:$0x27E8] =	vst v0  }
0x30: {  	[tilespmem:$0x3BF8] =	vst v1  }
0x31: {  	[tilespmem:$0x13E8] =	vst v0  }
0x32: {  	[tilespmem:$0x27F8] =	vst v0  }
0x33: {  	[tilespmem:$0x3C08] =	vst v1  }
0x34: {  	[tilespmem:$0x13F8] =	vst v0  }
0x35: {  	[tilespmem:$0x2808] =	vst v0  }
0x36: {  	[tilespmem:$0x3C18] =	vst v1  }
0x37: {  	[spmem:s15], [sflag:s14] =	dma.local [hbm:s4], $0x2700  }
0x38: {  	_ =	swait.ge [sflag:s11], $0x2700  }
0x39: {  	[sflag:s11] =	ssyncset.done $0x0  }
0x3a: {  	s22 =	simm.s32 @!p0 $0x2;
	[sflag:s11] =	ssyncadd.s32 $0xFFFFD900  }
0x3b: {  	[spmem:s16], [sflag:s14] =	dma.local @!p0 [hbm:s4], $0x100  }
0x3c: {  	_ =	swait.ge @!p0 [sflag:s22], $0x100  }
0x3d: {  	[sflag:s22] =	ssyncset.done @!p0 $0x0  }
0x3e: {  	[sflag:s22] =	ssyncadd.s32 @!p0 $0xFFFFFF00  }
0x3f: {  	s22 =	simm.s32 $0x0;
	[bflag:$0x0] =	sbarrier.arrive $0xFFFF  }
.LBB2_2:
0x40: {  	s23 =	sshll.u32 s22, $0x7  }
0x41: {  	[tilespmem:s18], [sflag:$0x1] =	stream.indirect.gather [hbm4b:s3+s17], $0x80, s23, s17, $0xb8;
	[tilespmem:$0x1F4B0] =	vst v63  }
0x42: {  	s25 =	simm.s32 $0x0;
	s24 =	sadd.s32 $0x2820, s23;
	_ =	swait.ge [sflag:s19], $0x4000  }
0x43: {  	s26 =	simm.s32 $0x0;
	v3 =	vmov s24;
	s24 =	sand.u32 $0x3FFFFFF0, s25;
	[sflag:s19] =	ssyncset.done $0x0  }
0x44: {  	s25 =	sand.u32 $0x7FFFF800, s26;
	[sflag:s19] =	ssyncadd.s32 $0xFFFFC000  }
0x45: {  	v2 =	vld [tilespmem:s25+$0x4420]  }
0x46: {  	v6 =	vld [tilespmem:s25+$0x3C30]  }
0x47: {  	v7 =	vld [tilespmem:s25+$0x3C40]  }
0x48: {  	v8 =	vld [tilespmem:s25+$0x3C50]  }
0x49: {  	v9 =	vld [tilespmem:s25+$0x3C60]  }
0x4a: {  	v10 =	vld [tilespmem:s25+$0x3C70]  }
0x4b: {  	v11 =	vld [tilespmem:s25+$0x3C80]  }
0x4c: {  	v12 =	vld [tilespmem:s25+$0x3C90]  }
0x4d: {  	v13 =	vld [tilespmem:s25+$0x3CB0]  }
0x4e: {  	v5 =	vld.idx.msk [tilespmem:v3+s24+$0x0 ss:$0x1], $0xffff  }
0x4f: {  	v15 =	vld [tilespmem:s25+$0x3CC0]  }
0x50: {  	v16 =	vld [tilespmem:s25+$0x3CD0]  }
0x51: {  	v17 =	vld [tilespmem:s25+$0x3CE0]  }
0x52: {  	v18 =	vld [tilespmem:s25+$0x3CF0]  }
0x53: {  	v19 =	vld [tilespmem:s25+$0x3D00];
	v14 =	vbroadcast v5, $0x0  }
0x54: {  	v20 =	vld [tilespmem:s25+$0x3D10];
	v4 =	vbroadcast v5, $0xF  }
0x55: {  	v21 =	vld [tilespmem:s25+$0x3DD0];
	v14 =	vpack.i.f32.bf16 v14, v14  }
0x56: {  	v29 =	vld [tilespmem:s25+$0x3DE0];
	v4 =	vpack.i.f32.bf16 v4, v4;
	v6 =	vmul.bf16 v6, v14  }
0x57: {  	v47 =	vld [tilespmem:s25+$0x3DF0];
	v2 =	vmul.bf16 v2, v4  }
0x58: {  	v48 =	vld [tilespmem:s25+$0x3E10];
	[tilespmem:s25+$0x7C30] =	vst v6;
	v6 =	vmul.bf16 v8, v14  }
0x59: {  	v7 =	vmul.bf16 v7, v14;
	[tilespmem:s25+$0x8420] =	vst v2;
	v2 =	vld [tilespmem:s25+$0x3CA0]  }
0x5a: {  	v49 =	vld [tilespmem:s25+$0x3E20];
	[tilespmem:s25+$0x7C50] =	vst v6;
	v6 =	vmul.bf16 v10, v14;
	v10 =	vmul.bf16 v11, v14  }
0x5b: {  	v50 =	vld [tilespmem:s25+$0x3E30];
	[tilespmem:s25+$0x7C40] =	vst v7  }
0x5c: {  	v51 =	vld [tilespmem:s25+$0x3E40];
	v8 =	vmul.bf16 v9, v14;
	[tilespmem:s25+$0x7C80] =	vst v10;
	v10 =	vbroadcast v5, $0x1  }
0x5d: {  	v53 =	vld [tilespmem:s25+$0x3E50];
	[tilespmem:s25+$0x7C70] =	vst v6;
	v6 =	vmul.bf16 v12, v14  }
0x5e: {  	v54 =	vld [tilespmem:s25+$0x3E80];
	[tilespmem:s25+$0x7C60] =	vst v8;
	v2 =	vmul.bf16 v2, v14;
	v10 =	vpack.i.f32.bf16 v10, v10  }
0x5f: {  	v7 =	vld [tilespmem:s25+$0x3D20];
	[tilespmem:s25+$0x7C90] =	vst v6;
	v6 =	vmul.bf16 v13, v10  }
0x60: {  	v55 =	vld [tilespmem:s25+$0x3E90];
	[tilespmem:s25+$0x7CA0] =	vst v2;
	v2 =	vmul.bf16 v15, v10  }
0x61: {  	v9 =	vld [tilespmem:s25+$0x3D30];
	v19 =	vmul.bf16 v19, v10;
	[tilespmem:s25+$0x7CB0] =	vst v6  }
0x62: {  	v8 =	vld [tilespmem:s25+$0x3D40];
	v20 =	vmul.bf16 v20, v10;
	[tilespmem:s25+$0x7CC0] =	vst v2  }
0x63: {  	v11 =	vld [tilespmem:s25+$0x3D50];
	v6 =	vmul.bf16 v16, v10;
	[tilespmem:s25+$0x7D00] =	vst v19  }
0x64: {  	v35 =	vbroadcast v5, $0x2;
	v12 =	vld [tilespmem:s25+$0x3D60];
	v7 =	vmul.bf16 v7, v10;
	[tilespmem:s25+$0x7D10] =	vst v20  }
0x65: {  	s30 =	simm.s32 $0x10;
	v14 =	vld [tilespmem:s25+$0x3D70];
	[tilespmem:s25+$0x7CD0] =	vst v6;
	v6 =	vmul.bf16 v18, v10  }
0x66: {  	s24 =	sand.u32 $0x3FFFFFF0, s30;
	v13 =	vld [tilespmem:s25+$0x3D80];
	v2 =	vmul.bf16 v17, v10;
	v20 =	vpack.i.f32.bf16 v35, v35;
	[tilespmem:s25+$0x7D20] =	vst v7  }
0x67: {  	v9 =	vmul.bf16 v9, v20;
	[tilespmem:s25+$0x7CF0] =	vst v6;
	v6 =	vld.idx.msk [tilespmem:v3+s24+$0x0 ss:$0x1], $0xffff  }
0x68: {  	s31 =	simm.s32 $0x800;
	v15 =	vld [tilespmem:s25+$0x3D90];
	v8 =	vmul.bf16 v8, v20;
	[tilespmem:s25+$0x7CE0] =	vst v2  }
0x69: {  	v16 =	vld [tilespmem:s25+$0x3DA0];
	v11 =	vmul.bf16 v11, v20;
	[tilespmem:s25+$0x7D30] =	vst v9;
	s24 =	sand.u32 $0x7FFFF800, s31  }
0x6a: {  	v12 =	vmul.bf16 v12, v20;
	[tilespmem:s25+$0x7D40] =	vst v8;
	v22 =	vld [tilespmem:s24+$0x4420]  }
0x6b: {  	v14 =	vmul.bf16 v14, v20;
	[tilespmem:s25+$0x7D50] =	vst v11;
	v23 =	vld [tilespmem:s24+$0x3C30]  }
0x6c: {  	[tilespmem:s25+$0x7D60] =	vst v12;
	v13 =	vmul.bf16 v13, v20;
	v24 =	vld [tilespmem:s24+$0x3C40];
	v2 =	vbroadcast v6, $0xF  }
0x6d: {  	[tilespmem:s25+$0x7D70] =	vst v14;
	v15 =	vmul.bf16 v15, v20;
	v25 =	vld [tilespmem:s24+$0x3C50];
	v31 =	vbroadcast v6, $0x0  }
0x6e: {  	v26 =	vld [tilespmem:s24+$0x3C60];
	[tilespmem:s25+$0x7D80] =	vst v13;
	v16 =	vmul.bf16 v16, v20;
	v2 =	vpack.i.f32.bf16 v2, v2  }
0x6f: {  	v27 =	vld [tilespmem:s24+$0x3C70];
	[tilespmem:s25+$0x7D90] =	vst v15;
	v31 =	vpack.i.f32.bf16 v31, v31;
	v22 =	vmul.bf16 v22, v2  }
0x70: {  	v28 =	vld [tilespmem:s24+$0x3C80];
	[tilespmem:s25+$0x7DA0] =	vst v16;
	v23 =	vmul.bf16 v23, v31  }
0x71: {  	v19 =	vld [tilespmem:s24+$0x3C90];
	v24 =	vmul.bf16 v24, v31;
	[tilespmem:s24+$0x8420] =	vst v22  }
0x72: {  	v30 =	vld [tilespmem:s24+$0x3CB0];
	v25 =	vmul.bf16 v25, v31;
	[tilespmem:s24+$0x7C30] =	vst v23  }
0x73: {  	v32 =	vld [tilespmem:s24+$0x3CC0];
	v26 =	vmul.bf16 v26, v31;
	[tilespmem:s24+$0x7C40] =	vst v24  }
0x74: {  	v33 =	vld [tilespmem:s24+$0x3CD0];
	v14 =	vbroadcast v6, $0x1;
	v27 =	vmul.bf16 v27, v31;
	[tilespmem:s24+$0x7C50] =	vst v25  }
0x75: {  	v34 =	vld [tilespmem:s24+$0x3CE0];
	v28 =	vmul.bf16 v28, v31;
	[tilespmem:s24+$0x7C60] =	vst v26  }
0x76: {  	v36 =	vld [tilespmem:s24+$0x3CF0];
	v13 =	vpack.i.f32.bf16 v14, v14;
	v19 =	vmul.bf16 v19, v31;
	[tilespmem:s24+$0x7C70] =	vst v27  }
0x77: {  	v10 =	vld [tilespmem:s24+$0x3D00];
	v30 =	vmul.bf16 v30, v13;
	[tilespmem:s24+$0x7C80] =	vst v28  }
0x78: {  	v7 =	vld [tilespmem:s24+$0x3D10];
	v32 =	vmul.bf16 v32, v13;
	[tilespmem:s24+$0x7C90] =	vst v19  }
0x79: {  	v9 =	vld [tilespmem:s24+$0x3D20];
	v33 =	vmul.bf16 v33, v13;
	[tilespmem:s24+$0x7CB0] =	vst v30  }
0x7a: {  	v17 =	vld [tilespmem:s25+$0x3DB0];
	v34 =	vmul.bf16 v34, v13;
	[tilespmem:s24+$0x7CC0] =	vst v32  }
0x7b: {  	v18 =	vld [tilespmem:s25+$0x3DC0];
	v36 =	vmul.bf16 v36, v13;
	[tilespmem:s24+$0x7CD0] =	vst v33  }
0x7c: {  	v56 =	vld [tilespmem:s25+$0x3EA0];
	v10 =	vmul.bf16 v10, v13;
	v19 =	vbroadcast v5, $0x3;
	[tilespmem:s24+$0x7CE0] =	vst v34  }
0x7d: {  	v57 =	vld [tilespmem:s25+$0x3EB0];
	v7 =	vmul.bf16 v7, v13;
	[tilespmem:s24+$0x7CF0] =	vst v36  }
0x7e: {  	v59 =	vld [tilespmem:s25+$0x3EC0];
	v9 =	vmul.bf16 v9, v13;
	[tilespmem:s24+$0x7D00] =	vst v10;
	v19 =	vpack.i.f32.bf16 v19, v19  }
0x7f: {  	v62 =	vld [tilespmem:s25+$0x3EF0];
	[tilespmem:s24+$0x7D10] =	vst v7;
	v17 =	vmul.bf16 v17, v19  }
0x80: {  	v13 =	vld [tilespmem:s25+$0x3ED0];
	[tilespmem:s24+$0x7D20] =	vst v9;
	v18 =	vmul.bf16 v18, v19  }
0x81: {  	v22 =	vld [tilespmem:s24+$0x3CA0];
	v21 =	vmul.bf16 v21, v19;
	[tilespmem:s25+$0x7DB0] =	vst v17  }
0x82: {  	v44 =	vbroadcast v5, $0x5;
	v23 =	vld [tilespmem:s25+$0x3E00];
	v29 =	vmul.bf16 v29, v19;
	[tilespmem:s25+$0x7DC0] =	vst v18  }
0x83: {  	v63 =	vld [tilespmem:s25+$0x3F00];
	v35 =	vmul.bf16 v47, v19;
	[tilespmem:s25+$0x7DD0] =	vst v21  }
0x84: {  	v9 =	vld [tilespmem:s25+$0x3EE0];
	v32 =	vpack.i.f32.bf16 v44, v44;
	v7 =	vmul.bf16 v48, v19;
	[tilespmem:s25+$0x7DE0] =	vst v29  }
0x85: {  	v41 =	vld [tilespmem:s25+$0x3F20];
	v13 =	vmul.bf16 v13, v32;
	[tilespmem:s25+$0x7DF0] =	vst v35  }
0x86: {  	v8 =	vld [tilespmem:s24+$0x3D30];
	v22 =	vmul.bf16 v22, v31;
	[tilespmem:s25+$0x7E10] =	vst v7  }
0x87: {  	v11 =	vld [tilespmem:s24+$0x3D40];
	v10 =	vmul.bf16 v23, v19;
	[tilespmem:s25+$0x7ED0] =	vst v13  }
0x88: {  	v12 =	vld [tilespmem:s24+$0x3D50];
	v23 =	vbroadcast v6, $0x2;
	v19 =	vmul.bf16 v49, v19;
	[tilespmem:s24+$0x7CA0] =	vst v22  }
0x89: {  	v52 =	vld [tilespmem:s24+$0x3D60];
	v9 =	vmul.bf16 v9, v32;
	[tilespmem:s25+$0x7E00] =	vst v10  }
0x8a: {  	v14 =	vld [tilespmem:s24+$0x3D70];
	v31 =	vmul.bf16 v41, v32;
	v10 =	vpack.i.f32.bf16 v23, v23;
	[tilespmem:s25+$0x7E20] =	vst v19  }
0x8b: {  	v15 =	vld [tilespmem:s24+$0x3D80];
	[tilespmem:s25+$0x7EE0] =	vst v9;
	v8 =	vmul.bf16 v8, v10  }
0x8c: {  	v16 =	vld [tilespmem:s24+$0x3D90];
	[tilespmem:s25+$0x7F20] =	vst v31;
	v11 =	vmul.bf16 v11, v10  }
0x8d: {  	v40 =	vld [tilespmem:s25+$0x3F10];
	v12 =	vmul.bf16 v12, v10;
	[tilespmem:s24+$0x7D30] =	vst v8  }
0x8e: {  	v42 =	vld [tilespmem:s25+$0x3F30];
	v28 =	vmul.bf16 v52, v10;
	[tilespmem:s24+$0x7D40] =	vst v11  }
0x8f: {  	v45 =	vld [tilespmem:s25+$0x3F70];
	v61 =	vbroadcast v5, $0x4;
	v14 =	vmul.bf16 v14, v10;
	[tilespmem:s24+$0x7D50] =	vst v12  }
0x90: {  	v20 =	vld [tilespmem:s25+$0x3E70];
	v15 =	vmul.bf16 v15, v10;
	[tilespmem:s24+$0x7D60] =	vst v28  }
0x91: {  	v58 =	vld [tilespmem:s24+$0x3DD0];
	v24 =	vpack.i.f32.bf16 v61, v61;
	v16 =	vmul.bf16 v16, v10;
	[tilespmem:s24+$0x7D70] =	vst v14  }
0x92: {  	v17 =	vld [tilespmem:s24+$0x3DA0];
	v8 =	vmul.bf16 v50, v24;
	[tilespmem:s24+$0x7D80] =	vst v15  }
0x93: {  	v60 =	vld [tilespmem:s24+$0x3DE0];
	v11 =	vmul.bf16 v51, v24;
	[tilespmem:s24+$0x7D90] =	vst v16  }
0x94: {  	v22 =	vld [tilespmem:s25+$0x3E60];
	v12 =	vmul.bf16 v53, v24;
	[tilespmem:s25+$0x7E30] =	vst v8  }
0x95: {  	v43 =	vld [tilespmem:s24+$0x3E60];
	v14 =	vmul.bf16 v20, v24;
	[tilespmem:s25+$0x7E40] =	vst v11  }
0x96: {  	v18 =	vld [tilespmem:s24+$0x3DB0];
	v15 =	vmul.bf16 v54, v24;
	[tilespmem:s25+$0x7E50] =	vst v12  }
0x97: {  	v21 =	vld [tilespmem:s24+$0x3DC0];
	v10 =	vmul.bf16 v17, v10;
	[tilespmem:s25+$0x7E70] =	vst v14  }
0x98: {  	v46 =	vld [tilespmem:s24+$0x3E90];
	v16 =	vmul.bf16 v55, v24;
	v14 =	vbroadcast v6, $0x3;
	[tilespmem:s25+$0x7E80] =	vst v15  }
0x99: {  	v44 =	vld [tilespmem:s25+$0x40B0];
	v22 =	vmul.bf16 v22, v24;
	[tilespmem:s24+$0x7DA0] =	vst v10  }
0x9a: {  	v23 =	vld [tilespmem:s24+$0x3DF0];
	v24 =	vmul.bf16 v56, v24;
	[tilespmem:s25+$0x7E90] =	vst v16;
	v14 =	vpack.i.f32.bf16 v14, v14  }
0x9b: {  	v7 =	vld [tilespmem:s24+$0x3E00];
	[tilespmem:s25+$0x7E60] =	vst v22;
	v18 =	vmul.bf16 v18, v14  }
0x9c: {  	v19 =	vld [tilespmem:s24+$0x3E10];
	[tilespmem:s25+$0x7EA0] =	vst v24;
	v21 =	vmul.bf16 v21, v14  }
0x9d: {  	v17 =	vld [tilespmem:s25+$0x3F50];
	v29 =	vmul.bf16 v58, v14;
	[tilespmem:s24+$0x7DB0] =	vst v18  }
0x9e: {  	v48 =	vld [tilespmem:s25+$0x3F90];
	v35 =	vmul.bf16 v60, v14;
	[tilespmem:s24+$0x7DC0] =	vst v21  }
0x9f: {  	v47 =	vld [tilespmem:s25+$0x3F80];
	v53 =	vbroadcast v5, $0x6;
	v23 =	vmul.bf16 v23, v14;
	[tilespmem:s24+$0x7DD0] =	vst v29  }
0xa0: {  	v49 =	vld [tilespmem:s25+$0x3FA0];
	v7 =	vmul.bf16 v7, v14;
	[tilespmem:s24+$0x7DE0] =	vst v35  }
0xa1: {  	v13 =	vld [tilespmem:s24+$0x3EC0];
	v27 =	vpack.i.f32.bf16 v53, v53;
	v19 =	vmul.bf16 v19, v14;
	[tilespmem:s24+$0x7DF0] =	vst v23  }
0xa2: {  	v41 =	vld [tilespmem:s24+$0x3F90];
	v17 =	vmul.bf16 v17, v27;
	[tilespmem:s24+$0x7E00] =	vst v7  }
0xa3: {  	v8 =	vld [tilespmem:s24+$0x3E20];
	v60 =	vmul.bf16 v48, v27;
	[tilespmem:s24+$0x7E10] =	vst v19  }
0xa4: {  	v9 =	vld [tilespmem:s24+$0x3ED0];
	v18 =	vmul.bf16 v57, v32;
	[tilespmem:s25+$0x7F50] =	vst v17  }
0xa5: {  	v10 =	vld [tilespmem:s25+$0x3F60];
	v21 =	vmul.bf16 v59, v32;
	[tilespmem:s25+$0x7F90] =	vst v60  }
0xa6: {  	v11 =	vld [tilespmem:s24+$0x3E30];
	v23 =	vmul.bf16 v62, v32;
	[tilespmem:s25+$0x7EB0] =	vst v18  }
0xa7: {  	v12 =	vld [tilespmem:s24+$0x3E40];
	v7 =	vmul.bf16 v63, v32;
	[tilespmem:s25+$0x7EC0] =	vst v21  }
0xa8: {  	v20 =	vld [tilespmem:s24+$0x3E50];
	v8 =	vmul.bf16 v8, v14;
	[tilespmem:s25+$0x7EF0] =	vst v23;
	v23 =	vbroadcast v6, $0x4  }
0xa9: {  	v52 =	vld [tilespmem:s24+$0x3EE0];
	v19 =	vmul.bf16 v40, v32;
	[tilespmem:s25+$0x7F00] =	vst v7  }
0xaa: {  	v15 =	vld [tilespmem:s24+$0x3E70];
	v10 =	vmul.bf16 v10, v27;
	[tilespmem:s24+$0x7E20] =	vst v8;
	v7 =	vpack.i.f32.bf16 v23, v23  }
0xab: {  	v16 =	vld [tilespmem:s24+$0x3E80];
	[tilespmem:s25+$0x7F10] =	vst v19;
	v11 =	vmul.bf16 v11, v7  }
0xac: {  	v50 =	vld [tilespmem:s25+$0x3FB0];
	[tilespmem:s25+$0x7F60] =	vst v10;
	v12 =	vmul.bf16 v12, v7  }
0xad: {  	v51 =	vld [tilespmem:s25+$0x3FC0];
	v20 =	vmul.bf16 v20, v7;
	[tilespmem:s24+$0x7E30] =	vst v11  }
0xae: {  	v22 =	vld [tilespmem:s25+$0x3F40];
	v30 =	vmul.bf16 v43, v7;
	[tilespmem:s24+$0x7E40] =	vst v12  }
0xaf: {  	v54 =	vld [tilespmem:s25+$0x3FF0];
	v15 =	vmul.bf16 v15, v7;
	[tilespmem:s24+$0x7E50] =	vst v20  }
0xb0: {  	v55 =	vld [tilespmem:s24+$0x3F10];
	v16 =	vmul.bf16 v16, v7;
	[tilespmem:s24+$0x7E60] =	vst v30  }
0xb1: {  	v18 =	vld [tilespmem:s24+$0x3EA0];
	v24 =	vmul.bf16 v46, v7;
	[tilespmem:s24+$0x7E70] =	vst v15  }
0xb2: {  	v56 =	vld [tilespmem:s25+$0x4000];
	v11 =	vmul.bf16 v42, v27;
	[tilespmem:s24+$0x7E80] =	vst v16  }
0xb3: {  	v8 =	vld [tilespmem:s25+$0x3FE0];
	v12 =	vmul.bf16 v22, v27;
	[tilespmem:s24+$0x7E90] =	vst v24  }
0xb4: {  	v21 =	vld [tilespmem:s24+$0x3EB0];
	v15 =	vmul.bf16 v45, v27;
	[tilespmem:s25+$0x7F30] =	vst v11  }
0xb5: {  	v61 =	vbroadcast v5, $0x7;
	v58 =	vld [tilespmem:s25+$0x4040];
	v16 =	vmul.bf16 v47, v27;
	[tilespmem:s25+$0x7F40] =	vst v12  }
0xb6: {  	v48 =	vld [tilespmem:s25+$0x40F0];
	v7 =	vmul.bf16 v18, v7;
	[tilespmem:s25+$0x7F70] =	vst v15;
	v15 =	vbroadcast v6, $0x5  }
0xb7: {  	v14 =	vld [tilespmem:s25+$0x3FD0];
	v63 =	vpack.i.f32.bf16 v61, v61;
	v27 =	vmul.bf16 v49, v27;
	[tilespmem:s25+$0x7F80] =	vst v16  }
0xb8: {  	v23 =	vld [tilespmem:s24+$0x3EF0];
	v8 =	vmul.bf16 v8, v63;
	[tilespmem:s24+$0x7EA0] =	vst v7;
	v15 =	vpack.i.f32.bf16 v15, v15  }
0xb9: {  	v19 =	vld [tilespmem:s24+$0x3F00];
	[tilespmem:s25+$0x7FA0] =	vst v27;
	v21 =	vmul.bf16 v21, v15  }
0xba: {  	v17 =	vld [tilespmem:s24+$0x3F40];
	[tilespmem:s25+$0x7FE0] =	vst v8;
	v13 =	vmul.bf16 v13, v15  }
0xbb: {  	v22 =	vld [tilespmem:s25+$0x4010];
	v9 =	vmul.bf16 v9, v15;
	[tilespmem:s24+$0x7EB0] =	vst v21  }
0xbc: {  	v20 =	vld [tilespmem:s25+$0x4020];
	v26 =	vmul.bf16 v52, v15;
	[tilespmem:s24+$0x7EC0] =	vst v13  }
0xbd: {  	v57 =	vld [tilespmem:s25+$0x4030];
	v23 =	vmul.bf16 v23, v15;
	[tilespmem:s24+$0x7ED0] =	vst v9  }
0xbe: {  	v59 =	vld [tilespmem:s24+$0x3F60];
	v19 =	vmul.bf16 v19, v15;
	[tilespmem:s24+$0x7EE0] =	vst v26  }
0xbf: {  	v62 =	vld [tilespmem:s24+$0x3F80];
	v28 =	vmul.bf16 v55, v15;
	[tilespmem:s24+$0x7EF0] =	vst v23  }
0xc0: {  	v40 =	vld [tilespmem:s25+$0x4070];
	v22 =	vmul.bf16 v22, v63;
	[tilespmem:s24+$0x7F00] =	vst v19  }
0xc1: {  	v60 =	vld [tilespmem:s25+$0x4190];
	v20 =	vmul.bf16 v20, v63;
	[tilespmem:s24+$0x7F10] =	vst v28  }
0xc2: {  	v11 =	vld [tilespmem:s24+$0x3F20];
	v21 =	vmul.bf16 v50, v63;
	[tilespmem:s25+$0x8010] =	vst v22  }
0xc3: {  	v7 =	vld [tilespmem:s25+$0x4060];
	v13 =	vmul.bf16 v51, v63;
	[tilespmem:s25+$0x8020] =	vst v20  }
0xc4: {  	v42 =	vld [tilespmem:s25+$0x4080];
	v9 =	vmul.bf16 v14, v63;
	[tilespmem:s25+$0x7FB0] =	vst v21  }
0xc5: {  	v43 =	vld [tilespmem:s25+$0x4090];
	v47 =	vbroadcast v5, $0x8;
	v23 =	vmul.bf16 v54, v63;
	[tilespmem:s25+$0x7FC0] =	vst v13  }
0xc6: {  	v12 =	vld [tilespmem:s24+$0x3F30];
	v19 =	vmul.bf16 v56, v63;
	[tilespmem:s25+$0x7FD0] =	vst v9  }
0xc7: {  	v61 =	vld [tilespmem:s25+$0x41B0];
	v11 =	vmul.bf16 v11, v15;
	v28 =	vpack.i.f32.bf16 v47, v47;
	[tilespmem:s25+$0x7FF0] =	vst v23  }
0xc8: {  	v10 =	vld [tilespmem:s24+$0x3F50];
	v7 =	vmul.bf16 v7, v28;
	v23 =	vbroadcast v6, $0x6;
	[tilespmem:s25+$0x8000] =	vst v19  }
0xc9: {  	v46 =	vld [tilespmem:s24+$0x3FE0];
	v53 =	vmul.bf16 v42, v28;
	[tilespmem:s24+$0x7F20] =	vst v11  }
0xca: {  	v16 =	vld [tilespmem:s24+$0x3F70];
	v25 =	vmul.bf16 v43, v28;
	[tilespmem:s25+$0x8060] =	vst v7;
	v19 =	vpack.i.f32.bf16 v23, v23  }
0xcb: {  	v18 =	vld [tilespmem:s25+$0x4050];
	[tilespmem:s25+$0x8080] =	vst v53;
	v12 =	vmul.bf16 v12, v19  }
0xcc: {  	v45 =	vld [tilespmem:s25+$0x40C0];
	[tilespmem:s25+$0x8090] =	vst v25;
	v17 =	vmul.bf16 v17, v19  }
0xcd: {  	v14 =	vld [tilespmem:s25+$0x40A0];
	v10 =	vmul.bf16 v10, v19;
	[tilespmem:s24+$0x7F30] =	vst v12  }
0xce: {  	v49 =	vld [tilespmem:s25+$0x4100];
	v34 =	vmul.bf16 v59, v19;
	[tilespmem:s24+$0x7F40] =	vst v17  }
0xcf: {  	v8 =	vld [tilespmem:s24+$0x3FD0];
	v16 =	vmul.bf16 v16, v19;
	[tilespmem:s24+$0x7F50] =	vst v10  }
0xd0: {  	v52 =	vld [tilespmem:s25+$0x4140];
	v24 =	vmul.bf16 v62, v19;
	[tilespmem:s24+$0x7F60] =	vst v34  }
0xd1: {  	v55 =	vld [tilespmem:s24+$0x4070];
	v27 =	vmul.bf16 v41, v19;
	[tilespmem:s24+$0x7F70] =	vst v16  }
0xd2: {  	v21 =	vld [tilespmem:s24+$0x3FA0];
	v14 =	vmul.bf16 v14, v28;
	[tilespmem:s24+$0x7F80] =	vst v24  }
0xd3: {  	v11 =	vld [tilespmem:s25+$0x40E0];
	v12 =	vmul.bf16 v57, v28;
	[tilespmem:s24+$0x7F90] =	vst v27  }
0xd4: {  	v59 =	vld [tilespmem:s25+$0x4180];
	v17 =	vmul.bf16 v58, v28;
	[tilespmem:s25+$0x80A0] =	vst v14  }
0xd5: {  	v56 =	vbroadcast v5, $0x9;
	v13 =	vld [tilespmem:s24+$0x3FB0];
	v16 =	vmul.bf16 v40, v28;
	[tilespmem:s25+$0x8030] =	vst v12  }
0xd6: {  	v39 =	vbroadcast v5, $0xA;
	v9 =	vld [tilespmem:s24+$0x3FC0];
	v10 =	vmul.bf16 v18, v28;
	[tilespmem:s25+$0x8040] =	vst v17  }
0xd7: {  	v15 =	vld [tilespmem:s25+$0x40D0];
	v19 =	vmul.bf16 v21, v19;
	v27 =	vpack.i.f32.bf16 v56, v56;
	[tilespmem:s25+$0x8070] =	vst v16;
	v16 =	vbroadcast v6, $0x7  }
0xd8: {  	v22 =	vld [tilespmem:s24+$0x4000];
	v40 =	vpack.i.f32.bf16 v39, v39;
	v11 =	vmul.bf16 v11, v27;
	[tilespmem:s25+$0x8050] =	vst v10  }
0xd9: {  	v23 =	vld [tilespmem:s24+$0x3FF0];
	[tilespmem:s24+$0x7FA0] =	vst v19;
	v47 =	vmul.bf16 v59, v40;
	v16 =	vpack.i.f32.bf16 v16, v16  }
0xda: {  	v20 =	vld [tilespmem:s24+$0x4010];
	[tilespmem:s25+$0x80E0] =	vst v11;
	v13 =	vmul.bf16 v13, v16  }
0xdb: {  	v50 =	vld [tilespmem:s25+$0x4110];
	v9 =	vmul.bf16 v9, v16;
	[tilespmem:s25+$0x8180] =	vst v47  }
0xdc: {  	v18 =	vld [tilespmem:s25+$0x4120];
	v8 =	vmul.bf16 v8, v16;
	[tilespmem:s24+$0x7FB0] =	vst v13  }
0xdd: {  	v51 =	vld [tilespmem:s25+$0x4130];
	v31 =	vmul.bf16 v46, v16;
	[tilespmem:s24+$0x7FC0] =	vst v9  }
0xde: {  	v54 =	vld [tilespmem:s24+$0x4060];
	v23 =	vmul.bf16 v23, v16;
	[tilespmem:s24+$0x7FD0] =	vst v8  }
0xdf: {  	v63 =	vld [tilespmem:s24+$0x40E0];
	v22 =	vmul.bf16 v22, v16;
	[tilespmem:s24+$0x7FE0] =	vst v31  }
0xe0: {  	v42 =	vld [tilespmem:s25+$0x4200];
	v20 =	vmul.bf16 v20, v16;
	[tilespmem:s24+$0x7FF0] =	vst v23  }
0xe1: {  	v43 =	vld [tilespmem:s25+$0x4210];
	v18 =	vmul.bf16 v18, v27;
	[tilespmem:s24+$0x8000] =	vst v22  }
0xe2: {  	v12 =	vld [tilespmem:s24+$0x4020];
	v13 =	vmul.bf16 v44, v27;
	[tilespmem:s24+$0x8010] =	vst v20  }
0xe3: {  	v7 =	vld [tilespmem:s24+$0x4050];
	v9 =	vmul.bf16 v45, v27;
	[tilespmem:s25+$0x8120] =	vst v18  }
0xe4: {  	v19 =	vld [tilespmem:s25+$0x4160];
	v8 =	vmul.bf16 v15, v27;
	[tilespmem:s25+$0x80B0] =	vst v13  }
0xe5: {  	v58 =	vld [tilespmem:s25+$0x4170];
	v23 =	vmul.bf16 v48, v27;
	[tilespmem:s25+$0x80C0] =	vst v9  }
0xe6: {  	v17 =	vld [tilespmem:s24+$0x4030];
	v22 =	vmul.bf16 v49, v27;
	[tilespmem:s25+$0x80D0] =	vst v8  }
0xe7: {  	v10 =	vld [tilespmem:s24+$0x4040];
	v12 =	vmul.bf16 v12, v16;
	[tilespmem:s25+$0x80F0] =	vst v23  }
0xe8: {  	v53 =	vld [tilespmem:s25+$0x4270];
	v20 =	vmul.bf16 v50, v27;
	v23 =	vbroadcast v6, $0x8;
	[tilespmem:s25+$0x8100] =	vst v22  }
0xe9: {  	v62 =	vld [tilespmem:s25+$0x41C0];
	v19 =	vmul.bf16 v19, v40;
	[tilespmem:s24+$0x8020] =	vst v12  }
0xea: {  	v41 =	vld [tilespmem:s25+$0x41F0];
	v45 =	vmul.bf16 v58, v40;
	[tilespmem:s25+$0x8110] =	vst v20;
	v22 =	vpack.i.f32.bf16 v23, v23  }
0xeb: {  	v57 =	vld [tilespmem:s24+$0x4080];
	[tilespmem:s25+$0x8160] =	vst v19;
	v17 =	vmul.bf16 v17, v22  }
0xec: {  	v14 =	vld [tilespmem:s24+$0x4090];
	[tilespmem:s25+$0x8170] =	vst v45;
	v10 =	vmul.bf16 v10, v22  }
0xed: {  	v15 =	vld [tilespmem:s25+$0x41A0];
	v7 =	vmul.bf16 v7, v22;
	[tilespmem:s24+$0x8030] =	vst v17  }
0xee: {  	v21 =	vld [tilespmem:s25+$0x4150];
	v35 =	vmul.bf16 v54, v22;
	[tilespmem:s24+$0x8040] =	vst v10  }
0xef: {  	v56 =	vld [tilespmem:s25+$0x42B0];
	v24 =	vmul.bf16 v55, v22;
	[tilespmem:s24+$0x8050] =	vst v7  }
0xf0: {  	v11 =	vld [tilespmem:s24+$0x40D0];
	v25 =	vmul.bf16 v57, v22;
	[tilespmem:s24+$0x8060] =	vst v35  }
0xf1: {  	v13 =	vld [tilespmem:s24+$0x40A0];
	v14 =	vmul.bf16 v14, v22;
	[tilespmem:s24+$0x8070] =	vst v24  }
0xf2: {  	v59 =	vld [tilespmem:s25+$0x42D0];
	v15 =	vmul.bf16 v15, v40;
	[tilespmem:s24+$0x8080] =	vst v25  }
0xf3: {  	v9 =	vld [tilespmem:s24+$0x40B0];
	v17 =	vmul.bf16 v51, v40;
	[tilespmem:s24+$0x8090] =	vst v14  }
0xf4: {  	v8 =	vld [tilespmem:s24+$0x40C0];
	v10 =	vmul.bf16 v52, v40;
	[tilespmem:s25+$0x81A0] =	vst v15  }
0xf5: {  	v46 =	vld [tilespmem:s25+$0x4240];
	v48 =	vbroadcast v6, $0x9;
	v7 =	vmul.bf16 v21, v40;
	[tilespmem:s25+$0x8130] =	vst v17  }
0xf6: {  	v16 =	vld [tilespmem:s25+$0x41D0];
	v13 =	vmul.bf16 v13, v22;
	[tilespmem:s25+$0x8140] =	vst v10  }
0xf7: {  	v20 =	vld [tilespmem:s24+$0x4100];
	v14 =	vmul.bf16 v60, v40;
	v24 =	vpack.i.f32.bf16 v48, v48;
	[tilespmem:s25+$0x8150] =	vst v7  }
0xf8: {  	v18 =	vld [tilespmem:s24+$0x4110];
	v9 =	vmul.bf16 v9, v24;
	[tilespmem:s24+$0x80A0] =	vst v13  }
0xf9: {  	v23 =	vld [tilespmem:s24+$0x40F0];
	v8 =	vmul.bf16 v8, v24;
	[tilespmem:s25+$0x8190] =	vst v14  }
0xfa: {  	v44 =	vld [tilespmem:s25+$0x4230];
	v11 =	vmul.bf16 v11, v24;
	[tilespmem:s24+$0x80B0] =	vst v9  }
0xfb: {  	v49 =	vld [tilespmem:s24+$0x4160];
	v30 =	vmul.bf16 v63, v24;
	[tilespmem:s24+$0x80C0] =	vst v8  }
0xfc: {  	v50 =	vld [tilespmem:s24+$0x4170];
	v51 =	vbroadcast v5, $0xB;
	v20 =	vmul.bf16 v20, v24;
	[tilespmem:s24+$0x80D0] =	vst v11  }
0xfd: {  	v12 =	vld [tilespmem:s25+$0x41E0];
	v18 =	vmul.bf16 v18, v24;
	[tilespmem:s24+$0x80E0] =	vst v30  }
0xfe: {  	v58 =	vld [tilespmem:s24+$0x41E0];
	v52 =	vpack.i.f32.bf16 v51, v51;
	v23 =	vmul.bf16 v23, v24;
	[tilespmem:s24+$0x8100] =	vst v20  }
0xff: {  	v19 =	vld [tilespmem:s24+$0x4150];
	v9 =	vmul.bf16 v61, v52;
	[tilespmem:s24+$0x8110] =	vst v18  }
0x100: {  	v45 =	vld [tilespmem:s24+$0x4260];
	v8 =	vmul.bf16 v62, v52;
	[tilespmem:s24+$0x80F0] =	vst v23  }
0x101: {  	v54 =	vld [tilespmem:s25+$0x4280];
	v11 =	vmul.bf16 v16, v52;
	[tilespmem:s25+$0x81B0] =	vst v9  }
0x102: {  	v21 =	vld [tilespmem:s25+$0x4220];
	v12 =	vmul.bf16 v12, v52;
	[tilespmem:s25+$0x81C0] =	vst v8  }
0x103: {  	v60 =	vbroadcast v5, $0xC;
	v17 =	vld [tilespmem:s24+$0x4120];
	v20 =	vmul.bf16 v42, v52;
	[tilespmem:s25+$0x81D0] =	vst v11  }
0x104: {  	v13 =	vld [tilespmem:s25+$0x4260];
	v18 =	vmul.bf16 v43, v52;
	[tilespmem:s25+$0x81E0] =	vst v12  }
0x105: {  	v16 =	vld [tilespmem:s25+$0x42A0];
	v61 =	vpack.i.f32.bf16 v60, v60;
	v23 =	vmul.bf16 v41, v52;
	[tilespmem:s25+$0x8200] =	vst v20  }
0x106: {  	v10 =	vld [tilespmem:s24+$0x4130];
	v42 =	vmul.bf16 v53, v61;
	[tilespmem:s25+$0x8210] =	vst v18  }
0x107: {  	v7 =	vld [tilespmem:s24+$0x4140];
	v21 =	vmul.bf16 v21, v52;
	[tilespmem:s25+$0x81F0] =	vst v23  }
0x108: {  	v55 =	vld [tilespmem:s25+$0x4290];
	v23 =	vbroadcast v6, $0xA;
	[tilespmem:s25+$0x8270] =	vst v42;
	v17 =	vmul.bf16 v17, v24  }
0x109: {  	v57 =	vld [tilespmem:s25+$0x42C0];
	[tilespmem:s25+$0x8220] =	vst v21;
	v13 =	vmul.bf16 v13, v61  }
0x10a: {  	v22 =	vld [tilespmem:s25+$0x4250];
	v20 =	vpack.i.f32.bf16 v23, v23;
	v16 =	vmul.bf16 v16, v61;
	[tilespmem:s24+$0x8120] =	vst v17  }
0x10b: {  	v14 =	vld [tilespmem:s24+$0x4180];
	v10 =	vmul.bf16 v10, v20;
	[tilespmem:s25+$0x8260] =	vst v13  }
0x10c: {  	v15 =	vld [tilespmem:s24+$0x4190];
	v7 =	vmul.bf16 v7, v20;
	[tilespmem:s25+$0x82A0] =	vst v16  }
0x10d: {  	v9 =	vld [tilespmem:s24+$0x41A0];
	v19 =	vmul.bf16 v19, v20;
	[tilespmem:s24+$0x8130] =	vst v10  }
0x10e: {  	v40 =	vld [tilespmem:s25+$0x4310];
	v26 =	vmul.bf16 v49, v20;
	[tilespmem:s24+$0x8140] =	vst v7  }
0x10f: {  	v63 =	vld [tilespmem:s25+$0x4300];
	v25 =	vmul.bf16 v50, v20;
	[tilespmem:s24+$0x8150] =	vst v19  }
0x110: {  	v51 =	vld [tilespmem:s25+$0x4390];
	v14 =	vmul.bf16 v14, v20;
	[tilespmem:s24+$0x8160] =	vst v26  }
0x111: {  	v62 =	vld [tilespmem:s25+$0x42F0];
	v15 =	vmul.bf16 v15, v20;
	[tilespmem:s24+$0x8170] =	vst v25  }
0x112: {  	v43 =	vld [tilespmem:s25+$0x4340];
	v9 =	vmul.bf16 v9, v20;
	[tilespmem:s24+$0x8180] =	vst v14  }
0x113: {  	v8 =	vld [tilespmem:s24+$0x41B0];
	v10 =	vmul.bf16 v44, v61;
	[tilespmem:s24+$0x8190] =	vst v15  }
0x114: {  	v11 =	vld [tilespmem:s24+$0x41C0];
	v7 =	vmul.bf16 v46, v61;
	[tilespmem:s24+$0x81A0] =	vst v9  }
0x115: {  	v12 =	vld [tilespmem:s24+$0x41D0];
	v14 =	vmul.bf16 v54, v61;
	v44 =	vbroadcast v6, $0xB;
	[tilespmem:s25+$0x8230] =	vst v10  }
0x116: {  	v60 =	vld [tilespmem:s24+$0x4350];
	v19 =	vmul.bf16 v22, v61;
	[tilespmem:s25+$0x8240] =	vst v7  }
0x117: {  	v23 =	vld [tilespmem:s24+$0x41F0];
	v15 =	vmul.bf16 v55, v61;
	[tilespmem:s25+$0x8280] =	vst v14;
	v14 =	vpack.i.f32.bf16 v44, v44  }
0x118: {  	v17 =	vld [tilespmem:s25+$0x42E0];
	[tilespmem:s25+$0x8250] =	vst v19;
	v8 =	vmul.bf16 v8, v14  }
0x119: {  	v18 =	vld [tilespmem:s24+$0x4200];
	[tilespmem:s25+$0x8290] =	vst v15;
	v11 =	vmul.bf16 v11, v14  }
0x11a: {  	v47 =	vbroadcast v5, $0xD;
	v21 =	vld [tilespmem:s24+$0x4210];
	v12 =	vmul.bf16 v12, v14;
	[tilespmem:s24+$0x81B0] =	vst v8  }
0x11b: {  	v41 =	vld [tilespmem:s25+$0x4330];
	v34 =	vmul.bf16 v58, v14;
	[tilespmem:s24+$0x81C0] =	vst v11  }
0x11c: {  	v48 =	vpack.i.f32.bf16 v47, v47;
	v53 =	vld [tilespmem:s25+$0x43B0];
	v23 =	vmul.bf16 v23, v14;
	[tilespmem:s24+$0x81D0] =	vst v12  }
0x11d: {  	v52 =	vld [tilespmem:s25+$0x43A0];
	v17 =	vmul.bf16 v17, v48;
	[tilespmem:s24+$0x81E0] =	vst v34  }
0x11e: {  	v13 =	vld [tilespmem:s24+$0x4250];
	v18 =	vmul.bf16 v18, v14;
	[tilespmem:s24+$0x81F0] =	vst v23  }
0x11f: {  	v49 =	vld [tilespmem:s25+$0x4370];
	v21 =	vmul.bf16 v21, v14;
	[tilespmem:s25+$0x82E0] =	vst v17  }
0x120: {  	v50 =	vld [tilespmem:s25+$0x4380];
	v8 =	vmul.bf16 v56, v48;
	[tilespmem:s24+$0x8200] =	vst v18  }
0x121: {  	v20 =	vld [tilespmem:s25+$0x4350];
	v11 =	vmul.bf16 v57, v48;
	[tilespmem:s24+$0x8210] =	vst v21  }
0x122: {  	v10 =	vld [tilespmem:s24+$0x4220];
	v12 =	vmul.bf16 v59, v48;
	[tilespmem:s25+$0x82B0] =	vst v8  }
0x123: {  	v5 =	vbroadcast v5, $0xE;
	v9 =	vld [tilespmem:s25+$0x4360];
	v23 =	vmul.bf16 v62, v48;
	[tilespmem:s25+$0x82C0] =	vst v11  }
0x124: {  	v22 =	vld [tilespmem:s25+$0x4320];
	v18 =	vmul.bf16 v63, v48;
	[tilespmem:s25+$0x82D0] =	vst v12  }
0x125: {  	v5 =	vpack.i.f32.bf16 v5, v5;
	v7 =	vld [tilespmem:s24+$0x4230];
	v21 =	vmul.bf16 v40, v48;
	[tilespmem:s25+$0x82F0] =	vst v23  }
0x126: {  	v19 =	vld [tilespmem:s24+$0x4240];
	v59 =	vmul.bf16 v49, v5;
	[tilespmem:s25+$0x8300] =	vst v18  }
0x127: {  	v16 =	vld [tilespmem:s24+$0x4290];
	v23 =	vbroadcast v6, $0xC;
	v10 =	vmul.bf16 v10, v14;
	[tilespmem:s25+$0x8310] =	vst v21  }
0x128: {  	v46 =	vld [tilespmem:s24+$0x4270];
	v9 =	vmul.bf16 v9, v5;
	[tilespmem:s25+$0x8370] =	vst v59  }
0x129: {  	v54 =	vld [tilespmem:s25+$0x43C0];
	v18 =	vpack.i.f32.bf16 v23, v23;
	[tilespmem:s24+$0x8220] =	vst v10;
	v10 =	vmul.bf16 v22, v48  }
0x12a: {  	v15 =	vld [tilespmem:s24+$0x4280];
	[tilespmem:s25+$0x8360] =	vst v9;
	v7 =	vmul.bf16 v7, v18  }
0x12b: {  	v55 =	vld [tilespmem:s24+$0x42E0];
	v19 =	vmul.bf16 v19, v18;
	[tilespmem:s25+$0x8320] =	vst v10  }
0x12c: {  	v56 =	vld [tilespmem:s25+$0x43E0];
	v13 =	vmul.bf16 v13, v18;
	[tilespmem:s24+$0x8230] =	vst v7  }
0x12d: {  	v61 =	vld [tilespmem:s24+$0x4360];
	v58 =	vmul.bf16 v45, v18;
	[tilespmem:s24+$0x8240] =	vst v19  }
0x12e: {  	v17 =	vld [tilespmem:s24+$0x42D0];
	v25 =	vmul.bf16 v46, v18;
	[tilespmem:s24+$0x8250] =	vst v13  }
0x12f: {  	v57 =	vld [tilespmem:s24+$0x4320];
	v15 =	vmul.bf16 v15, v18;
	[tilespmem:s24+$0x8260] =	vst v58  }
0x130: {  	v8 =	vld [tilespmem:s24+$0x42A0];
	v9 =	vmul.bf16 v16, v18;
	[tilespmem:s24+$0x8270] =	vst v25  }
0x131: {  	v11 =	vld [tilespmem:s24+$0x42B0];
	v28 =	vmul.bf16 v56, v4;
	[tilespmem:s24+$0x8280] =	vst v15  }
0x132: {  	v12 =	vld [tilespmem:s24+$0x42C0];
	v7 =	vmul.bf16 v41, v5;
	[tilespmem:s24+$0x8290] =	vst v9  }
0x133: {  	v14 =	vld [tilespmem:s25+$0x43D0];
	v19 =	vmul.bf16 v43, v5;
	[tilespmem:s25+$0x83E0] =	vst v28  }
0x134: {  	v21 =	vld [tilespmem:s24+$0x4300];
	v13 =	vmul.bf16 v20, v5;
	[tilespmem:s25+$0x8330] =	vst v7  }
0x135: {  	v23 =	vld [tilespmem:s24+$0x42F0];
	v15 =	vmul.bf16 v50, v5;
	[tilespmem:s25+$0x8340] =	vst v19  }
0x136: {  	v22 =	vld [tilespmem:s24+$0x4310];
	v8 =	vmul.bf16 v8, v18;
	[tilespmem:s25+$0x8350] =	vst v13  }
0x137: {  	v16 =	vbroadcast v6, $0xD;
	v10 =	vld [tilespmem:s25+$0x43F0];
	v9 =	vmul.bf16 v51, v5;
	[tilespmem:s25+$0x8380] =	vst v15  }
0x138: {  	v20 =	vld [tilespmem:s24+$0x4330];
	v5 =	vmul.bf16 v52, v5;
	v14 =	vmul.bf16 v14, v4;
	[tilespmem:s24+$0x82A0] =	vst v8  }
0x139: {  	v18 =	vbroadcast v6, $0xE;
	v7 =	vld [tilespmem:s25+$0x4400];
	v15 =	vpack.i.f32.bf16 v16, v16;
	v8 =	vmul.bf16 v53, v4;
	[tilespmem:s25+$0x8390] =	vst v9  }
0x13a: {  	v19 =	vld [tilespmem:s25+$0x4410];
	v9 =	vmul.bf16 v54, v4;
	[tilespmem:s25+$0x83A0] =	vst v5;
	v11 =	vmul.bf16 v11, v15  }
0x13b: {  	v13 =	vld [tilespmem:s24+$0x4340];
	[tilespmem:s25+$0x83D0] =	vst v14;
	v12 =	vmul.bf16 v12, v15;
	v17 =	vmul.bf16 v17, v15  }
0x13c: {  	v62 =	vld [tilespmem:s24+$0x4380];
	v63 =	vmul.bf16 v55, v15;
	v23 =	vmul.bf16 v23, v15;
	[tilespmem:s25+$0x83B0] =	vst v8  }
0x13d: {  	v16 =	vld [tilespmem:s24+$0x4370];
	v6 =	vmul.bf16 v10, v4;
	[tilespmem:s25+$0x83C0] =	vst v9;
	v10 =	vmul.bf16 v21, v15  }
0x13e: {  	v8 =	vmul.bf16 v57, v15;
	[tilespmem:s24+$0x82B0] =	vst v11;
	v11 =	vld [tilespmem:s24+$0x4390];
	v5 =	vmul.bf16 v7, v4  }
0x13f: {  	[tilespmem:s24+$0x82C0] =	vst v12;
	v12 =	vld [tilespmem:s24+$0x43A0];
	v4 =	vmul.bf16 v19, v4;
	v7 =	vpack.i.f32.bf16 v18, v18;
	v19 =	vmul.bf16 v22, v15  }
0x140: {  	[tilespmem:s24+$0x82D0] =	vst v17;
	v17 =	vld [tilespmem:s24+$0x43B0];
	v20 =	vmul.bf16 v20, v7;
	v9 =	vmul.bf16 v13, v7  }
0x141: {  	[tilespmem:s24+$0x82E0] =	vst v63;
	v18 =	vld [tilespmem:s24+$0x43C0];
	v13 =	vmul.bf16 v60, v7;
	v14 =	vmul.bf16 v61, v7  }
0x142: {  	s29 =	simm.s32 $0x20;
	s28 =	simm.s32 $0x3;
	s26 =	simm.s32 $0x2;
	v21 =	vld [tilespmem:s24+$0x43D0];
	[tilespmem:s24+$0x82F0] =	vst v23;
	v15 =	vmul.bf16 v16, v7;
	v16 =	vmul.bf16 v62, v7  }
.LBB2_3:
0x143: {  	p1 =	sne.s32 s28, $0x7;
	s29 =	sand.u32 $0x3FFFFFF0, s29;
	[tilespmem:s24+$0x8300] =	vst v10;
	v10 =	vmul.bf16 v11, v7;
	v11 =	vld [tilespmem:s24+$0x43E0]  }
0x144: {  	v22 =	vld.idx.msk [tilespmem:v3+s29+$0x0 ss:$0x1], $0xffff;
	[tilespmem:s24+$0x8310] =	vst v19;
	v7 =	vmul.bf16 v12, v7  }
0x145: {  	[tilespmem:s24+$0x8320] =	vst v8;
	v8 =	vmul.bf16 v17, v2;
	v19 =	vld [tilespmem:s24+$0x43F0]  }
0x146: {  	s29 =	sshll.u32 s26, $0xB;
	s26 =	smov.u32 s28;
	[tilespmem:s24+$0x8330] =	vst v20;
	v12 =	vmul.bf16 v18, v2;
	v20 =	vld [tilespmem:s24+$0x4400]  }
0x147: {  	s29 =	sand.u32 $0x7FFFF800, s29;
	[tilespmem:s24+$0x8340] =	vst v9;
	v9 =	vmul.bf16 v21, v2;
	v21 =	vld [tilespmem:s24+$0x4410]  }
0x148: {  	v17 =	vld [tilespmem:s29+$0x4420];
	[tilespmem:s24+$0x8350] =	vst v13;
	v11 =	vmul.bf16 v11, v2  }
0x149: {  	v23 =	vld [tilespmem:s29+$0x3C30];
	[tilespmem:s24+$0x8360] =	vst v14  }
0x14a: {  	v13 =	vbroadcast v22, $0x0;
	v14 =	vbroadcast v22, $0xF;
	v24 =	vld [tilespmem:s29+$0x3C40];
	[tilespmem:s24+$0x8370] =	vst v15  }
0x14b: {  	v18 =	vbroadcast v22, $0x2;
	v15 =	vbroadcast v22, $0x1;
	v25 =	vld [tilespmem:s29+$0x3C50];
	[tilespmem:s24+$0x8380] =	vst v16  }
0x14c: {  	v27 =	vbroadcast v22, $0x4;
	v16 =	vbroadcast v22, $0x3;
	v28 =	vpack.i.f32.bf16 v14, v14;
	v26 =	vld [tilespmem:s29+$0x3C60];
	[tilespmem:s24+$0x8390] =	vst v10  }
0x14d: {  	v29 =	vpack.i.f32.bf16 v13, v13;
	v10 =	vbroadcast v22, $0x5;
	v30 =	vld [tilespmem:s29+$0x3C70];
	v13 =	vmul.bf16 v17, v28;
	[tilespmem:s24+$0x83A0] =	vst v7  }
0x14e: {  	v14 =	vbroadcast v22, $0x7;
	v32 =	vpack.i.f32.bf16 v15, v15;
	v7 =	vbroadcast v22, $0x6;
	v31 =	vld [tilespmem:s29+$0x3C80];
	[tilespmem:s24+$0x83B0] =	vst v8  }
0x14f: {  	v35 =	vbroadcast v22, $0x9;
	v34 =	vpack.i.f32.bf16 v18, v18;
	v8 =	vbroadcast v22, $0x8;
	v33 =	vld [tilespmem:s29+$0x3C90];
	[tilespmem:s29+$0x8420] =	vst v13  }
0x150: {  	v37 =	vbroadcast v22, $0xA;
	v38 =	vbroadcast v22, $0xB;
	v18 =	vpack.i.f32.bf16 v16, v16;
	v36 =	vld [tilespmem:s29+$0x3CA0];
	[tilespmem:s24+$0x83C0] =	vst v12  }
0x151: {  	v40 =	vbroadcast v22, $0xD;
	v17 =	vpack.i.f32.bf16 v27, v27;
	v27 =	vbroadcast v22, $0xC;
	v39 =	vld [tilespmem:s29+$0x3CB0];
	[tilespmem:s24+$0x83D0] =	vst v9  }
0x152: {  	v16 =	vpack.i.f32.bf16 v10, v10;
	v15 =	vpack.i.f32.bf16 v7, v7;
	v7 =	vbroadcast v22, $0xE;
	v41 =	vld [tilespmem:s29+$0x3CC0];
	[tilespmem:s24+$0x83E0] =	vst v11  }
0x153: {  	v14 =	vpack.i.f32.bf16 v14, v14;
	v13 =	vpack.i.f32.bf16 v8, v8;
	v12 =	vpack.i.f32.bf16 v35, v35;
	v22 =	vld [tilespmem:s29+$0x3CD0];
	[tilespmem:s25+$0x83F0] =	vst v6  }
0x154: {  	v10 =	vpack.i.f32.bf16 v38, v38;
	v9 =	vpack.i.f32.bf16 v27, v27;
	v11 =	vpack.i.f32.bf16 v37, v37;
	v6 =	vld [tilespmem:s29+$0x3CE0];
	[tilespmem:s25+$0x8400] =	vst v5  }
0x155: {  	v8 =	vpack.i.f32.bf16 v40, v40;
	v7 =	vpack.i.f32.bf16 v7, v7;
	v5 =	vmul.bf16 v23, v29;
	v23 =	vld [tilespmem:s29+$0x3CF0];
	[tilespmem:s25+$0x8410] =	vst v4;
	s25 =	smov.u32 s24;
	s24 =	smov.u32 s29  }
0x156: {  	v4 =	vmul.bf16 v24, v29;
	v24 =	vmul.bf16 v25, v29;
	v25 =	vld [tilespmem:s24+$0x3D00]  }
0x157: {  	[tilespmem:s24+$0x7C30] =	vst v5;
	v5 =	vmul.bf16 v26, v29;
	v26 =	vmul.bf16 v30, v29;
	v27 =	vld [tilespmem:s24+$0x3D10]  }
0x158: {  	v30 =	vmul.bf16 v33, v29;
	[tilespmem:s24+$0x7C40] =	vst v4;
	v4 =	vmul.bf16 v31, v29;
	v31 =	vld [tilespmem:s24+$0x3D20]  }
0x159: {  	[tilespmem:s24+$0x7C50] =	vst v24;
	v24 =	vmul.bf16 v36, v29;
	v29 =	vmul.bf16 v39, v32;
	v33 =	vld [tilespmem:s24+$0x3D30]  }
0x15a: {  	v35 =	vmul.bf16 v41, v32;
	v22 =	vmul.bf16 v22, v32;
	[tilespmem:s24+$0x7C60] =	vst v5;
	v36 =	vld [tilespmem:s24+$0x3D40]  }
0x15b: {  	v23 =	vmul.bf16 v23, v32;
	[tilespmem:s24+$0x7C70] =	vst v26;
	v26 =	vmul.bf16 v6, v32;
	v37 =	vld [tilespmem:s24+$0x3D50]  }
0x15c: {  	v25 =	vmul.bf16 v25, v32;
	[tilespmem:s24+$0x7C80] =	vst v4;
	v27 =	vmul.bf16 v27, v32;
	v38 =	vld [tilespmem:s24+$0x3D60]  }
0x15d: {  	v6 =	vmul.bf16 v19, v2;
	[tilespmem:s24+$0x7C90] =	vst v30;
	v30 =	vmul.bf16 v31, v32;
	v31 =	vld [tilespmem:s24+$0x3D70]  }
0x15e: {  	v5 =	vmul.bf16 v20, v2;
	[tilespmem:s24+$0x7CA0] =	vst v24;
	v19 =	vmul.bf16 v33, v34;
	v24 =	vld [tilespmem:s24+$0x3D80]  }
0x15f: {  	v4 =	vmul.bf16 v21, v2;
	v2 =	vmov v28;
	[tilespmem:s24+$0x7CB0] =	vst v29;
	v20 =	vmul.bf16 v36, v34;
	v29 =	vld [tilespmem:s24+$0x3D90]  }
0x160: {  	[tilespmem:s24+$0x7CC0] =	vst v35;
	v21 =	vmul.bf16 v37, v34;
	v28 =	vld [tilespmem:s24+$0x3DA0]  }
0x161: {  	[tilespmem:s24+$0x7CD0] =	vst v22;
	v22 =	vmul.bf16 v38, v34;
	v32 =	vld [tilespmem:s24+$0x3DB0]  }
0x162: {  	[tilespmem:s24+$0x7CE0] =	vst v26;
	v26 =	vmul.bf16 v31, v34;
	v31 =	vld [tilespmem:s24+$0x3DC0]  }
0x163: {  	[tilespmem:s24+$0x7CF0] =	vst v23;
	v23 =	vmul.bf16 v24, v34;
	v24 =	vld [tilespmem:s24+$0x3DD0]  }
0x164: {  	[tilespmem:s24+$0x7D00] =	vst v25;
	v25 =	vmul.bf16 v29, v34;
	v29 =	vld [tilespmem:s24+$0x3DE0]  }
0x165: {  	[tilespmem:s24+$0x7D10] =	vst v27;
	v27 =	vmul.bf16 v28, v34;
	v28 =	vld [tilespmem:s24+$0x3DF0]  }
0x166: {  	[tilespmem:s24+$0x7D20] =	vst v30;
	v30 =	vmul.bf16 v32, v18;
	v32 =	vld [tilespmem:s24+$0x3E00]  }
0x167: {  	[tilespmem:s24+$0x7D30] =	vst v19;
	v19 =	vmul.bf16 v31, v18;
	v31 =	vld [tilespmem:s24+$0x3E10]  }
0x168: {  	[tilespmem:s24+$0x7D40] =	vst v20;
	v20 =	vmul.bf16 v24, v18;
	v24 =	vld [tilespmem:s24+$0x3E20]  }
0x169: {  	[tilespmem:s24+$0x7D50] =	vst v21;
	v21 =	vmul.bf16 v29, v18;
	v29 =	vld [tilespmem:s24+$0x3E30]  }
0x16a: {  	[tilespmem:s24+$0x7D60] =	vst v22;
	v22 =	vmul.bf16 v28, v18;
	v28 =	vld [tilespmem:s24+$0x3E40]  }
0x16b: {  	[tilespmem:s24+$0x7D70] =	vst v26;
	v26 =	vmul.bf16 v32, v18;
	v32 =	vld [tilespmem:s24+$0x3E50]  }
0x16c: {  	[tilespmem:s24+$0x7D80] =	vst v23;
	v23 =	vmul.bf16 v31, v18;
	v31 =	vld [tilespmem:s24+$0x3E60]  }
0x16d: {  	[tilespmem:s24+$0x7D90] =	vst v25;
	v18 =	vmul.bf16 v24, v18;
	v24 =	vld [tilespmem:s24+$0x3E70]  }
0x16e: {  	[tilespmem:s24+$0x7DA0] =	vst v27;
	v25 =	vmul.bf16 v29, v17;
	v27 =	vld [tilespmem:s24+$0x3E80]  }
0x16f: {  	[tilespmem:s24+$0x7DB0] =	vst v30;
	v28 =	vmul.bf16 v28, v17;
	v29 =	vld [tilespmem:s24+$0x3E90]  }
0x170: {  	[tilespmem:s24+$0x7DC0] =	vst v19;
	v19 =	vmul.bf16 v32, v17;
	v30 =	vld [tilespmem:s24+$0x3EA0]  }
0x171: {  	[tilespmem:s24+$0x7DD0] =	vst v20;
	v20 =	vmul.bf16 v31, v17;
	v31 =	vld [tilespmem:s24+$0x3EB0]  }
0x172: {  	[tilespmem:s24+$0x7DE0] =	vst v21;
	v21 =	vmul.bf16 v24, v17;
	v24 =	vld [tilespmem:s24+$0x3EC0]  }
0x173: {  	[tilespmem:s24+$0x7DF0] =	vst v22;
	v22 =	vmul.bf16 v27, v17;
	v27 =	vld [tilespmem:s24+$0x3ED0]  }
0x174: {  	[tilespmem:s24+$0x7E00] =	vst v26;
	v26 =	vmul.bf16 v29, v17;
	v29 =	vld [tilespmem:s24+$0x3EE0]  }
0x175: {  	[tilespmem:s24+$0x7E10] =	vst v23;
	v17 =	vmul.bf16 v30, v17;
	v23 =	vld [tilespmem:s24+$0x3EF0]  }
0x176: {  	[tilespmem:s24+$0x7E20] =	vst v18;
	v18 =	vmul.bf16 v31, v16;
	v30 =	vld [tilespmem:s24+$0x3F00]  }
0x177: {  	[tilespmem:s24+$0x7E30] =	vst v25;
	v24 =	vmul.bf16 v24, v16;
	v25 =	vld [tilespmem:s24+$0x3F10]  }
0x178: {  	[tilespmem:s24+$0x7E40] =	vst v28;
	v27 =	vmul.bf16 v27, v16;
	v28 =	vld [tilespmem:s24+$0x3F20]  }
0x179: {  	[tilespmem:s24+$0x7E50] =	vst v19;
	v19 =	vmul.bf16 v29, v16;
	v29 =	vld [tilespmem:s24+$0x3F30]  }
0x17a: {  	[tilespmem:s24+$0x7E60] =	vst v20;
	v20 =	vmul.bf16 v23, v16;
	v23 =	vld [tilespmem:s24+$0x3F40]  }
0x17b: {  	[tilespmem:s24+$0x7E70] =	vst v21;
	v21 =	vmul.bf16 v30, v16;
	v30 =	vld [tilespmem:s24+$0x3F50]  }
0x17c: {  	[tilespmem:s24+$0x7E80] =	vst v22;
	v22 =	vmul.bf16 v25, v16;
	v25 =	vld [tilespmem:s24+$0x3F60]  }
0x17d: {  	[tilespmem:s24+$0x7E90] =	vst v26;
	v16 =	vmul.bf16 v28, v16;
	v26 =	vld [tilespmem:s24+$0x3F70]  }
0x17e: {  	[tilespmem:s24+$0x7EA0] =	vst v17;
	v17 =	vmul.bf16 v29, v15;
	v28 =	vld [tilespmem:s24+$0x3F80]  }
0x17f: {  	[tilespmem:s24+$0x7EB0] =	vst v18;
	v18 =	vmul.bf16 v23, v15;
	v23 =	vld [tilespmem:s24+$0x3F90]  }
0x180: {  	[tilespmem:s24+$0x7EC0] =	vst v24;
	v24 =	vmul.bf16 v30, v15;
	v29 =	vld [tilespmem:s24+$0x3FA0]  }
0x181: {  	[tilespmem:s24+$0x7ED0] =	vst v27;
	v25 =	vmul.bf16 v25, v15;
	v27 =	vld [tilespmem:s24+$0x3FB0]  }
0x182: {  	[tilespmem:s24+$0x7EE0] =	vst v19;
	v19 =	vmul.bf16 v26, v15;
	v26 =	vld [tilespmem:s24+$0x3FC0]  }
0x183: {  	[tilespmem:s24+$0x7EF0] =	vst v20;
	v20 =	vmul.bf16 v28, v15;
	v28 =	vld [tilespmem:s24+$0x3FD0]  }
0x184: {  	[tilespmem:s24+$0x7F00] =	vst v21;
	v21 =	vmul.bf16 v23, v15;
	v23 =	vld [tilespmem:s24+$0x3FE0]  }
0x185: {  	[tilespmem:s24+$0x7F10] =	vst v22;
	v15 =	vmul.bf16 v29, v15;
	v22 =	vld [tilespmem:s24+$0x3FF0]  }
0x186: {  	[tilespmem:s24+$0x7F20] =	vst v16;
	v16 =	vmul.bf16 v27, v14;
	v27 =	vld [tilespmem:s24+$0x4000]  }
0x187: {  	[tilespmem:s24+$0x7F30] =	vst v17;
	v17 =	vmul.bf16 v26, v14;
	v26 =	vld [tilespmem:s24+$0x4010]  }
0x188: {  	[tilespmem:s24+$0x7F40] =	vst v18;
	v18 =	vmul.bf16 v28, v14;
	v28 =	vld [tilespmem:s24+$0x4020]  }
0x189: {  	[tilespmem:s24+$0x7F50] =	vst v24;
	v23 =	vmul.bf16 v23, v14;
	v24 =	vld [tilespmem:s24+$0x4030]  }
0x18a: {  	[tilespmem:s24+$0x7F60] =	vst v25;
	v22 =	vmul.bf16 v22, v14;
	v25 =	vld [tilespmem:s24+$0x4040]  }
0x18b: {  	[tilespmem:s24+$0x7F70] =	vst v19;
	v19 =	vmul.bf16 v27, v14;
	v27 =	vld [tilespmem:s24+$0x4050]  }
0x18c: {  	[tilespmem:s24+$0x7F80] =	vst v20;
	v20 =	vmul.bf16 v26, v14;
	v26 =	vld [tilespmem:s24+$0x4060]  }
0x18d: {  	[tilespmem:s24+$0x7F90] =	vst v21;
	v14 =	vmul.bf16 v28, v14;
	v21 =	vld [tilespmem:s24+$0x4070]  }
0x18e: {  	[tilespmem:s24+$0x7FA0] =	vst v15;
	v15 =	vmul.bf16 v24, v13;
	v24 =	vld [tilespmem:s24+$0x4080]  }
0x18f: {  	[tilespmem:s24+$0x7FB0] =	vst v16;
	v16 =	vmul.bf16 v25, v13;
	v25 =	vld [tilespmem:s24+$0x4090]  }
0x190: {  	[tilespmem:s24+$0x7FC0] =	vst v17;
	v17 =	vmul.bf16 v27, v13;
	v27 =	vld [tilespmem:s24+$0x40A0]  }
0x191: {  	[tilespmem:s24+$0x7FD0] =	vst v18;
	v18 =	vmul.bf16 v26, v13;
	v26 =	vld [tilespmem:s24+$0x40B0]  }
0x192: {  	[tilespmem:s24+$0x7FE0] =	vst v23;
	v21 =	vmul.bf16 v21, v13;
	v23 =	vld [tilespmem:s24+$0x40C0]  }
0x193: {  	[tilespmem:s24+$0x7FF0] =	vst v22;
	v22 =	vmul.bf16 v24, v13;
	v24 =	vld [tilespmem:s24+$0x40D0]  }
0x194: {  	[tilespmem:s24+$0x8000] =	vst v19;
	v19 =	vmul.bf16 v25, v13;
	v25 =	vld [tilespmem:s24+$0x40E0]  }
0x195: {  	[tilespmem:s24+$0x8010] =	vst v20;
	v13 =	vmul.bf16 v27, v13;
	v20 =	vld [tilespmem:s24+$0x40F0]  }
0x196: {  	[tilespmem:s24+$0x8020] =	vst v14;
	v14 =	vmul.bf16 v26, v12;
	v26 =	vld [tilespmem:s24+$0x4100]  }
0x197: {  	[tilespmem:s24+$0x8030] =	vst v15;
	v15 =	vmul.bf16 v23, v12;
	v23 =	vld [tilespmem:s24+$0x4110]  }
0x198: {  	[tilespmem:s24+$0x8040] =	vst v16;
	v16 =	vmul.bf16 v24, v12;
	v24 =	vld [tilespmem:s24+$0x4120]  }
0x199: {  	[tilespmem:s24+$0x8050] =	vst v17;
	v17 =	vmul.bf16 v25, v12;
	v25 =	vld [tilespmem:s24+$0x4130]  }
0x19a: {  	[tilespmem:s24+$0x8060] =	vst v18;
	v18 =	vmul.bf16 v20, v12;
	v20 =	vld [tilespmem:s24+$0x4140]  }
0x19b: {  	[tilespmem:s24+$0x8070] =	vst v21;
	v21 =	vmul.bf16 v26, v12;
	v26 =	vld [tilespmem:s24+$0x4150]  }
0x19c: {  	[tilespmem:s24+$0x8080] =	vst v22;
	v22 =	vmul.bf16 v23, v12;
	v23 =	vld [tilespmem:s24+$0x4160]  }
0x19d: {  	[tilespmem:s24+$0x8090] =	vst v19;
	v12 =	vmul.bf16 v24, v12;
	v19 =	vld [tilespmem:s24+$0x4170]  }
0x19e: {  	[tilespmem:s24+$0x80A0] =	vst v13;
	v13 =	vmul.bf16 v25, v11;
	v24 =	vld [tilespmem:s24+$0x4180]  }
0x19f: {  	[tilespmem:s24+$0x80B0] =	vst v14;
	v14 =	vmul.bf16 v20, v11;
	v20 =	vld [tilespmem:s24+$0x4190]  }
0x1a0: {  	[tilespmem:s24+$0x80C0] =	vst v15;
	v15 =	vmul.bf16 v26, v11;
	v25 =	vld [tilespmem:s24+$0x41A0]  }
0x1a1: {  	[tilespmem:s24+$0x80D0] =	vst v16;
	v16 =	vmul.bf16 v23, v11;
	v23 =	vld [tilespmem:s24+$0x41B0]  }
0x1a2: {  	[tilespmem:s24+$0x80E0] =	vst v17;
	v17 =	vmul.bf16 v19, v11;
	v19 =	vld [tilespmem:s24+$0x41C0]  }
0x1a3: {  	[tilespmem:s24+$0x80F0] =	vst v18;
	v18 =	vmul.bf16 v24, v11;
	v24 =	vld [tilespmem:s24+$0x41D0]  }
0x1a4: {  	[tilespmem:s24+$0x8100] =	vst v21;
	v20 =	vmul.bf16 v20, v11;
	v21 =	vld [tilespmem:s24+$0x41E0]  }
0x1a5: {  	[tilespmem:s24+$0x8110] =	vst v22;
	v11 =	vmul.bf16 v25, v11;
	v22 =	vld [tilespmem:s24+$0x41F0]  }
0x1a6: {  	[tilespmem:s24+$0x8120] =	vst v12;
	v12 =	vmul.bf16 v23, v10;
	v23 =	vld [tilespmem:s24+$0x4200]  }
0x1a7: {  	[tilespmem:s24+$0x8130] =	vst v13;
	v13 =	vmul.bf16 v19, v10;
	v19 =	vld [tilespmem:s24+$0x4210]  }
0x1a8: {  	[tilespmem:s24+$0x8140] =	vst v14;
	v14 =	vmul.bf16 v24, v10;
	v24 =	vld [tilespmem:s24+$0x4220]  }
0x1a9: {  	[tilespmem:s24+$0x8150] =	vst v15;
	v15 =	vmul.bf16 v21, v10;
	v21 =	vld [tilespmem:s24+$0x4230]  }
0x1aa: {  	[tilespmem:s24+$0x8160] =	vst v16;
	v16 =	vmul.bf16 v22, v10;
	v22 =	vld [tilespmem:s24+$0x4240]  }
0x1ab: {  	[tilespmem:s24+$0x8170] =	vst v17;
	v17 =	vmul.bf16 v23, v10;
	v23 =	vld [tilespmem:s24+$0x4250]  }
0x1ac: {  	[tilespmem:s24+$0x8180] =	vst v18;
	v18 =	vmul.bf16 v19, v10;
	v19 =	vld [tilespmem:s24+$0x4260]  }
0x1ad: {  	[tilespmem:s24+$0x8190] =	vst v20;
	v10 =	vmul.bf16 v24, v10;
	v20 =	vld [tilespmem:s24+$0x4270]  }
0x1ae: {  	[tilespmem:s24+$0x81A0] =	vst v11;
	v11 =	vmul.bf16 v21, v9;
	v21 =	vld [tilespmem:s24+$0x4280]  }
0x1af: {  	[tilespmem:s24+$0x81B0] =	vst v12;
	v12 =	vmul.bf16 v22, v9;
	v22 =	vld [tilespmem:s24+$0x4290]  }
0x1b0: {  	[tilespmem:s24+$0x81C0] =	vst v13;
	v13 =	vmul.bf16 v23, v9;
	v23 =	vld [tilespmem:s24+$0x42A0]  }
0x1b1: {  	[tilespmem:s24+$0x81D0] =	vst v14;
	v14 =	vmul.bf16 v19, v9;
	v19 =	vld [tilespmem:s24+$0x42B0]  }
0x1b2: {  	[tilespmem:s24+$0x81E0] =	vst v15;
	v15 =	vmul.bf16 v20, v9;
	v20 =	vld [tilespmem:s24+$0x42C0]  }
0x1b3: {  	[tilespmem:s24+$0x81F0] =	vst v16;
	v16 =	vmul.bf16 v21, v9;
	v21 =	vld [tilespmem:s24+$0x42D0]  }
0x1b4: {  	[tilespmem:s24+$0x8200] =	vst v17;
	v17 =	vmul.bf16 v22, v9;
	v22 =	vld [tilespmem:s24+$0x42E0]  }
0x1b5: {  	[tilespmem:s24+$0x8210] =	vst v18;
	v9 =	vmul.bf16 v23, v9;
	v18 =	vld [tilespmem:s24+$0x42F0]  }
0x1b6: {  	[tilespmem:s24+$0x8220] =	vst v10;
	v23 =	vmul.bf16 v19, v8;
	v10 =	vld [tilespmem:s24+$0x4300]  }
0x1b7: {  	[tilespmem:s24+$0x8230] =	vst v11;
	v24 =	vmul.bf16 v20, v8;
	v11 =	vld [tilespmem:s24+$0x4310]  }
0x1b8: {  	[tilespmem:s24+$0x8240] =	vst v12;
	v21 =	vmul.bf16 v21, v8;
	v12 =	vld [tilespmem:s24+$0x4320]  }
0x1b9: {  	[tilespmem:s24+$0x8250] =	vst v13;
	v22 =	vmul.bf16 v22, v8;
	v13 =	vld [tilespmem:s24+$0x4330]  }
0x1ba: {  	[tilespmem:s24+$0x8260] =	vst v14;
	v25 =	vmul.bf16 v18, v8;
	v14 =	vld [tilespmem:s24+$0x4340]  }
0x1bb: {  	[tilespmem:s24+$0x8270] =	vst v15;
	v10 =	vmul.bf16 v10, v8;
	v15 =	vld [tilespmem:s24+$0x4350]  }
0x1bc: {  	[tilespmem:s24+$0x8280] =	vst v16;
	v19 =	vmul.bf16 v11, v8;
	v16 =	vld [tilespmem:s24+$0x4360]  }
0x1bd: {  	[tilespmem:s24+$0x8290] =	vst v17;
	v8 =	vmul.bf16 v12, v8;
	v18 =	vld [tilespmem:s24+$0x4370]  }
0x1be: {  	[tilespmem:s24+$0x82A0] =	vst v9;
	v20 =	vmul.bf16 v13, v7;
	v26 =	vld [tilespmem:s24+$0x4380]  }
.Ltmp0:
0x1bf: {  	[tilespmem:s24+$0x82B0] =	vst v23;
	v9 =	vmul.bf16 v14, v7;
	v11 =	vld [tilespmem:s24+$0x4390];
	(pc) =	sbr.rel @p1 .LBB2_3-.Ltmp0, $4  }
0x1c0: {  	[tilespmem:s24+$0x82C0] =	vst v24;
	v13 =	vmul.bf16 v15, v7;
	v12 =	vld [tilespmem:s24+$0x43A0]  }
0x1c1: {  	[tilespmem:s24+$0x82D0] =	vst v21;
	v14 =	vmul.bf16 v16, v7;
	v17 =	vld [tilespmem:s24+$0x43B0]  }
0x1c2: {  	[tilespmem:s24+$0x82E0] =	vst v22;
	v15 =	vmul.bf16 v18, v7;
	v18 =	vld [tilespmem:s24+$0x43C0]  }
0x1c3: {  	s28 =	sadd.s32 $0x1, s28;
	s29 =	sshll.u32 s26, $0x4;
	[tilespmem:s24+$0x82F0] =	vst v25;
	v16 =	vmul.bf16 v26, v7;
	v21 =	vld [tilespmem:s24+$0x43D0]  }
0x1c4: {  	[tilespmem:s24+$0x8300] =	vst v10  }
0x1c5: {  	[tilespmem:s24+$0x8310] =	vst v19  }
0x1c6: {  	[tilespmem:s24+$0x8320] =	vst v8  }
0x1c7: {  	[tilespmem:s24+$0x8330] =	vst v20  }
0x1c8: {  	[tilespmem:s24+$0x8340] =	vst v9  }
0x1c9: {  	[tilespmem:s24+$0x8350] =	vst v13  }
0x1ca: {  	[tilespmem:s24+$0x8360] =	vst v14  }
0x1cb: {  	v22 =	vld [tilespmem:s24+$0x43E0];
	[tilespmem:s24+$0x8370] =	vst v15  }
0x1cc: {  	s28 =	sand.u32 $0x3FFFFFF0, s29;
	v8 =	vld [tilespmem:s24+$0x43F0];
	[tilespmem:s25+$0x83F0] =	vst v6  }
0x1cd: {  	[tilespmem:s25+$0x8400] =	vst v5;
	v10 =	vld.idx.msk [tilespmem:v3+s28+$0x0 ss:$0x1], $0xffff  }
0x1ce: {  	s26 =	sshll.u32 s26, $0xB;
	v9 =	vld [tilespmem:s24+$0x4410];
	v11 =	vmul.bf16 v11, v7;
	[tilespmem:s25+$0x8410] =	vst v4  }
0x1cf: {  	v3 =	vld [tilespmem:s24+$0x4400];
	s26 =	sand.u32 $0x7FFFF800, s26;
	v12 =	vmul.bf16 v12, v7;
	[tilespmem:s24+$0x8380] =	vst v16  }
0x1d0: {  	v45 =	vld [tilespmem:s26+$0x4420];
	v47 =	vmul.bf16 v17, v2;
	[tilespmem:s24+$0x8390] =	vst v11  }
0x1d1: {  	v51 =	vld [tilespmem:s26+$0x3C30];
	[tilespmem:s24+$0x83A0] =	vst v12;
	v49 =	vmul.bf16 v18, v2  }
0x1d2: {  	v53 =	vld [tilespmem:s26+$0x3C40];
	[tilespmem:s24+$0x83B0] =	vst v47;
	v50 =	vmul.bf16 v21, v2;
	v46 =	vbroadcast v10, $0xF  }
0x1d3: {  	v55 =	vld [tilespmem:s26+$0x3C50];
	v52 =	vmul.bf16 v22, v2;
	[tilespmem:s24+$0x83C0] =	vst v49;
	v54 =	vbroadcast v10, $0x0  }
0x1d4: {  	v56 =	vld [tilespmem:s26+$0x3C60];
	[tilespmem:s24+$0x83D0] =	vst v50;
	v3 =	vmul.bf16 v3, v2;
	v7 =	vpack.i.f32.bf16 v46, v46  }
0x1d5: {  	v58 =	vld [tilespmem:s26+$0x3C70];
	[tilespmem:s24+$0x83E0] =	vst v52;
	v57 =	vpack.i.f32.bf16 v54, v54;
	v48 =	vmul.bf16 v45, v7  }
0x1d6: {  	v59 =	vld [tilespmem:s26+$0x3C80];
	[tilespmem:s24+$0x8400] =	vst v3;
	v60 =	vmul.bf16 v51, v57  }
0x1d7: {  	v61 =	vld [tilespmem:s26+$0x3C90];
	v62 =	vmul.bf16 v53, v57;
	[tilespmem:s26+$0x8420] =	vst v48  }
0x1d8: {  	v63 =	vld [tilespmem:s26+$0x3CA0];
	v16 =	vmul.bf16 v55, v57;
	[tilespmem:s26+$0x7C30] =	vst v60  }
0x1d9: {  	v20 =	vld [tilespmem:s26+$0x3CB0];
	v13 =	vmul.bf16 v56, v57;
	[tilespmem:s26+$0x7C40] =	vst v62  }
0x1da: {  	v21 =	vld [tilespmem:s26+$0x3CC0];
	v12 =	vmul.bf16 v58, v57;
	[tilespmem:s26+$0x7C50] =	vst v16  }
0x1db: {  	v23 =	vld [tilespmem:s26+$0x3CD0];
	v22 =	vbroadcast v10, $0x1;
	v6 =	vmul.bf16 v59, v57;
	[tilespmem:s26+$0x7C60] =	vst v13  }
0x1dc: {  	v28 =	vld [tilespmem:s26+$0x3D10];
	v14 =	vmul.bf16 v61, v57;
	[tilespmem:s26+$0x7C70] =	vst v12  }
0x1dd: {  	v34 =	vld [tilespmem:s26+$0x3D50];
	v25 =	vpack.i.f32.bf16 v22, v22;
	v11 =	vmul.bf16 v63, v57;
	[tilespmem:s26+$0x7C80] =	vst v6  }
0x1de: {  	v36 =	vld [tilespmem:s26+$0x3D60];
	v5 =	vmul.bf16 v20, v25;
	[tilespmem:s26+$0x7C90] =	vst v14  }
0x1df: {  	v37 =	vld [tilespmem:s26+$0x3D70];
	v33 =	vbroadcast v10, $0x2;
	v4 =	vmul.bf16 v21, v25;
	[tilespmem:s26+$0x7CA0] =	vst v11  }
0x1e0: {  	v41 =	vld [tilespmem:s26+$0x3DA0];
	v30 =	vmul.bf16 v23, v25;
	[tilespmem:s26+$0x7CB0] =	vst v5  }
0x1e1: {  	v24 =	vld [tilespmem:s26+$0x3CE0];
	v15 =	vpack.i.f32.bf16 v33, v33;
	v35 =	vmul.bf16 v28, v25;
	[tilespmem:s26+$0x7CC0] =	vst v4  }
0x1e2: {  	v26 =	vld [tilespmem:s26+$0x3CF0];
	v40 =	vmul.bf16 v34, v15;
	[tilespmem:s26+$0x7CD0] =	vst v30  }
0x1e3: {  	v27 =	vld [tilespmem:s26+$0x3D00];
	v42 =	vmul.bf16 v36, v15;
	[tilespmem:s26+$0x7D10] =	vst v35  }
0x1e4: {  	v29 =	vld [tilespmem:s26+$0x3D20];
	v44 =	vmul.bf16 v37, v15;
	[tilespmem:s26+$0x7D50] =	vst v40  }
0x1e5: {  	v31 =	vld [tilespmem:s26+$0x3D30];
	v51 =	vmul.bf16 v41, v15;
	[tilespmem:s26+$0x7D60] =	vst v42  }
0x1e6: {  	v32 =	vld [tilespmem:s26+$0x3D40];
	v13 =	vmul.bf16 v24, v25;
	[tilespmem:s26+$0x7D70] =	vst v44  }
0x1e7: {  	v39 =	vld [tilespmem:s26+$0x3D90];
	v16 =	vmul.bf16 v26, v25;
	[tilespmem:s26+$0x7DA0] =	vst v51  }
0x1e8: {  	v43 =	vld [tilespmem:s26+$0x3DB0];
	v6 =	vmul.bf16 v27, v25;
	[tilespmem:s26+$0x7CE0] =	vst v13  }
0x1e9: {  	v47 =	vld [tilespmem:s26+$0x3DD0];
	v11 =	vmul.bf16 v29, v25;
	[tilespmem:s26+$0x7CF0] =	vst v16  }
0x1ea: {  	v49 =	vld [tilespmem:s26+$0x3DE0];
	v46 =	vbroadcast v10, $0x3;
	v5 =	vmul.bf16 v31, v15;
	[tilespmem:s26+$0x7D00] =	vst v6  }
0x1eb: {  	v52 =	vld [tilespmem:s26+$0x3DF0];
	v4 =	vmul.bf16 v32, v15;
	[tilespmem:s26+$0x7D20] =	vst v11  }
0x1ec: {  	v38 =	vld [tilespmem:s26+$0x3D80];
	v50 =	vpack.i.f32.bf16 v46, v46;
	v48 =	vmul.bf16 v39, v15;
	[tilespmem:s26+$0x7D30] =	vst v5  }
0x1ed: {  	v54 =	vld [tilespmem:s26+$0x3E00];
	v53 =	vmul.bf16 v43, v50;
	[tilespmem:s26+$0x7D40] =	vst v4  }
0x1ee: {  	v22 =	vld [tilespmem:s26+$0x3E60];
	v57 =	vmul.bf16 v47, v50;
	[tilespmem:s26+$0x7D90] =	vst v48  }
0x1ef: {  	v45 =	vld [tilespmem:s26+$0x3DC0];
	v59 =	vmul.bf16 v49, v50;
	[tilespmem:s26+$0x7DB0] =	vst v53  }
0x1f0: {  	v56 =	vld [tilespmem:s26+$0x3E10];
	v63 =	vbroadcast v10, $0x4;
	v61 =	vmul.bf16 v52, v50;
	[tilespmem:s26+$0x7DD0] =	vst v57  }
0x1f1: {  	v58 =	vld [tilespmem:s26+$0x3E20];
	v6 =	vmul.bf16 v38, v15;
	[tilespmem:s26+$0x7DE0] =	vst v59  }
0x1f2: {  	v20 =	vld [tilespmem:s26+$0x3E50];
	v23 =	vpack.i.f32.bf16 v63, v63;
	v14 =	vmul.bf16 v54, v50;
	[tilespmem:s26+$0x7DF0] =	vst v61  }
0x1f3: {  	v60 =	vld [tilespmem:s26+$0x3E30];
	v12 =	vmul.bf16 v22, v23;
	[tilespmem:s26+$0x7D80] =	vst v6  }
0x1f4: {  	v62 =	vld [tilespmem:s26+$0x3E40];
	v55 =	vmul.bf16 v45, v50;
	[tilespmem:s26+$0x7E00] =	vst v14  }
0x1f5: {  	v24 =	vld [tilespmem:s26+$0x3E70];
	v21 =	vmul.bf16 v56, v50;
	[tilespmem:s26+$0x7E60] =	vst v12  }
0x1f6: {  	v25 =	vld [tilespmem:s26+$0x3E80];
	v4 =	vmul.bf16 v58, v50;
	[tilespmem:s26+$0x7DC0] =	vst v55  }
0x1f7: {  	v27 =	vld [tilespmem:s26+$0x3E90];
	v28 =	vmul.bf16 v20, v23;
	[tilespmem:s26+$0x7E10] =	vst v21  }
0x1f8: {  	v29 =	vld [tilespmem:s26+$0x3EA0];
	v13 =	vmul.bf16 v60, v23;
	[tilespmem:s26+$0x7E20] =	vst v4  }
0x1f9: {  	v32 =	vld [tilespmem:s26+$0x3EC0];
	v26 =	vmul.bf16 v62, v23;
	[tilespmem:s26+$0x7E50] =	vst v28  }
0x1fa: {  	v34 =	vld [tilespmem:s26+$0x3ED0];
	v31 =	vmul.bf16 v24, v23;
	[tilespmem:s26+$0x7E30] =	vst v13  }
0x1fb: {  	v33 =	vbroadcast v10, $0x5;
	v36 =	vld [tilespmem:s26+$0x3EE0];
	v14 =	vmul.bf16 v25, v23;
	[tilespmem:s26+$0x7E40] =	vst v26  }
0x1fc: {  	v37 =	vld [tilespmem:s26+$0x3EF0];
	v35 =	vmul.bf16 v27, v23;
	[tilespmem:s26+$0x7E70] =	vst v31  }
0x1fd: {  	v39 =	vld [tilespmem:s26+$0x3F10];
	v4 =	vpack.i.f32.bf16 v33, v33;
	v5 =	vmul.bf16 v29, v23;
	[tilespmem:s26+$0x7E80] =	vst v14  }
0x1fe: {  	v30 =	vld [tilespmem:s26+$0x3EB0];
	v11 =	vmul.bf16 v32, v4;
	[tilespmem:s26+$0x7E90] =	vst v35  }
0x1ff: {  	v38 =	vld [tilespmem:s26+$0x3F00];
	v40 =	vmul.bf16 v34, v4;
	[tilespmem:s26+$0x7EA0] =	vst v5  }
0x200: {  	v41 =	vld [tilespmem:s26+$0x3F20];
	v42 =	vmul.bf16 v36, v4;
	[tilespmem:s26+$0x7EC0] =	vst v11  }
0x201: {  	v43 =	vld [tilespmem:s26+$0x3F30];
	v6 =	vmul.bf16 v37, v4;
	[tilespmem:s26+$0x7ED0] =	vst v40  }
0x202: {  	v44 =	vld [tilespmem:s26+$0x3F40];
	v12 =	vmul.bf16 v39, v4;
	[tilespmem:s26+$0x7EE0] =	vst v42  }
0x203: {  	v46 =	vld [tilespmem:s26+$0x3F50];
	v45 =	vbroadcast v10, $0x6;
	v13 =	vmul.bf16 v30, v4;
	[tilespmem:s26+$0x7EF0] =	vst v6  }
0x204: {  	v48 =	vld [tilespmem:s26+$0x3F70];
	v14 =	vmul.bf16 v38, v4;
	[tilespmem:s26+$0x7F10] =	vst v12  }
0x205: {  	v50 =	vld [tilespmem:s26+$0x3F80];
	v5 =	vpack.i.f32.bf16 v45, v45;
	v4 =	vmul.bf16 v41, v4;
	[tilespmem:s26+$0x7EB0] =	vst v13  }
0x206: {  	v51 =	vld [tilespmem:s26+$0x3F90];
	v49 =	vmul.bf16 v43, v5;
	[tilespmem:s26+$0x7F00] =	vst v14  }
0x207: {  	v47 =	vld [tilespmem:s26+$0x3F60];
	v11 =	vmul.bf16 v44, v5;
	[tilespmem:s26+$0x7F20] =	vst v4  }
0x208: {  	v53 =	vld [tilespmem:s26+$0x3FA0];
	v52 =	vmul.bf16 v46, v5;
	[tilespmem:s26+$0x7F30] =	vst v49  }
0x209: {  	v54 =	vld [tilespmem:s26+$0x3FB0];
	v6 =	vmul.bf16 v48, v5;
	[tilespmem:s26+$0x7F40] =	vst v11  }
0x20a: {  	v55 =	vld [tilespmem:s26+$0x3FC0];
	v15 =	vmul.bf16 v50, v5;
	[tilespmem:s26+$0x7F50] =	vst v52  }
0x20b: {  	v57 =	vld [tilespmem:s26+$0x3FD0];
	v56 =	vbroadcast v10, $0x7;
	v12 =	vmul.bf16 v51, v5;
	[tilespmem:s26+$0x7F70] =	vst v6  }
0x20c: {  	v59 =	vld [tilespmem:s26+$0x3FF0];
	v13 =	vmul.bf16 v47, v5;
	[tilespmem:s26+$0x7F80] =	vst v15  }
0x20d: {  	v60 =	vld [tilespmem:s26+$0x4000];
	v4 =	vpack.i.f32.bf16 v56, v56;
	v5 =	vmul.bf16 v53, v5;
	[tilespmem:s26+$0x7F90] =	vst v12  }
0x20e: {  	v61 =	vld [tilespmem:s26+$0x4010];
	v14 =	vmul.bf16 v54, v4;
	[tilespmem:s26+$0x7F60] =	vst v13  }
0x20f: {  	v58 =	vld [tilespmem:s26+$0x3FE0];
	v11 =	vmul.bf16 v55, v4;
	[tilespmem:s26+$0x7FA0] =	vst v5  }
0x210: {  	v63 =	vld [tilespmem:s26+$0x4020];
	v62 =	vmul.bf16 v57, v4;
	[tilespmem:s26+$0x7FB0] =	vst v14  }
0x211: {  	v20 =	vld [tilespmem:s26+$0x4030];
	v6 =	vmul.bf16 v59, v4;
	[tilespmem:s26+$0x7FC0] =	vst v11  }
0x212: {  	v21 =	vld [tilespmem:s26+$0x4040];
	v15 =	vmul.bf16 v60, v4;
	[tilespmem:s26+$0x7FD0] =	vst v62  }
0x213: {  	v22 =	vbroadcast v10, $0x8;
	v23 =	vld [tilespmem:s26+$0x4050];
	v12 =	vmul.bf16 v61, v4;
	[tilespmem:s26+$0x7FF0] =	vst v6  }
0x214: {  	v25 =	vld [tilespmem:s26+$0x4070];
	v13 =	vmul.bf16 v58, v4;
	[tilespmem:s26+$0x8000] =	vst v15  }
0x215: {  	v26 =	vld [tilespmem:s26+$0x4080];
	v5 =	vpack.i.f32.bf16 v22, v22;
	v4 =	vmul.bf16 v63, v4;
	[tilespmem:s26+$0x8010] =	vst v12  }
0x216: {  	v27 =	vld [tilespmem:s26+$0x4090];
	v14 =	vmul.bf16 v20, v5;
	[tilespmem:s26+$0x7FE0] =	vst v13  }
0x217: {  	v24 =	vld [tilespmem:s26+$0x4060];
	v11 =	vmul.bf16 v21, v5;
	[tilespmem:s26+$0x8020] =	vst v4  }
0x218: {  	v29 =	vld [tilespmem:s26+$0x40A0];
	v28 =	vmul.bf16 v23, v5;
	[tilespmem:s26+$0x8030] =	vst v14  }
0x219: {  	v30 =	vld [tilespmem:s26+$0x40B0];
	v6 =	vmul.bf16 v25, v5;
	[tilespmem:s26+$0x8040] =	vst v11  }
0x21a: {  	v31 =	vld [tilespmem:s26+$0x40C0];
	v15 =	vmul.bf16 v26, v5;
	[tilespmem:s26+$0x8050] =	vst v28  }
0x21b: {  	v33 =	vld [tilespmem:s26+$0x40D0];
	v32 =	vbroadcast v10, $0x9;
	v12 =	vmul.bf16 v27, v5;
	[tilespmem:s26+$0x8070] =	vst v6  }
0x21c: {  	v35 =	vld [tilespmem:s26+$0x40F0];
	v13 =	vmul.bf16 v24, v5;
	[tilespmem:s26+$0x8080] =	vst v15  }
0x21d: {  	v36 =	vld [tilespmem:s26+$0x4100];
	v4 =	vpack.i.f32.bf16 v32, v32;
	v5 =	vmul.bf16 v29, v5;
	[tilespmem:s26+$0x8090] =	vst v12  }
0x21e: {  	v37 =	vld [tilespmem:s26+$0x4110];
	v14 =	vmul.bf16 v30, v4;
	[tilespmem:s26+$0x8060] =	vst v13  }
0x21f: {  	v34 =	vld [tilespmem:s26+$0x40E0];
	v11 =	vmul.bf16 v31, v4;
	[tilespmem:s26+$0x80A0] =	vst v5  }
0x220: {  	v39 =	vld [tilespmem:s26+$0x4120];
	v38 =	vmul.bf16 v33, v4;
	[tilespmem:s26+$0x80B0] =	vst v14  }
0x221: {  	v40 =	vld [tilespmem:s26+$0x4130];
	v6 =	vmul.bf16 v35, v4;
	[tilespmem:s26+$0x80C0] =	vst v11  }
0x222: {  	v41 =	vld [tilespmem:s26+$0x4140];
	v15 =	vmul.bf16 v36, v4;
	[tilespmem:s26+$0x80D0] =	vst v38  }
0x223: {  	v42 =	vbroadcast v10, $0xA;
	v43 =	vld [tilespmem:s26+$0x4150];
	v12 =	vmul.bf16 v37, v4;
	[tilespmem:s26+$0x80F0] =	vst v6  }
0x224: {  	v45 =	vld [tilespmem:s26+$0x4170];
	v13 =	vmul.bf16 v34, v4;
	[tilespmem:s26+$0x8100] =	vst v15  }
0x225: {  	v46 =	vld [tilespmem:s26+$0x4180];
	v5 =	vpack.i.f32.bf16 v42, v42;
	v4 =	vmul.bf16 v39, v4;
	[tilespmem:s26+$0x8110] =	vst v12  }
0x226: {  	v47 =	vld [tilespmem:s26+$0x4190];
	v14 =	vmul.bf16 v40, v5;
	[tilespmem:s26+$0x80E0] =	vst v13  }
0x227: {  	v44 =	vld [tilespmem:s26+$0x4160];
	v11 =	vmul.bf16 v41, v5;
	[tilespmem:s26+$0x8120] =	vst v4  }
0x228: {  	v49 =	vld [tilespmem:s26+$0x41A0];
	v48 =	vmul.bf16 v43, v5;
	[tilespmem:s26+$0x8130] =	vst v14  }
0x229: {  	v50 =	vld [tilespmem:s26+$0x41B0];
	v6 =	vmul.bf16 v45, v5;
	[tilespmem:s26+$0x8140] =	vst v11  }
0x22a: {  	v51 =	vld [tilespmem:s26+$0x41C0];
	v15 =	vmul.bf16 v46, v5;
	[tilespmem:s26+$0x8150] =	vst v48  }
0x22b: {  	v53 =	vld [tilespmem:s26+$0x41D0];
	v52 =	vbroadcast v10, $0xB;
	v12 =	vmul.bf16 v47, v5;
	[tilespmem:s26+$0x8170] =	vst v6  }
0x22c: {  	v55 =	vld [tilespmem:s26+$0x41F0];
	v13 =	vmul.bf16 v44, v5;
	[tilespmem:s26+$0x8180] =	vst v15  }
0x22d: {  	v56 =	vld [tilespmem:s26+$0x4200];
	v4 =	vpack.i.f32.bf16 v52, v52;
	v5 =	vmul.bf16 v49, v5;
	[tilespmem:s26+$0x8190] =	vst v12  }
0x22e: {  	v57 =	vld [tilespmem:s26+$0x4210];
	v14 =	vmul.bf16 v50, v4;
	[tilespmem:s26+$0x8160] =	vst v13  }
0x22f: {  	v54 =	vld [tilespmem:s26+$0x41E0];
	v11 =	vmul.bf16 v51, v4;
	[tilespmem:s26+$0x81A0] =	vst v5  }
0x230: {  	v59 =	vld [tilespmem:s26+$0x4220];
	v58 =	vmul.bf16 v53, v4;
	[tilespmem:s26+$0x81B0] =	vst v14  }
0x231: {  	v60 =	vld [tilespmem:s26+$0x4230];
	v6 =	vmul.bf16 v55, v4;
	[tilespmem:s26+$0x81C0] =	vst v11  }
0x232: {  	v61 =	vld [tilespmem:s26+$0x4240];
	v15 =	vmul.bf16 v56, v4;
	[tilespmem:s26+$0x81D0] =	vst v58  }
0x233: {  	v63 =	vld [tilespmem:s26+$0x4250];
	v62 =	vbroadcast v10, $0xC;
	v12 =	vmul.bf16 v57, v4;
	[tilespmem:s26+$0x81F0] =	vst v6  }
0x234: {  	v21 =	vld [tilespmem:s26+$0x4270];
	v13 =	vmul.bf16 v54, v4;
	[tilespmem:s26+$0x8200] =	vst v15  }
0x235: {  	v22 =	vld [tilespmem:s26+$0x4280];
	v5 =	vpack.i.f32.bf16 v62, v62;
	v4 =	vmul.bf16 v59, v4;
	[tilespmem:s26+$0x8210] =	vst v12  }
0x236: {  	v23 =	vld [tilespmem:s26+$0x4290];
	v14 =	vmul.bf16 v60, v5;
	[tilespmem:s26+$0x81E0] =	vst v13  }
0x237: {  	v11 =	vmul.bf16 v61, v5;
	[tilespmem:s26+$0x8220] =	vst v4  }
0x238: {  	v24 =	vmul.bf16 v63, v5;
	[tilespmem:s26+$0x8230] =	vst v14  }
0x239: {  	v20 =	vld [tilespmem:s26+$0x4260];
	v6 =	vmul.bf16 v21, v5;
	[tilespmem:s26+$0x8240] =	vst v11  }
0x23a: {  	v25 =	vld [tilespmem:s26+$0x42A0];
	v15 =	vmul.bf16 v22, v5;
	[tilespmem:s26+$0x8250] =	vst v24  }
0x23b: {  	v26 =	vld [tilespmem:s26+$0x42B0];
	v12 =	vmul.bf16 v23, v5;
	[tilespmem:s26+$0x8270] =	vst v6  }
0x23c: {  	v27 =	vld [tilespmem:s26+$0x42C0];
	v61 =	vmul.bf16 v8, v2;
	[tilespmem:s26+$0x8280] =	vst v15  }
0x23d: {  	v29 =	vld [tilespmem:s26+$0x42D0];
	v28 =	vbroadcast v10, $0xD;
	v2 =	vmul.bf16 v9, v2;
	[tilespmem:s26+$0x8290] =	vst v12  }
0x23e: {  	v31 =	vld [tilespmem:s26+$0x42F0];
	v13 =	vmul.bf16 v20, v5;
	[tilespmem:s24+$0x83F0] =	vst v61  }
0x23f: {  	v32 =	vld [tilespmem:s26+$0x4300];
	v4 =	vpack.i.f32.bf16 v28, v28;
	v5 =	vmul.bf16 v25, v5;
	[tilespmem:s24+$0x8410] =	vst v2  }
0x240: {  	v33 =	vld [tilespmem:s26+$0x4310];
	v14 =	vmul.bf16 v26, v4;
	[tilespmem:s26+$0x8260] =	vst v13  }
0x241: {  	v49 =	vld [tilespmem:s26+$0x43B0];
	v11 =	vmul.bf16 v27, v4;
	[tilespmem:s26+$0x82A0] =	vst v5  }
0x242: {  	v52 =	vld [tilespmem:s26+$0x43D0];
	v34 =	vmul.bf16 v29, v4;
	[tilespmem:s26+$0x82B0] =	vst v14  }
0x243: {  	v30 =	vld [tilespmem:s26+$0x42E0];
	v6 =	vmul.bf16 v31, v4;
	[tilespmem:s26+$0x82C0] =	vst v11  }
0x244: {  	v35 =	vld [tilespmem:s26+$0x4320];
	v39 =	vmul.bf16 v32, v4;
	[tilespmem:s26+$0x82D0] =	vst v34  }
0x245: {  	v50 =	vld [tilespmem:s26+$0x43C0];
	v12 =	vmul.bf16 v33, v4;
	[tilespmem:s26+$0x82F0] =	vst v6  }
0x246: {  	v57 =	vld [tilespmem:s26+$0x43F0];
	v55 =	vmul.bf16 v49, v7;
	[tilespmem:s26+$0x8300] =	vst v39  }
0x247: {  	v36 =	vld [tilespmem:s26+$0x4330];
	v58 =	vmul.bf16 v52, v7;
	[tilespmem:s26+$0x8310] =	vst v12  }
0x248: {  	v37 =	vld [tilespmem:s26+$0x4340];
	v13 =	vmul.bf16 v30, v4;
	[tilespmem:s26+$0x83B0] =	vst v55  }
0x249: {  	v38 =	vbroadcast v10, $0xE;
	v40 =	vld [tilespmem:s26+$0x4350];
	v4 =	vmul.bf16 v35, v4;
	[tilespmem:s26+$0x83D0] =	vst v58  }
0x24a: {  	v41 =	vld [tilespmem:s26+$0x4360];
	v56 =	vmul.bf16 v50, v7;
	[tilespmem:s26+$0x82E0] =	vst v13  }
0x24b: {  	v42 =	vld [tilespmem:s26+$0x4370];
	v5 =	vpack.i.f32.bf16 v38, v38;
	v3 =	vmul.bf16 v57, v7;
	[tilespmem:s26+$0x8320] =	vst v4  }
0x24c: {  	v44 =	vld [tilespmem:s26+$0x4380];
	v43 =	vmul.bf16 v36, v5;
	[tilespmem:s26+$0x83C0] =	vst v56  }
0x24d: {  	v45 =	vld [tilespmem:s26+$0x4390];
	v11 =	vmul.bf16 v37, v5;
	[tilespmem:s26+$0x83F0] =	vst v3  }
0x24e: {  	v47 =	vld [tilespmem:s26+$0x43A0];
	v46 =	vmul.bf16 v40, v5;
	[tilespmem:s26+$0x8330] =	vst v43  }
0x24f: {  	v54 =	vld [tilespmem:s26+$0x43E0];
	v48 =	vmul.bf16 v41, v5;
	[tilespmem:s26+$0x8340] =	vst v11  }
0x250: {  	v59 =	vld [tilespmem:s26+$0x4400];
	v6 =	vmul.bf16 v42, v5;
	[tilespmem:s26+$0x8350] =	vst v46  }
0x251: {  	v62 =	vld [tilespmem:s26+$0x4410];
	v51 =	vmul.bf16 v44, v5;
	[tilespmem:s26+$0x8360] =	vst v48  }
0x252: {  	v53 =	vmul.bf16 v45, v5;
	[tilespmem:s26+$0x8370] =	vst v6  }
0x253: {  	v5 =	vmul.bf16 v47, v5;
	[tilespmem:s26+$0x8380] =	vst v51  }
0x254: {  	v60 =	vmul.bf16 v54, v7;
	[tilespmem:s26+$0x8390] =	vst v53  }
0x255: {  	v2 =	vmul.bf16 v59, v7;
	[tilespmem:s26+$0x83A0] =	vst v5  }
0x256: {  	s22 =	sadd.s32 $0x1, s22;
	v63 =	vmul.bf16 v62, v7;
	[tilespmem:s26+$0x83E0] =	vst v60  }
0x257: {  	p1 =	sne.s32 s22, $0x28;
	[tilespmem:s26+$0x8400] =	vst v2  }
.Ltmp1:
0x258: {  	s23 =	sadd.s32 $0x1410, s23;
	[tilespmem:s26+$0x8410] =	vst v63;
	(pc) =	sbr.rel @p1 .LBB2_2-.Ltmp1, $4  }
0x259: {  	[spmem:s1] =	stream.indirect.scatter.add.bf16 [tilespmem:s20], [sflag:$0x2], $0x80, s23, s17, $0xb8;
	[tilespmem:$0x1F4B0] =	vst v63  }
0x25a: {  	_ =	swait.ge [sflag:s11], $0x4000  }
0x25b: {  	[sflag:s11] =	ssyncset.done $0x0  }
0x25c: {  	[sflag:s11] =	ssyncadd.s32 $0xFFFFC000  }
0x25d: {  	[bflag:$0x0] =	sbarrier.arrive $0xFFFF  }
0x25e: {  	[hbm:s8], [sflag:s14] =	dma.local [spmem:s15], $0x2700  }
0x25f: {  	s21 =	sadd.s32 $0x1, s21;
	_ =	swait.ge [sflag:s11], $0x2700  }
0x260: {  	p1 =	sne.s32 s21, s10;
	[sflag:s11] =	ssyncset.done $0x0  }
.Ltmp2:
0x261: {  	s22 =	simm.s32 @!p0 $0x2;
	[sflag:s11] =	ssyncadd.s32 $0xFFFFD900;
	(pc) =	sbr.rel @p1 .LBB2_1-.Ltmp2, $4  }
0x262: {  	[hbm:s9], [sflag:s14] =	dma.local @!p0 [spmem:s16], $0x100  }
0x263: {  	_ =	swait.ge @!p0 [sflag:s22], $0x100  }
0x264: {  	[sflag:s22] =	ssyncset.done @!p0 $0x0  }
0x265: {  	[sflag:s22] =	ssyncadd.s32 @!p0 $0xFFFFFF00  }
0x266: {  	_ =	sfence.sel $0x180000  }
0x267: {  	[bflag:$0x0] =	sbarrier.arrive $0xFFFF  }
0x268: {  	_ =	strace $0x90000047  }
0x269: {  	s0 =	sadd.s32 @!p0 $0x100000, s0;
	[bflag:$0x2] =	sbarrier.arrive $0xFFFF  }
0x26a: {  	[sflag:s0] =	ssyncadd.tile.s32 @!p0 $0x1;
	_ =	shalt  }
.Lfunc_end2:
_tile_overlayer_lowered:
.L_overlay_start_2:
0x26b: {  	(tag) =	ssettag $0x2  }
0x26c: {  	s0 =	rddreg [dreg:$0x0];
	s2 =	stileid.u32  }
0x26d: {  	s1 =	rddreg [dreg:$0x1];
	p0 =	sne.s32 s2, $0x0  }
0x26e: {  	s3 =	rddreg [dreg:$0x2];
	[bflag:$0x3] =	sbarrier.arrive $0xFFFF;
	s2 =	simm.s32 @!p0 $0x1C02  }
0x26f: {  	[timem:s3], [sflag:s2] =	dma.local @!p0 [hbm:s0], s1  }
0x270: {  	s0 =	simm.s32 @!p0 $0x2  }
0x271: {  	_ =	swait.ge @!p0 [sflag:s0], s1  }
0x272: {  	s1 =	ssub.s32 @!p0 $0x0, s1;
	[sflag:s0] =	ssyncset.done @!p0 $0x0  }
0x273: {  	[sflag:s0] =	ssyncadd.s32 @!p0 s1  }
0x274: {  	[bflag:$0x3] =	sbarrier.arrive $0xFFFF  }
0x275: {  	_ =	shalt  }

</sc_bundles>
